<compile_context>
chip_gen: v7x
topology: tpu7x:2x2x1
jax: 0.10.2.dev20260603
libtpu: 0.0.44.dev20260713+nightly
codegen_flags: <defaults>
</compile_context>

<pallas_src>
import jax
import jax.numpy as jnp
from jax import lax
from jax.experimental import pallas as pl
from jax.experimental.pallas import tpu as pltpu
from jax.experimental.pallas import tpu_sc as plsc

_NC = 2
_NS = 16
_NW = _NC * _NS
_L = 16
_BATCH = 16384
_DIM = 64
_BPW = _BATCH // _NW
_NG = _BPW // _L

_LOG_P = (7.0376836292e-2, -1.1514610310e-1, 1.1676998740e-1,
          -1.2420140846e-1, 1.4249322787e-1, -1.6668057665e-1,
          2.0000714765e-1, -2.4999993993e-1, 3.3333331174e-1)


def _softlog(x):
    xi = lax.bitcast_convert_type(x, jnp.int32)
    e = jnp.right_shift(xi, 23) - 127
    m = lax.bitcast_convert_type((xi & 0x007FFFFF) | 0x3F800000, jnp.float32)
    big = m > 1.4142135623730951
    m = jnp.where(big, 0.5 * m, m)
    ef = (e + jnp.where(big, 1, 0)).astype(jnp.float32)
    t = m - 1.0
    p = jnp.full(x.shape, _LOG_P[0], jnp.float32)
    for c in _LOG_P[1:]:
        p = p * t + jnp.float32(c)
    z = t * t
    y = t * z * p + ef * jnp.float32(-2.12194440e-4) - 0.5 * z
    return t + y + ef * jnp.float32(0.693359375)


def _softsqrt(x):
    xi = lax.bitcast_convert_type(x, jnp.int32)
    r = lax.bitcast_convert_type(
        jnp.int32(0x5F3759DF) - jnp.right_shift(xi, 1), jnp.float32)
    for _ in range(3):
        r = r * (1.5 - 0.5 * x * r * r)
    return x * r


def _sc_body(u_hbm, i_hbm, r_hbm, b_hbm, tbl_hbm, ubias_hbm, dum_hbm,
             out_hbm,
             u_v, i_v, r_v, bu_v, bi_v, bias_v, vuf, vif, acc_v, sem, semr):
    wid = lax.axis_index("s") * _NC + lax.axis_index("c")
    base = pl.multiple_of(wid * _BPW, 8)

    bias_v[...] = jnp.zeros((_L,), jnp.float32)
    cps = [pltpu.async_copy(u_hbm.at[pl.ds(base, _BPW)], u_v, sem),
           pltpu.async_copy(i_hbm.at[pl.ds(base, _BPW)], i_v, sem),
           pltpu.async_copy(r_hbm.at[pl.ds(base, _BPW)], r_v, sem),
           pltpu.async_copy(b_hbm, bias_v.at[pl.ds(0, 1)], sem)]
    for cp in cps:
        cp.wait()

    def fire_group(g, semg):
        u16 = u_v[pl.ds(g * _L, _L)]
        i16 = i_v[pl.ds(g * _L, _L)]
        for j in range(_L):
            prow = g * (_L // 2) + j // 2
            psl = pl.ds((j % 2) * _DIM, _DIM)
            uj = u16[j]
            ij = i16[j]
            pltpu.async_copy(
                tbl_hbm.at[jnp.right_shift(uj, 3), uj & 7],
                vuf.at[prow, psl], semg)
            pltpu.async_copy(
                tbl_hbm.at[jnp.right_shift(ij, 3), ij & 7],
                vif.at[prow, psl], semg)
        return 0

    cps = []
    for j in range(_BPW // 128):
        sl = pl.ds(j * 128, 128)
        cps.append(pltpu.async_copy(ubias_hbm.at[u_v.at[sl]], bu_v.at[sl], sem))
        cps.append(pltpu.async_copy(ubias_hbm.at[i_v.at[sl]], bi_v.at[sl], sem))

    lax.fori_loop(0, _NG, lambda g, c: fire_group(g, semr), 0)
    pltpu.make_async_copy(dum_hbm, vuf, semr).wait()
    pltpu.make_async_copy(dum_hbm, vif, semr).wait()
    for cp in cps:
        cp.wait()

    bias_s = jnp.sum(bias_v[...])
    lane = lax.iota(jnp.int32, _L)

    def compute_group(g, acc):
        def sub4(c, carry):
            squ, sqv, duv = carry
            for j in range(8):
                prow = g * (_L // 2) + c * 4 + j // 2
                pb = (j % 2) * _DIM
                au = [vuf[prow, pl.ds(pb + k * _L, _L)]
                      for k in range(_DIM // _L)]
                av = [vif[prow, pl.ds(pb + k * _L, _L)]
                      for k in range(_DIM // _L)]
                su = au[0] * au[0]
                sv = av[0] * av[0]
                dd = au[0] * av[0]
                for k in range(1, _DIM // _L):
                    su = su + au[k] * au[k]
                    sv = sv + av[k] * av[k]
                    dd = dd + au[k] * av[k]
                m = lane == (c * 8 + j)
                squ = jnp.where(m, jnp.sum(su), squ)
                sqv = jnp.where(m, jnp.sum(sv), sqv)
                duv = jnp.where(m, jnp.sum(dd), duv)
            return squ, sqv, duv

        z = jnp.zeros((_L,), jnp.float32)
        squ, sqv, duv = lax.fori_loop(0, 2, sub4, (z, z, z))

        sqd = squ + sqv - 2.0 * duv
        gs = pl.ds(g * _L, _L)
        rvec = r_v[gs]
        bu = bu_v[gs]
        bi = bi_v[gs]
        delta = 2.0 * sqd / ((1.0 - squ) * (1.0 - sqv))
        delta = jnp.maximum(delta, 1e-5)
        arg = jnp.minimum(delta * (delta + 2.0), 1e30)
        dist = _softlog(1.0 + delta + _softsqrt(arg))
        logodds = bias_s + bi + bu + dist
        p = jnp.clip(logodds, 1e-7, 1.0 - 1e-7)
        term = rvec * _softlog(p) + (1.0 - rvec) * _softlog(1.0 - p)
        return acc + term

    acc = lax.fori_loop(0, _NG, compute_group,
                        jnp.zeros((_L,), jnp.float32))
    acc_v[...] = acc
    pltpu.sync_copy(acc_v, out_hbm.at[wid])


def _tc_reduce(p_ref, o_ref):
    o_ref[...] = jnp.full((1, 1), -jnp.sum(p_ref[...]) * (1.0 / _BATCH))


def kernel(u, i, r, user_vec, user_bias, bias):
    assert u.shape == (_BATCH,) and user_vec.shape[1] == _DIM
    tbl3 = jnp.reshape(user_vec, (user_vec.shape[0] // 8, 8, _DIM))
    dummy = jnp.zeros((_BPW // 2, 2 * _DIM), jnp.float32)

    mesh = plsc.VectorSubcoreMesh(core_axis_name="c", subcore_axis_name="s")
    sc_call = pl.kernel(
        _sc_body,
        mesh=mesh,
        compiler_params=pltpu.CompilerParams(needs_layout_passes=False),
        out_type=jax.ShapeDtypeStruct((_NW, _L), jnp.float32),
        scratch_types=[
            pltpu.VMEM((_BPW,), jnp.int32),
            pltpu.VMEM((_BPW,), jnp.int32),
            pltpu.VMEM((_BPW,), jnp.float32),
            pltpu.VMEM((_BPW,), jnp.float32),
            pltpu.VMEM((_BPW,), jnp.float32),
            pltpu.VMEM((_L,), jnp.float32),
            pltpu.VMEM((_BPW // 2, 2 * _DIM), jnp.float32),
            pltpu.VMEM((_BPW // 2, 2 * _DIM), jnp.float32),
            pltpu.VMEM((_L,), jnp.float32),
            pltpu.SemaphoreType.DMA,
            pltpu.SemaphoreType.DMA,
        ],
    )
    partials = sc_call(u, i, r, bias.astype(jnp.float32), tbl3, user_bias, dummy)

    loss = pl.pallas_call(
        _tc_reduce,
        out_shape=jax.ShapeDtypeStruct((1, 1), jnp.float32),
    )(partials)
    return loss[0, 0]

# --- scband reference (transcript-rebuilt; emitter-appended) ---
"""Pipeline reference for scband-pfm-46050639348148 (READ-ONLY COPY).

The authoritative reference and input builder live on the scoring server;
editing this copy changes nothing except your own understanding.
"""

import jax, jax.numpy as jnp
import numpy as np

N_USER = 100000
N_DIM = 64
BATCH = 16384


def poincare_distance(u, v):
    # d(u,v) = arccosh(1 + 2*||u-v||^2 / ((1-||u||^2)(1-||v||^2)))
    eps = 1e-5
    squnorm = jnp.sum(u * u, axis=-1)
    sqvnorm = jnp.sum(v * v, axis=-1)
    sqdist = jnp.sum((u - v) ** 2, axis=-1)
    x = 1.0 + 2.0 * sqdist / ((1.0 - squnorm) * (1.0 - sqvnorm))
    return jnp.arccosh(jnp.clip(x, 1.0 + eps, None))


def setup_inputs(seed: int = 0) -> dict:
    key = jax.random.key(seed)
    ks = jax.random.split(key, 6)
    u = jax.random.randint(ks[0], (BATCH,), 0, N_USER, dtype=jnp.int64 if jax.config.jax_enable_x64 else jnp.int32).astype(jnp.int32)
    i = jax.random.randint(ks[1], (BATCH,), 0, N_USER, dtype=jnp.int64 if jax.config.jax_enable_x64 else jnp.int32).astype(jnp.int32)
    r = jax.random.uniform(ks[2], (BATCH,), dtype=jnp.float32)
    # BiasedEmbedding params for embed_user (embed_item is never used: forward
    # calls self.embed_user(i) for items too, faithful to the source module)
    user_vec = jax.random.normal(ks[3], (N_USER, N_DIM), dtype=jnp.float32) * 0.01
    user_bias = jax.random.normal(ks[4], (N_USER,), dtype=jnp.float32) * 0.01
    bias = jnp.ones((1,), dtype=jnp.float32)
    return {"u": u, "i": i, "r": r, "user_vec": user_vec, "user_bias": user_bias, "bias": bias}


def reference(u, i, r, user_vec, user_bias, bias):
    # BiasedEmbedding lookup: returns (bias, vector) per index
    bu = jnp.take(user_bias, u, axis=0)
    vu = jnp.take(user_vec, u, axis=0)
    # NOTE: original module uses embed_user for the item indices as well
    bi = jnp.take(user_bias, i, axis=0)
    vi = jnp.take(user_vec, i, axis=0)
    dist = poincare_distance(vu, vi)
    logodds = bias[0] + bi + bu + dist
    # torch binary_cross_entropy requires input in [0,1]; clamp for numerical
    # validity (torch also clamps log terms internally)
    p = jnp.clip(logodds, 1e-7, 1.0 - 1e-7)
    loss = -jnp.mean(r * jnp.log(p) + (1.0 - r) * jnp.log1p(-p))
    return loss

if __name__ == "__main__":
    import jax
    _d = setup_inputs()
    print(jax.jit(kernel)(*tuple(_d.values())))

</pallas_src>

<mosaic_0001>
#map = affine_map<(d0, d1) -> (0)>
#map1 = affine_map<(d0, d1) -> (0, 0, 0)>
#map2 = affine_map<(d0, d1) -> (0, 0)>
module attributes {stable_mosaic.version = 14 : i64} {
  func.func @_sc_body(%arg0: i32, %arg1: i32, %arg2: memref<16384xi32, #tpu.memory_space<hbm>>, %arg3: memref<16384xi32, #tpu.memory_space<hbm>>, %arg4: memref<16384xf32, #tpu.memory_space<hbm>>, %arg5: memref<1xf32, #tpu.memory_space<hbm>>, %arg6: memref<12500x8x64xf32, #tpu.memory_space<hbm>>, %arg7: memref<100000xf32, #tpu.memory_space<hbm>>, %arg8: memref<256x128xf32, #tpu.memory_space<hbm>>, %arg9: memref<32x16xf32, #tpu.memory_space<hbm>>, %arg10: memref<512xi32, #tpu.memory_space<vmem>>, %arg11: memref<512xi32, #tpu.memory_space<vmem>>, %arg12: memref<512xf32, #tpu.memory_space<vmem>>, %arg13: memref<512xf32, #tpu.memory_space<vmem>>, %arg14: memref<512xf32, #tpu.memory_space<vmem>>, %arg15: memref<16xf32, #tpu.memory_space<vmem>>, %arg16: memref<256x128xf32, #tpu.memory_space<vmem>>, %arg17: memref<256x128xf32, #tpu.memory_space<vmem>>, %arg18: memref<16xf32, #tpu.memory_space<vmem>>, %arg19: memref<!tpu.dma_semaphore, #tpu.memory_space<semaphore_mem>>, %arg20: memref<!tpu.dma_semaphore, #tpu.memory_space<semaphore_mem>>) attributes {dimension_semantics = [#tpu.dimension_semantics<core_parallel>, #tpu.dimension_semantics<subcore_parallel>], iteration_bounds = array<i64: 2, 16>, scalar_prefetch = 0 : i64, scratch_operands = 11 : i64, tpu.core_type = #tpu.core_type<sc_vector_subcore>, window_params = [{transform_indices = #map}, {transform_indices = #map}, {transform_indices = #map}, {transform_indices = #map}, {transform_indices = #map1}, {transform_indices = #map}, {transform_indices = #map2}, {transform_indices = #map2}]} {
    %mul3A = arith.constant 2 : i32
    %mul3A_0 = arith.muli %arg1, %mul3A : i32
    %add3A = arith.addi %mul3A_0, %arg0 : i32
    %mul3A_1 = arith.constant 512 : i32
    %mul3A_2 = arith.muli %add3A, %mul3A_1 : i32
    %multiple_of3A = tpu.assume_multiple %mul3A_2, 8 : i32
    %broadcast_in_dim3A = arith.constant 0.000000e+00 : f32
    %broadcast_in_dim3A_3 = vector.broadcast %broadcast_in_dim3A : f32 to vector<16xf32>
    %swap3A = arith.constant 0 : index
    %swap3A_4 = tpu.vector_load %arg15[%swap3A] {strides = array<i32>} : memref<16xf32, #tpu.memory_space<vmem>>, vector<16xf32>,
    tpu.vector_store %arg15[%swap3A], %broadcast_in_dim3A_3 {strides = array<i32>} : memref<16xf32, #tpu.memory_space<vmem>>, vector<16xf32>,
    %dma_start3A = tpu.memref_slice %arg2[%multiple_of3A] : memref<16384xi32, #tpu.memory_space<hbm>> -> memref<512xi32, #tpu.memory_space<hbm>>
    %dma_start3A_5 = tpu.memref_slice %arg2[%multiple_of3A] : memref<16384xi32, #tpu.memory_space<hbm>> -> memref<512xi32, #tpu.memory_space<hbm>>
    tpu.enqueue_dma source(%dma_start3A_5 : memref<512xi32, #tpu.memory_space<hbm>>) target(%arg10 : memref<512xi32, #tpu.memory_space<vmem>>) target_semaphore(%arg19 : memref<!tpu.dma_semaphore, #tpu.memory_space<semaphore_mem>>)
    %dma_start3A_6 = tpu.memref_slice %arg3[%multiple_of3A] : memref<16384xi32, #tpu.memory_space<hbm>> -> memref<512xi32, #tpu.memory_space<hbm>>
    %dma_start3A_7 = tpu.memref_slice %arg3[%multiple_of3A] : memref<16384xi32, #tpu.memory_space<hbm>> -> memref<512xi32, #tpu.memory_space<hbm>>
    tpu.enqueue_dma source(%dma_start3A_7 : memref<512xi32, #tpu.memory_space<hbm>>) target(%arg11 : memref<512xi32, #tpu.memory_space<vmem>>) target_semaphore(%arg19 : memref<!tpu.dma_semaphore, #tpu.memory_space<semaphore_mem>>)
    %dma_start3A_8 = tpu.memref_slice %arg4[%multiple_of3A] : memref<16384xf32, #tpu.memory_space<hbm>> -> memref<512xf32, #tpu.memory_space<hbm>>
    %dma_start3A_9 = tpu.memref_slice %arg4[%multiple_of3A] : memref<16384xf32, #tpu.memory_space<hbm>> -> memref<512xf32, #tpu.memory_space<hbm>>
    tpu.enqueue_dma source(%dma_start3A_9 : memref<512xf32, #tpu.memory_space<hbm>>) target(%arg12 : memref<512xf32, #tpu.memory_space<vmem>>) target_semaphore(%arg19 : memref<!tpu.dma_semaphore, #tpu.memory_space<semaphore_mem>>)
    %dma_start3A_10 = arith.constant 0 : i32
    %dma_start3A_11 = tpu.memref_slice %arg15[%dma_start3A_10] : memref<16xf32, #tpu.memory_space<vmem>> -> memref<1xf32, #tpu.memory_space<vmem>>
    %dma_start3A_12 = arith.constant 0 : i32
    %dma_start3A_13 = tpu.memref_slice %arg15[%dma_start3A_12] : memref<16xf32, #tpu.memory_space<vmem>> -> memref<1xf32, #tpu.memory_space<vmem>>
    tpu.enqueue_dma source(%arg5 : memref<1xf32, #tpu.memory_space<hbm>>) target(%dma_start3A_13 : memref<1xf32, #tpu.memory_space<vmem>>) target_semaphore(%arg19 : memref<!tpu.dma_semaphore, #tpu.memory_space<semaphore_mem>>)
    %dma_wait3A = tpu.memref_slice %arg2[%multiple_of3A] : memref<16384xi32, #tpu.memory_space<hbm>> -> memref<512xi32, #tpu.memory_space<hbm>>
    %dma_wait3A_14 = tpu.memref_slice %arg2[%multiple_of3A] : memref<16384xi32, #tpu.memory_space<hbm>> -> memref<512xi32, #tpu.memory_space<hbm>>
    tpu.wait_dma2 semaphore(%arg19 : memref<!tpu.dma_semaphore, #tpu.memory_space<semaphore_mem>>) src(%dma_wait3A_14 : memref<512xi32, #tpu.memory_space<hbm>>) dst(%arg10 : memref<512xi32, #tpu.memory_space<vmem>>)
    %dma_wait3A_15 = tpu.memref_slice %arg3[%multiple_of3A] : memref<16384xi32, #tpu.memory_space<hbm>> -> memref<512xi32, #tpu.memory_space<hbm>>
    %dma_wait3A_16 = tpu.memref_slice %arg3[%multiple_of3A] : memref<16384xi32, #tpu.memory_space<hbm>> -> memref<512xi32, #tpu.memory_space<hbm>>
    tpu.wait_dma2 semaphore(%arg19 : memref<!tpu.dma_semaphore, #tpu.memory_space<semaphore_mem>>) src(%dma_wait3A_16 : memref<512xi32, #tpu.memory_space<hbm>>) dst(%arg11 : memref<512xi32, #tpu.memory_space<vmem>>)
    %dma_wait3A_17 = tpu.memref_slice %arg4[%multiple_of3A] : memref<16384xf32, #tpu.memory_space<hbm>> -> memref<512xf32, #tpu.memory_space<hbm>>
    %dma_wait3A_18 = tpu.memref_slice %arg4[%multiple_of3A] : memref<16384xf32, #tpu.memory_space<hbm>> -> memref<512xf32, #tpu.memory_space<hbm>>
    tpu.wait_dma2 semaphore(%arg19 : memref<!tpu.dma_semaphore, #tpu.memory_space<semaphore_mem>>) src(%dma_wait3A_18 : memref<512xf32, #tpu.memory_space<hbm>>) dst(%arg12 : memref<512xf32, #tpu.memory_space<vmem>>)
    %dma_wait3A_19 = arith.constant 0 : i32
    %dma_wait3A_20 = tpu.memref_slice %arg15[%dma_wait3A_19] : memref<16xf32, #tpu.memory_space<vmem>> -> memref<1xf32, #tpu.memory_space<vmem>>
    %dma_wait3A_21 = arith.constant 0 : i32
    %dma_wait3A_22 = tpu.memref_slice %arg15[%dma_wait3A_21] : memref<16xf32, #tpu.memory_space<vmem>> -> memref<1xf32, #tpu.memory_space<vmem>>
    tpu.wait_dma2 semaphore(%arg19 : memref<!tpu.dma_semaphore, #tpu.memory_space<semaphore_mem>>) src(%arg5 : memref<1xf32, #tpu.memory_space<hbm>>) dst(%dma_wait3A_22 : memref<1xf32, #tpu.memory_space<vmem>>)
    %dma_start3A_23 = arith.constant 0 : i32
    %dma_start3A_24 = tpu.memref_slice %arg13[%dma_start3A_23] : memref<512xf32, #tpu.memory_space<vmem>> -> memref<128xf32, #tpu.memory_space<vmem>>
    %dma_start3A_25 = arith.constant 0 : i32
    %dma_start3A_26 = tpu.memref_slice %arg10[%dma_start3A_25] : memref<512xi32, #tpu.memory_space<vmem>> -> memref<128xi32, #tpu.memory_space<vmem>>
    %dma_start3A_27 = arith.constant 0 : i32
    %dma_start3A_28 = tpu.memref_slice %arg7[%dma_start3A_27] : memref<100000xf32, #tpu.memory_space<hbm>> -> memref<100000xf32, #tpu.memory_space<hbm>>
    tpu.enqueue_indirect_dma source(%dma_start3A_28 : memref<100000xf32, #tpu.memory_space<hbm>>) target(%dma_start3A_24 : memref<128xf32, #tpu.memory_space<vmem>>) offsets(%dma_start3A_26 : memref<128xi32, #tpu.memory_space<vmem>>) semaphore(%arg19 : memref<!tpu.dma_semaphore, #tpu.memory_space<semaphore_mem>>)
    %dma_start3A_29 = arith.constant 0 : i32
    %dma_start3A_30 = tpu.memref_slice %arg14[%dma_start3A_29] : memref<512xf32, #tpu.memory_space<vmem>> -> memref<128xf32, #tpu.memory_space<vmem>>
    %dma_start3A_31 = arith.constant 0 : i32
    %dma_start3A_32 = tpu.memref_slice %arg11[%dma_start3A_31] : memref<512xi32, #tpu.memory_space<vmem>> -> memref<128xi32, #tpu.memory_space<vmem>>
    %dma_start3A_33 = arith.constant 0 : i32
    %dma_start3A_34 = tpu.memref_slice %arg7[%dma_start3A_33] : memref<100000xf32, #tpu.memory_space<hbm>> -> memref<100000xf32, #tpu.memory_space<hbm>>
    tpu.enqueue_indirect_dma source(%dma_start3A_34 : memref<100000xf32, #tpu.memory_space<hbm>>) target(%dma_start3A_30 : memref<128xf32, #tpu.memory_space<vmem>>) offsets(%dma_start3A_32 : memref<128xi32, #tpu.memory_space<vmem>>) semaphore(%arg19 : memref<!tpu.dma_semaphore, #tpu.memory_space<semaphore_mem>>)
    %dma_start3A_35 = arith.constant 128 : i32
    %dma_start3A_36 = tpu.memref_slice %arg13[%dma_start3A_35] : memref<512xf32, #tpu.memory_space<vmem>> -> memref<128xf32, #tpu.memory_space<vmem>>
    %dma_start3A_37 = arith.constant 128 : i32
    %dma_start3A_38 = tpu.memref_slice %arg10[%dma_start3A_37] : memref<512xi32, #tpu.memory_space<vmem>> -> memref<128xi32, #tpu.memory_space<vmem>>
    %dma_start3A_39 = arith.constant 0 : i32
    %dma_start3A_40 = tpu.memref_slice %arg7[%dma_start3A_39] : memref<100000xf32, #tpu.memory_space<hbm>> -> memref<100000xf32, #tpu.memory_space<hbm>>
    tpu.enqueue_indirect_dma source(%dma_start3A_40 : memref<100000xf32, #tpu.memory_space<hbm>>) target(%dma_start3A_36 : memref<128xf32, #tpu.memory_space<vmem>>) offsets(%dma_start3A_38 : memref<128xi32, #tpu.memory_space<vmem>>) semaphore(%arg19 : memref<!tpu.dma_semaphore, #tpu.memory_space<semaphore_mem>>)
    %dma_start3A_41 = arith.constant 128 : i32
    %dma_start3A_42 = tpu.memref_slice %arg14[%dma_start3A_41] : memref<512xf32, #tpu.memory_space<vmem>> -> memref<128xf32, #tpu.memory_space<vmem>>
    %dma_start3A_43 = arith.constant 128 : i32
    %dma_start3A_44 = tpu.memref_slice %arg11[%dma_start3A_43] : memref<512xi32, #tpu.memory_space<vmem>> -> memref<128xi32, #tpu.memory_space<vmem>>
    %dma_start3A_45 = arith.constant 0 : i32
    %dma_start3A_46 = tpu.memref_slice %arg7[%dma_start3A_45] : memref<100000xf32, #tpu.memory_space<hbm>> -> memref<100000xf32, #tpu.memory_space<hbm>>
    tpu.enqueue_indirect_dma source(%dma_start3A_46 : memref<100000xf32, #tpu.memory_space<hbm>>) target(%dma_start3A_42 : memref<128xf32, #tpu.memory_space<vmem>>) offsets(%dma_start3A_44 : memref<128xi32, #tpu.memory_space<vmem>>) semaphore(%arg19 : memref<!tpu.dma_semaphore, #tpu.memory_space<semaphore_mem>>)
    %dma_start3A_47 = arith.constant 256 : i32
    %dma_start3A_48 = tpu.memref_slice %arg13[%dma_start3A_47] : memref<512xf32, #tpu.memory_space<vmem>> -> memref<128xf32, #tpu.memory_space<vmem>>
    %dma_start3A_49 = arith.constant 256 : i32
    %dma_start3A_50 = tpu.memref_slice %arg10[%dma_start3A_49] : memref<512xi32, #tpu.memory_space<vmem>> -> memref<128xi32, #tpu.memory_space<vmem>>
    %dma_start3A_51 = arith.constant 0 : i32
    %dma_start3A_52 = tpu.memref_slice %arg7[%dma_start3A_51] : memref<100000xf32, #tpu.memory_space<hbm>> -> memref<100000xf32, #tpu.memory_space<hbm>>
    tpu.enqueue_indirect_dma source(%dma_start3A_52 : memref<100000xf32, #tpu.memory_space<hbm>>) target(%dma_start3A_48 : memref<128xf32, #tpu.memory_space<vmem>>) offsets(%dma_start3A_50 : memref<128xi32, #tpu.memory_space<vmem>>) semaphore(%arg19 : memref<!tpu.dma_semaphore, #tpu.memory_space<semaphore_mem>>)
    %dma_start3A_53 = arith.constant 256 : i32
    %dma_start3A_54 = tpu.memref_slice %arg14[%dma_start3A_53] : memref<512xf32, #tpu.memory_space<vmem>> -> memref<128xf32, #tpu.memory_space<vmem>>
    %dma_start3A_55 = arith.constant 256 : i32
    %dma_start3A_56 = tpu.memref_slice %arg11[%dma_start3A_55] : memref<512xi32, #tpu.memory_space<vmem>> -> memref<128xi32, #tpu.memory_space<vmem>>
    %dma_start3A_57 = arith.constant 0 : i32
    %dma_start3A_58 = tpu.memref_slice %arg7[%dma_start3A_57] : memref<100000xf32, #tpu.memory_space<hbm>> -> memref<100000xf32, #tpu.memory_space<hbm>>
    tpu.enqueue_indirect_dma source(%dma_start3A_58 : memref<100000xf32, #tpu.memory_space<hbm>>) target(%dma_start3A_54 : memref<128xf32, #tpu.memory_space<vmem>>) offsets(%dma_start3A_56 : memref<128xi32, #tpu.memory_space<vmem>>) semaphore(%arg19 : memref<!tpu.dma_semaphore, #tpu.memory_space<semaphore_mem>>)
    %dma_start3A_59 = arith.constant 384 : i32
    %dma_start3A_60 = tpu.memref_slice %arg13[%dma_start3A_59] : memref<512xf32, #tpu.memory_space<vmem>> -> memref<128xf32, #tpu.memory_space<vmem>>
    %dma_start3A_61 = arith.constant 384 : i32
    %dma_start3A_62 = tpu.memref_slice %arg10[%dma_start3A_61] : memref<512xi32, #tpu.memory_space<vmem>> -> memref<128xi32, #tpu.memory_space<vmem>>
    %dma_start3A_63 = arith.constant 0 : i32
    %dma_start3A_64 = tpu.memref_slice %arg7[%dma_start3A_63] : memref<100000xf32, #tpu.memory_space<hbm>> -> memref<100000xf32, #tpu.memory_space<hbm>>
    tpu.enqueue_indirect_dma source(%dma_start3A_64 : memref<100000xf32, #tpu.memory_space<hbm>>) target(%dma_start3A_60 : memref<128xf32, #tpu.memory_space<vmem>>) offsets(%dma_start3A_62 : memref<128xi32, #tpu.memory_space<vmem>>) semaphore(%arg19 : memref<!tpu.dma_semaphore, #tpu.memory_space<semaphore_mem>>)
    %dma_start3A_65 = arith.constant 384 : i32
    %dma_start3A_66 = tpu.memref_slice %arg14[%dma_start3A_65] : memref<512xf32, #tpu.memory_space<vmem>> -> memref<128xf32, #tpu.memory_space<vmem>>
    %dma_start3A_67 = arith.constant 384 : i32
    %dma_start3A_68 = tpu.memref_slice %arg11[%dma_start3A_67] : memref<512xi32, #tpu.memory_space<vmem>> -> memref<128xi32, #tpu.memory_space<vmem>>
    %dma_start3A_69 = arith.constant 0 : i32
    %dma_start3A_70 = tpu.memref_slice %arg7[%dma_start3A_69] : memref<100000xf32, #tpu.memory_space<hbm>> -> memref<100000xf32, #tpu.memory_space<hbm>>
    tpu.enqueue_indirect_dma source(%dma_start3A_70 : memref<100000xf32, #tpu.memory_space<hbm>>) target(%dma_start3A_66 : memref<128xf32, #tpu.memory_space<vmem>>) offsets(%dma_start3A_68 : memref<128xi32, #tpu.memory_space<vmem>>) semaphore(%arg19 : memref<!tpu.dma_semaphore, #tpu.memory_space<semaphore_mem>>)
    %scan3A = arith.constant 0 : i32
    %scan3A_71 = arith.constant 0 : i32
    %scan3A_72 = arith.constant 32 : i32
    %scan3A_73 = arith.addi %scan3A_71, %scan3A_72 : i32
    %scan3A_74 = arith.constant 1 : i32
    %scan3A_75 = scf.for %scan3A_139 = %scan3A_71 to %scan3A_73 step %scan3A_74 iter_args(%scan3A_140 = %scan3A) -> (i32)  : i32 {
      %mul3A_141 = arith.constant 16 : i32
      %mul3A_142 = arith.muli %scan3A_139, %mul3A_141 : i32
      %get3A_143 = arith.index_cast %mul3A_142 : i32 to index
      %get3A_144 = tpu.vector_load %arg10[%get3A_143] {strides = array<i32>} : memref<512xi32, #tpu.memory_space<vmem>>, vector<16xi32>,
      %mul3A_145 = arith.constant 16 : i32
      %mul3A_146 = arith.muli %scan3A_139, %mul3A_145 : i32
      %get3A_147 = arith.index_cast %mul3A_146 : i32 to index
      %get3A_148 = tpu.vector_load %arg11[%get3A_147] {strides = array<i32>} : memref<512xi32, #tpu.memory_space<vmem>>, vector<16xi32>,
      %mul3A_149 = arith.constant 8 : i32
      %mul3A_150 = arith.muli %scan3A_139, %mul3A_149 : i32
      %add3A_151 = arith.constant 0 : i32
      %add3A_152 = arith.addi %mul3A_150, %add3A_151 : i32
      %slice3A = vector.extract_strided_slice %get3A_144 {offsets = [0], sizes = [1], strides = [1]} : vector<16xi32> to vector<1xi32>
      %squeeze3A = vector.extract %slice3A[0] : i32 from vector<1xi32>
      %slice3A_153 = vector.extract_strided_slice %get3A_148 {offsets = [0], sizes = [1], strides = [1]} : vector<16xi32> to vector<1xi32>
      %squeeze3A_154 = vector.extract %slice3A_153[0] : i32 from vector<1xi32>
      %shift_right_arithmetic3A = arith.constant 3 : i32
      %shift_right_arithmetic3A_155 = arith.shrsi %squeeze3A, %shift_right_arithmetic3A : i32
      %and3A = arith.constant 7 : i32
      %and3A_156 = arith.andi %squeeze3A, %and3A : i32
      %dma_start3A_157 = arith.constant 0 : i32
      %dma_start3A_158 = tpu.memref_slice %arg16[%add3A_152, %dma_start3A_157] : memref<256x128xf32, #tpu.memory_space<vmem>> -> memref<1x64xf32, #tpu.memory_space<vmem>>
      %dma_start3A_159 = tpu.memref_squeeze %dma_start3A_158 : memref<1x64xf32, #tpu.memory_space<vmem>> -> memref<64xf32, #tpu.memory_space<vmem>>
      %dma_start3A_160 = arith.constant 0 : i32
      %dma_start3A_161 = tpu.memref_slice %arg6[%shift_right_arithmetic3A_155, %and3A_156, %dma_start3A_160] : memref<12500x8x64xf32, #tpu.memory_space<hbm>> -> memref<1x1x64xf32, #tpu.memory_space<hbm>>
      %dma_start3A_162 = tpu.memref_squeeze %dma_start3A_161 : memref<1x1x64xf32, #tpu.memory_space<hbm>> -> memref<64xf32, #tpu.memory_space<hbm>>
      %dma_start3A_163 = arith.constant 0 : i32
      %dma_start3A_164 = tpu.memref_slice %arg16[%add3A_152, %dma_start3A_163] : memref<256x128xf32, #tpu.memory_space<vmem>> -> memref<1x64xf32, #tpu.memory_space<vmem>>
      %dma_start3A_165 = tpu.memref_squeeze %dma_start3A_164 : memref<1x64xf32, #tpu.memory_space<vmem>> -> memref<64xf32, #tpu.memory_space<vmem>>
      %dma_start3A_166 = arith.constant 0 : i32
      %dma_start3A_167 = tpu.memref_slice %arg6[%shift_right_arithmetic3A_155, %and3A_156, %dma_start3A_166] : memref<12500x8x64xf32, #tpu.memory_space<hbm>> -> memref<1x1x64xf32, #tpu.memory_space<hbm>>
      %dma_start3A_168 = tpu.memref_squeeze %dma_start3A_167 : memref<1x1x64xf32, #tpu.memory_space<hbm>> -> memref<64xf32, #tpu.memory_space<hbm>>
      tpu.enqueue_dma source(%dma_start3A_168 : memref<64xf32, #tpu.memory_space<hbm>>) target(%dma_start3A_165 : memref<64xf32, #tpu.memory_space<vmem>>) target_semaphore(%arg20 : memref<!tpu.dma_semaphore, #tpu.memory_space<semaphore_mem>>)
      %shift_right_arithmetic3A_169 = arith.constant 3 : i32
      %shift_right_arithmetic3A_170 = arith.shrsi %squeeze3A_154, %shift_right_arithmetic3A_169 : i32
      %and3A_171 = arith.constant 7 : i32
      %and3A_172 = arith.andi %squeeze3A_154, %and3A_171 : i32
      %dma_start3A_173 = arith.constant 0 : i32
      %dma_start3A_174 = tpu.memref_slice %arg17[%add3A_152, %dma_start3A_173] : memref<256x128xf32, #tpu.memory_space<vmem>> -> memref<1x64xf32, #tpu.memory_space<vmem>>
      %dma_start3A_175 = tpu.memref_squeeze %dma_start3A_174 : memref<1x64xf32, #tpu.memory_space<vmem>> -> memref<64xf32, #tpu.memory_space<vmem>>
      %dma_start3A_176 = arith.constant 0 : i32
      %dma_start3A_177 = tpu.memref_slice %arg6[%shift_right_arithmetic3A_170, %and3A_172, %dma_start3A_176] : memref<12500x8x64xf32, #tpu.memory_space<hbm>> -> memref<1x1x64xf32, #tpu.memory_space<hbm>>
      %dma_start3A_178 = tpu.memref_squeeze %dma_start3A_177 : memref<1x1x64xf32, #tpu.memory_space<hbm>> -> memref<64xf32, #tpu.memory_space<hbm>>
      %dma_start3A_179 = arith.constant 0 : i32
      %dma_start3A_180 = tpu.memref_slice %arg17[%add3A_152, %dma_start3A_179] : memref<256x128xf32, #tpu.memory_space<vmem>> -> memref<1x64xf32, #tpu.memory_space<vmem>>
      %dma_start3A_181 = tpu.memref_squeeze %dma_start3A_180 : memref<1x64xf32, #tpu.memory_space<vmem>> -> memref<64xf32, #tpu.memory_space<vmem>>
      %dma_start3A_182 = arith.constant 0 : i32
      %dma_start3A_183 = tpu.memref_slice %arg6[%shift_right_arithmetic3A_170, %and3A_172, %dma_start3A_182] : memref<12500x8x64xf32, #tpu.memory_space<hbm>> -> memref<1x1x64xf32, #tpu.memory_space<hbm>>
      %dma_start3A_184 = tpu.memref_squeeze %dma_start3A_183 : memref<1x1x64xf32, #tpu.memory_space<hbm>> -> memref<64xf32, #tpu.memory_space<hbm>>
      tpu.enqueue_dma source(%dma_start3A_184 : memref<64xf32, #tpu.memory_space<hbm>>) target(%dma_start3A_181 : memref<64xf32, #tpu.memory_space<vmem>>) target_semaphore(%arg20 : memref<!tpu.dma_semaphore, #tpu.memory_space<semaphore_mem>>)
      %mul3A_185 = arith.constant 8 : i32
      %mul3A_186 = arith.muli %scan3A_139, %mul3A_185 : i32
      %add3A_187 = arith.constant 0 : i32
      %add3A_188 = arith.addi %mul3A_186, %add3A_187 : i32
      %slice3A_189 = vector.extract_strided_slice %get3A_144 {offsets = [1], sizes = [1], strides = [1]} : vector<16xi32> to vector<1xi32>
      %squeeze3A_190 = vector.extract %slice3A_189[0] : i32 from vector<1xi32>
      %slice3A_191 = vector.extract_strided_slice %get3A_148 {offsets = [1], sizes = [1], strides = [1]} : vector<16xi32> to vector<1xi32>
      %squeeze3A_192 = vector.extract %slice3A_191[0] : i32 from vector<1xi32>
      %shift_right_arithmetic3A_193 = arith.constant 3 : i32
      %shift_right_arithmetic3A_194 = arith.shrsi %squeeze3A_190, %shift_right_arithmetic3A_193 : i32
      %and3A_195 = arith.constant 7 : i32
      %and3A_196 = arith.andi %squeeze3A_190, %and3A_195 : i32
      %dma_start3A_197 = arith.constant 64 : i32
      %dma_start3A_198 = tpu.memref_slice %arg16[%add3A_188, %dma_start3A_197] : memref<256x128xf32, #tpu.memory_space<vmem>> -> memref<1x64xf32, #tpu.memory_space<vmem>>
      %dma_start3A_199 = tpu.memref_squeeze %dma_start3A_198 : memref<1x64xf32, #tpu.memory_space<vmem>> -> memref<64xf32, #tpu.memory_space<vmem>>
      %dma_start3A_200 = arith.constant 0 : i32
      %dma_start3A_201 = tpu.memref_slice %arg6[%shift_right_arithmetic3A_194, %and3A_196, %dma_start3A_200] : memref<12500x8x64xf32, #tpu.memory_space<hbm>> -> memref<1x1x64xf32, #tpu.memory_space<hbm>>
      %dma_start3A_202 = tpu.memref_squeeze %dma_start3A_201 : memref<1x1x64xf32, #tpu.memory_space<hbm>> -> memref<64xf32, #tpu.memory_space<hbm>>
      %dma_start3A_203 = arith.constant 64 : i32
      %dma_start3A_204 = tpu.memref_slice %arg16[%add3A_188, %dma_start3A_203] : memref<256x128xf32, #tpu.memory_space<vmem>> -> memref<1x64xf32, #tpu.memory_space<vmem>>
      %dma_start3A_205 = tpu.memref_squeeze %dma_start3A_204 : memref<1x64xf32, #tpu.memory_space<vmem>> -> memref<64xf32, #tpu.memory_space<vmem>>
      %dma_start3A_206 = arith.constant 0 : i32
      %dma_start3A_207 = tpu.memref_slice %arg6[%shift_right_arithmetic3A_194, %and3A_196, %dma_start3A_206] : memref<12500x8x64xf32, #tpu.memory_space<hbm>> -> memref<1x1x64xf32, #tpu.memory_space<hbm>>
      %dma_start3A_208 = tpu.memref_squeeze %dma_start3A_207 : memref<1x1x64xf32, #tpu.memory_space<hbm>> -> memref<64xf32, #tpu.memory_space<hbm>>
      tpu.enqueue_dma source(%dma_start3A_208 : memref<64xf32, #tpu.memory_space<hbm>>) target(%dma_start3A_205 : memref<64xf32, #tpu.memory_space<vmem>>) target_semaphore(%arg20 : memref<!tpu.dma_semaphore, #tpu.memory_space<semaphore_mem>>)
      %shift_right_arithmetic3A_209 = arith.constant 3 : i32
      %shift_right_arithmetic3A_210 = arith.shrsi %squeeze3A_192, %shift_right_arithmetic3A_209 : i32
      %and3A_211 = arith.constant 7 : i32
      %and3A_212 = arith.andi %squeeze3A_192, %and3A_211 : i32
      %dma_start3A_213 = arith.constant 64 : i32
      %dma_start3A_214 = tpu.memref_slice %arg17[%add3A_188, %dma_start3A_213] : memref<256x128xf32, #tpu.memory_space<vmem>> -> memref<1x64xf32, #tpu.memory_space<vmem>>
      %dma_start3A_215 = tpu.memref_squeeze %dma_start3A_214 : memref<1x64xf32, #tpu.memory_space<vmem>> -> memref<64xf32, #tpu.memory_space<vmem>>
      %dma_start3A_216 = arith.constant 0 : i32
      %dma_start3A_217 = tpu.memref_slice %arg6[%shift_right_arithmetic3A_210, %and3A_212, %dma_start3A_216] : memref<12500x8x64xf32, #tpu.memory_space<hbm>> -> memref<1x1x64xf32, #tpu.memory_space<hbm>>
      %dma_start3A_218 = tpu.memref_squeeze %dma_start3A_217 : memref<1x1x64xf32, #tpu.memory_space<hbm>> -> memref<64xf32, #tpu.memory_space<hbm>>
      %dma_start3A_219 = arith.constant 64 : i32
      %dma_start3A_220 = tpu.memref_slice %arg17[%add3A_188, %dma_start3A_219] : memref<256x128xf32, #tpu.memory_space<vmem>> -> memref<1x64xf32, #tpu.memory_space<vmem>>
      %dma_start3A_221 = tpu.memref_squeeze %dma_start3A_220 : memref<1x64xf32, #tpu.memory_space<vmem>> -> memref<64xf32, #tpu.memory_space<vmem>>
      %dma_start3A_222 = arith.constant 0 : i32
      %dma_start3A_223 = tpu.memref_slice %arg6[%shift_right_arithmetic3A_210, %and3A_212, %dma_start3A_222] : memref<12500x8x64xf32, #tpu.memory_space<hbm>> -> memref<1x1x64xf32, #tpu.memory_space<hbm>>
      %dma_start3A_224 = tpu.memref_squeeze %dma_start3A_223 : memref<1x1x64xf32, #tpu.memory_space<hbm>> -> memref<64xf32, #tpu.memory_space<hbm>>
      tpu.enqueue_dma source(%dma_start3A_224 : memref<64xf32, #tpu.memory_space<hbm>>) target(%dma_start3A_221 : memref<64xf32, #tpu.memory_space<vmem>>) target_semaphore(%arg20 : memref<!tpu.dma_semaphore, #tpu.memory_space<semaphore_mem>>)
      %mul3A_225 = arith.constant 8 : i32
      %mul3A_226 = arith.muli %scan3A_139, %mul3A_225 : i32
      %add3A_227 = arith.constant 1 : i32
      %add3A_228 = arith.addi %mul3A_226, %add3A_227 : i32
      %slice3A_229 = vector.extract_strided_slice %get3A_144 {offsets = [2], sizes = [1], strides = [1]} : vector<16xi32> to vector<1xi32>
      %squeeze3A_230 = vector.extract %slice3A_229[0] : i32 from vector<1xi32>
      %slice3A_231 = vector.extract_strided_slice %get3A_148 {offsets = [2], sizes = [1], strides = [1]} : vector<16xi32> to vector<1xi32>
      %squeeze3A_232 = vector.extract %slice3A_231[0] : i32 from vector<1xi32>
      %shift_right_arithmetic3A_233 = arith.constant 3 : i32
      %shift_right_arithmetic3A_234 = arith.shrsi %squeeze3A_230, %shift_right_arithmetic3A_233 : i32
      %and3A_235 = arith.constant 7 : i32
      %and3A_236 = arith.andi %squeeze3A_230, %and3A_235 : i32
      %dma_start3A_237 = arith.constant 0 : i32
      %dma_start3A_238 = tpu.memref_slice %arg16[%add3A_228, %dma_start3A_237] : memref<256x128xf32, #tpu.memory_space<vmem>> -> memref<1x64xf32, #tpu.memory_space<vmem>>
      %dma_start3A_239 = tpu.memref_squeeze %dma_start3A_238 : memref<1x64xf32, #tpu.memory_space<vmem>> -> memref<64xf32, #tpu.memory_space<vmem>>
      %dma_start3A_240 = arith.constant 0 : i32
      %dma_start3A_241 = tpu.memref_slice %arg6[%shift_right_arithmetic3A_234, %and3A_236, %dma_start3A_240] : memref<12500x8x64xf32, #tpu.memory_space<hbm>> -> memref<1x1x64xf32, #tpu.memory_space<hbm>>
      %dma_start3A_242 = tpu.memref_squeeze %dma_start3A_241 : memref<1x1x64xf32, #tpu.memory_space<hbm>> -> memref<64xf32, #tpu.memory_space<hbm>>
      %dma_start3A_243 = arith.constant 0 : i32
      %dma_start3A_244 = tpu.memref_slice %arg16[%add3A_228, %dma_start3A_243] : memref<256x128xf32, #tpu.memory_space<vmem>> -> memref<1x64xf32, #tpu.memory_space<vmem>>
      %dma_start3A_245 = tpu.memref_squeeze %dma_start3A_244 : memref<1x64xf32, #tpu.memory_space<vmem>> -> memref<64xf32, #tpu.memory_space<vmem>>
      %dma_start3A_246 = arith.constant 0 : i32
      %dma_start3A_247 = tpu.memref_slice %arg6[%shift_right_arithmetic3A_234, %and3A_236, %dma_start3A_246] : memref<12500x8x64xf32, #tpu.memory_space<hbm>> -> memref<1x1x64xf32, #tpu.memory_space<hbm>>
      %dma_start3A_248 = tpu.memref_squeeze %dma_start3A_247 : memref<1x1x64xf32, #tpu.memory_space<hbm>> -> memref<64xf32, #tpu.memory_space<hbm>>
      tpu.enqueue_dma source(%dma_start3A_248 : memref<64xf32, #tpu.memory_space<hbm>>) target(%dma_start3A_245 : memref<64xf32, #tpu.memory_space<vmem>>) target_semaphore(%arg20 : memref<!tpu.dma_semaphore, #tpu.memory_space<semaphore_mem>>)
      %shift_right_arithmetic3A_249 = arith.constant 3 : i32
      %shift_right_arithmetic3A_250 = arith.shrsi %squeeze3A_232, %shift_right_arithmetic3A_249 : i32
      %and3A_251 = arith.constant 7 : i32
      %and3A_252 = arith.andi %squeeze3A_232, %and3A_251 : i32
      %dma_start3A_253 = arith.constant 0 : i32
      %dma_start3A_254 = tpu.memref_slice %arg17[%add3A_228, %dma_start3A_253] : memref<256x128xf32, #tpu.memory_space<vmem>> -> memref<1x64xf32, #tpu.memory_space<vmem>>
      %dma_start3A_255 = tpu.memref_squeeze %dma_start3A_254 : memref<1x64xf32, #tpu.memory_space<vmem>> -> memref<64xf32, #tpu.memory_space<vmem>>
      %dma_start3A_256 = arith.constant 0 : i32
      %dma_start3A_257 = tpu.memref_slice %arg6[%shift_right_arithmetic3A_250, %and3A_252, %dma_start3A_256] : memref<12500x8x64xf32, #tpu.memory_space<hbm>> -> memref<1x1x64xf32, #tpu.memory_space<hbm>>
      %dma_start3A_258 = tpu.memref_squeeze %dma_start3A_257 : memref<1x1x64xf32, #tpu.memory_space<hbm>> -> memref<64xf32, #tpu.memory_space<hbm>>
      %dma_start3A_259 = arith.constant 0 : i32
      %dma_start3A_260 = tpu.memref_slice %arg17[%add3A_228, %dma_start3A_259] : memref<256x128xf32, #tpu.memory_space<vmem>> -> memref<1x64xf32, #tpu.memory_space<vmem>>
      %dma_start3A_261 = tpu.memref_squeeze %dma_start3A_260 : memref<1x64xf32, #tpu.memory_space<vmem>> -> memref<64xf32, #tpu.memory_space<vmem>>
      %dma_start3A_262 = arith.constant 0 : i32
      %dma_start3A_263 = tpu.memref_slice %arg6[%shift_right_arithmetic3A_250, %and3A_252, %dma_start3A_262] : memref<12500x8x64xf32, #tpu.memory_space<hbm>> -> memref<1x1x64xf32, #tpu.memory_space<hbm>>
      %dma_start3A_264 = tpu.memref_squeeze %dma_start3A_263 : memref<1x1x64xf32, #tpu.memory_space<hbm>> -> memref<64xf32, #tpu.memory_space<hbm>>
      tpu.enqueue_dma source(%dma_start3A_264 : memref<64xf32, #tpu.memory_space<hbm>>) target(%dma_start3A_261 : memref<64xf32, #tpu.memory_space<vmem>>) target_semaphore(%arg20 : memref<!tpu.dma_semaphore, #tpu.memory_space<semaphore_mem>>)
      %mul3A_265 = arith.constant 8 : i32
      %mul3A_266 = arith.muli %scan3A_139, %mul3A_265 : i32
      %add3A_267 = arith.constant 1 : i32
      %add3A_268 = arith.addi %mul3A_266, %add3A_267 : i32
      %slice3A_269 = vector.extract_strided_slice %get3A_144 {offsets = [3], sizes = [1], strides = [1]} : vector<16xi32> to vector<1xi32>
      %squeeze3A_270 = vector.extract %slice3A_269[0] : i32 from vector<1xi32>
      %slice3A_271 = vector.extract_strided_slice %get3A_148 {offsets = [3], sizes = [1], strides = [1]} : vector<16xi32> to vector<1xi32>
      %squeeze3A_272 = vector.extract %slice3A_271[0] : i32 from vector<1xi32>
      %shift_right_arithmetic3A_273 = arith.constant 3 : i32
      %shift_right_arithmetic3A_274 = arith.shrsi %squeeze3A_270, %shift_right_arithmetic3A_273 : i32
      %and3A_275 = arith.constant 7 : i32
      %and3A_276 = arith.andi %squeeze3A_270, %and3A_275 : i32
      %dma_start3A_277 = arith.constant 64 : i32
      %dma_start3A_278 = tpu.memref_slice %arg16[%add3A_268, %dma_start3A_277] : memref<256x128xf32, #tpu.memory_space<vmem>> -> memref<1x64xf32, #tpu.memory_space<vmem>>
      %dma_start3A_279 = tpu.memref_squeeze %dma_start3A_278 : memref<1x64xf32, #tpu.memory_space<vmem>> -> memref<64xf32, #tpu.memory_space<vmem>>
      %dma_start3A_280 = arith.constant 0 : i32
      %dma_start3A_281 = tpu.memref_slice %arg6[%shift_right_arithmetic3A_274, %and3A_276, %dma_start3A_280] : memref<12500x8x64xf32, #tpu.memory_space<hbm>> -> memref<1x1x64xf32, #tpu.memory_space<hbm>>
      %dma_start3A_282 = tpu.memref_squeeze %dma_start3A_281 : memref<1x1x64xf32, #tpu.memory_space<hbm>> -> memref<64xf32, #tpu.memory_space<hbm>>
      %dma_start3A_283 = arith.constant 64 : i32
      %dma_start3A_284 = tpu.memref_slice %arg16[%add3A_268, %dma_start3A_283] : memref<256x128xf32, #tpu.memory_space<vmem>> -> memref<1x64xf32, #tpu.memory_space<vmem>>
      %dma_start3A_285 = tpu.memref_squeeze %dma_start3A_284 : memref<1x64xf32, #tpu.memory_space<vmem>> -> memref<64xf32, #tpu.memory_space<vmem>>
      %dma_start3A_286 = arith.constant 0 : i32
      %dma_start3A_287 = tpu.memref_slice %arg6[%shift_right_arithmetic3A_274, %and3A_276, %dma_start3A_286] : memref<12500x8x64xf32, #tpu.memory_space<hbm>> -> memref<1x1x64xf32, #tpu.memory_space<hbm>>
      %dma_start3A_288 = tpu.memref_squeeze %dma_start3A_287 : memref<1x1x64xf32, #tpu.memory_space<hbm>> -> memref<64xf32, #tpu.memory_space<hbm>>
      tpu.enqueue_dma source(%dma_start3A_288 : memref<64xf32, #tpu.memory_space<hbm>>) target(%dma_start3A_285 : memref<64xf32, #tpu.memory_space<vmem>>) target_semaphore(%arg20 : memref<!tpu.dma_semaphore, #tpu.memory_space<semaphore_mem>>)
      %shift_right_arithmetic3A_289 = arith.constant 3 : i32
      %shift_right_arithmetic3A_290 = arith.shrsi %squeeze3A_272, %shift_right_arithmetic3A_289 : i32
      %and3A_291 = arith.constant 7 : i32
      %and3A_292 = arith.andi %squeeze3A_272, %and3A_291 : i32
      %dma_start3A_293 = arith.constant 64 : i32
      %dma_start3A_294 = tpu.memref_slice %arg17[%add3A_268, %dma_start3A_293] : memref<256x128xf32, #tpu.memory_space<vmem>> -> memref<1x64xf32, #tpu.memory_space<vmem>>
      %dma_start3A_295 = tpu.memref_squeeze %dma_start3A_294 : memref<1x64xf32, #tpu.memory_space<vmem>> -> memref<64xf32, #tpu.memory_space<vmem>>
      %dma_start3A_296 = arith.constant 0 : i32
      %dma_start3A_297 = tpu.memref_slice %arg6[%shift_right_arithmetic3A_290, %and3A_292, %dma_start3A_296] : memref<12500x8x64xf32, #tpu.memory_space<hbm>> -> memref<1x1x64xf32, #tpu.memory_space<hbm>>
      %dma_start3A_298 = tpu.memref_squeeze %dma_start3A_297 : memref<1x1x64xf32, #tpu.memory_space<hbm>> -> memref<64xf32, #tpu.memory_space<hbm>>
      %dma_start3A_299 = arith.constant 64 : i32
      %dma_start3A_300 = tpu.memref_slice %arg17[%add3A_268, %dma_start3A_299] : memref<256x128xf32, #tpu.memory_space<vmem>> -> memref<1x64xf32, #tpu.memory_space<vmem>>
      %dma_start3A_301 = tpu.memref_squeeze %dma_start3A_300 : memref<1x64xf32, #tpu.memory_space<vmem>> -> memref<64xf32, #tpu.memory_space<vmem>>
      %dma_start3A_302 = arith.constant 0 : i32
      %dma_start3A_303 = tpu.memref_slice %arg6[%shift_right_arithmetic3A_290, %and3A_292, %dma_start3A_302] : memref<12500x8x64xf32, #tpu.memory_space<hbm>> -> memref<1x1x64xf32, #tpu.memory_space<hbm>>
      %dma_start3A_304 = tpu.memref_squeeze %dma_start3A_303 : memref<1x1x64xf32, #tpu.memory_space<hbm>> -> memref<64xf32, #tpu.memory_space<hbm>>
      tpu.enqueue_dma source(%dma_start3A_304 : memref<64xf32, #tpu.memory_space<hbm>>) target(%dma_start3A_301 : memref<64xf32, #tpu.memory_space<vmem>>) target_semaphore(%arg20 : memref<!tpu.dma_semaphore, #tpu.memory_space<semaphore_mem>>)
      %mul3A_305 = arith.constant 8 : i32
      %mul3A_306 = arith.muli %scan3A_139, %mul3A_305 : i32
      %add3A_307 = arith.constant 2 : i32
      %add3A_308 = arith.addi %mul3A_306, %add3A_307 : i32
      %slice3A_309 = vector.extract_strided_slice %get3A_144 {offsets = [4], sizes = [1], strides = [1]} : vector<16xi32> to vector<1xi32>
      %squeeze3A_310 = vector.extract %slice3A_309[0] : i32 from vector<1xi32>
      %slice3A_311 = vector.extract_strided_slice %get3A_148 {offsets = [4], sizes = [1], strides = [1]} : vector<16xi32> to vector<1xi32>
      %squeeze3A_312 = vector.extract %slice3A_311[0] : i32 from vector<1xi32>
      %shift_right_arithmetic3A_313 = arith.constant 3 : i32
      %shift_right_arithmetic3A_314 = arith.shrsi %squeeze3A_310, %shift_right_arithmetic3A_313 : i32
      %and3A_315 = arith.constant 7 : i32
      %and3A_316 = arith.andi %squeeze3A_310, %and3A_315 : i32
      %dma_start3A_317 = arith.constant 0 : i32
      %dma_start3A_318 = tpu.memref_slice %arg16[%add3A_308, %dma_start3A_317] : memref<256x128xf32, #tpu.memory_space<vmem>> -> memref<1x64xf32, #tpu.memory_space<vmem>>
      %dma_start3A_319 = tpu.memref_squeeze %dma_start3A_318 : memref<1x64xf32, #tpu.memory_space<vmem>> -> memref<64xf32, #tpu.memory_space<vmem>>
      %dma_start3A_320 = arith.constant 0 : i32
      %dma_start3A_321 = tpu.memref_slice %arg6[%shift_right_arithmetic3A_314, %and3A_316, %dma_start3A_320] : memref<12500x8x64xf32, #tpu.memory_space<hbm>> -> memref<1x1x64xf32, #tpu.memory_space<hbm>>
      %dma_start3A_322 = tpu.memref_squeeze %dma_start3A_321 : memref<1x1x64xf32, #tpu.memory_space<hbm>> -> memref<64xf32, #tpu.memory_space<hbm>>
      %dma_start3A_323 = arith.constant 0 : i32
      %dma_start3A_324 = tpu.memref_slice %arg16[%add3A_308, %dma_start3A_323] : memref<256x128xf32, #tpu.memory_space<vmem>> -> memref<1x64xf32, #tpu.memory_space<vmem>>
      %dma_start3A_325 = tpu.memref_squeeze %dma_start3A_324 : memref<1x64xf32, #tpu.memory_space<vmem>> -> memref<64xf32, #tpu.memory_space<vmem>>
      %dma_start3A_326 = arith.constant 0 : i32
      %dma_start3A_327 = tpu.memref_slice %arg6[%shift_right_arithmetic3A_314, %and3A_316, %dma_start3A_326] : memref<12500x8x64xf32, #tpu.memory_space<hbm>> -> memref<1x1x64xf32, #tpu.memory_space<hbm>>
      %dma_start3A_328 = tpu.memref_squeeze %dma_start3A_327 : memref<1x1x64xf32, #tpu.memory_space<hbm>> -> memref<64xf32, #tpu.memory_space<hbm>>
      tpu.enqueue_dma source(%dma_start3A_328 : memref<64xf32, #tpu.memory_space<hbm>>) target(%dma_start3A_325 : memref<64xf32, #tpu.memory_space<vmem>>) target_semaphore(%arg20 : memref<!tpu.dma_semaphore, #tpu.memory_space<semaphore_mem>>)
      %shift_right_arithmetic3A_329 = arith.constant 3 : i32
      %shift_right_arithmetic3A_330 = arith.shrsi %squeeze3A_312, %shift_right_arithmetic3A_329 : i32
      %and3A_331 = arith.constant 7 : i32
      %and3A_332 = arith.andi %squeeze3A_312, %and3A_331 : i32
      %dma_start3A_333 = arith.constant 0 : i32
      %dma_start3A_334 = tpu.memref_slice %arg17[%add3A_308, %dma_start3A_333] : memref<256x128xf32, #tpu.memory_space<vmem>> -> memref<1x64xf32, #tpu.memory_space<vmem>>
      %dma_start3A_335 = tpu.memref_squeeze %dma_start3A_334 : memref<1x64xf32, #tpu.memory_space<vmem>> -> memref<64xf32, #tpu.memory_space<vmem>>
      %dma_start3A_336 = arith.constant 0 : i32
      %dma_start3A_337 = tpu.memref_slice %arg6[%shift_right_arithmetic3A_330, %and3A_332, %dma_start3A_336] : memref<12500x8x64xf32, #tpu.memory_space<hbm>> -> memref<1x1x64xf32, #tpu.memory_space<hbm>>
      %dma_start3A_338 = tpu.memref_squeeze %dma_start3A_337 : memref<1x1x64xf32, #tpu.memory_space<hbm>> -> memref<64xf32, #tpu.memory_space<hbm>>
      %dma_start3A_339 = arith.constant 0 : i32
      %dma_start3A_340 = tpu.memref_slice %arg17[%add3A_308, %dma_start3A_339] : memref<256x128xf32, #tpu.memory_space<vmem>> -> memref<1x64xf32, #tpu.memory_space<vmem>>
      %dma_start3A_341 = tpu.memref_squeeze %dma_start3A_340 : memref<1x64xf32, #tpu.memory_space<vmem>> -> memref<64xf32, #tpu.memory_space<vmem>>
      %dma_start3A_342 = arith.constant 0 : i32
      %dma_start3A_343 = tpu.memref_slice %arg6[%shift_right_arithmetic3A_330, %and3A_332, %dma_start3A_342] : memref<12500x8x64xf32, #tpu.memory_space<hbm>> -> memref<1x1x64xf32, #tpu.memory_space<hbm>>
      %dma_start3A_344 = tpu.memref_squeeze %dma_start3A_343 : memref<1x1x64xf32, #tpu.memory_space<hbm>> -> memref<64xf32, #tpu.memory_space<hbm>>
      tpu.enqueue_dma source(%dma_start3A_344 : memref<64xf32, #tpu.memory_space<hbm>>) target(%dma_start3A_341 : memref<64xf32, #tpu.memory_space<vmem>>) target_semaphore(%arg20 : memref<!tpu.dma_semaphore, #tpu.memory_space<semaphore_mem>>)
      %mul3A_345 = arith.constant 8 : i32
      %mul3A_346 = arith.muli %scan3A_139, %mul3A_345 : i32
      %add3A_347 = arith.constant 2 : i32
      %add3A_348 = arith.addi %mul3A_346, %add3A_347 : i32
      %slice3A_349 = vector.extract_strided_slice %get3A_144 {offsets = [5], sizes = [1], strides = [1]} : vector<16xi32> to vector<1xi32>
      %squeeze3A_350 = vector.extract %slice3A_349[0] : i32 from vector<1xi32>
      %slice3A_351 = vector.extract_strided_slice %get3A_148 {offsets = [5], sizes = [1], strides = [1]} : vector<16xi32> to vector<1xi32>
      %squeeze3A_352 = vector.extract %slice3A_351[0] : i32 from vector<1xi32>
      %shift_right_arithmetic3A_353 = arith.constant 3 : i32
      %shift_right_arithmetic3A_354 = arith.shrsi %squeeze3A_350, %shift_right_arithmetic3A_353 : i32
      %and3A_355 = arith.constant 7 : i32
      %and3A_356 = arith.andi %squeeze3A_350, %and3A_355 : i32
      %dma_start3A_357 = arith.constant 64 : i32
      %dma_start3A_358 = tpu.memref_slice %arg16[%add3A_348, %dma_start3A_357] : memref<256x128xf32, #tpu.memory_space<vmem>> -> memref<1x64xf32, #tpu.memory_space<vmem>>
      %dma_start3A_359 = tpu.memref_squeeze %dma_start3A_358 : memref<1x64xf32, #tpu.memory_space<vmem>> -> memref<64xf32, #tpu.memory_space<vmem>>
      %dma_start3A_360 = arith.constant 0 : i32
      %dma_start3A_361 = tpu.memref_slice %arg6[%shift_right_arithmetic3A_354, %and3A_356, %dma_start3A_360] : memref<12500x8x64xf32, #tpu.memory_space<hbm>> -> memref<1x1x64xf32, #tpu.memory_space<hbm>>
      %dma_start3A_362 = tpu.memref_squeeze %dma_start3A_361 : memref<1x1x64xf32, #tpu.memory_space<hbm>> -> memref<64xf32, #tpu.memory_space<hbm>>
      %dma_start3A_363 = arith.constant 64 : i32
      %dma_start3A_364 = tpu.memref_slice %arg16[%add3A_348, %dma_start3A_363] : memref<256x128xf32, #tpu.memory_space<vmem>> -> memref<1x64xf32, #tpu.memory_space<vmem>>
      %dma_start3A_365 = tpu.memref_squeeze %dma_start3A_364 : memref<1x64xf32, #tpu.memory_space<vmem>> -> memref<64xf32, #tpu.memory_space<vmem>>
      %dma_start3A_366 = arith.constant 0 : i32
      %dma_start3A_367 = tpu.memref_slice %arg6[%shift_right_arithmetic3A_354, %and3A_356, %dma_start3A_366] : memref<12500x8x64xf32, #tpu.memory_space<hbm>> -> memref<1x1x64xf32, #tpu.memory_space<hbm>>
      %dma_start3A_368 = tpu.memref_squeeze %dma_start3A_367 : memref<1x1x64xf32, #tpu.memory_space<hbm>> -> memref<64xf32, #tpu.memory_space<hbm>>
      tpu.enqueue_dma source(%dma_start3A_368 : memref<64xf32, #tpu.memory_space<hbm>>) target(%dma_start3A_365 : memref<64xf32, #tpu.memory_space<vmem>>) target_semaphore(%arg20 : memref<!tpu.dma_semaphore, #tpu.memory_space<semaphore_mem>>)
      %shift_right_arithmetic3A_369 = arith.constant 3 : i32
      %shift_right_arithmetic3A_370 = arith.shrsi %squeeze3A_352, %shift_right_arithmetic3A_369 : i32
      %and3A_371 = arith.constant 7 : i32
      %and3A_372 = arith.andi %squeeze3A_352, %and3A_371 : i32
      %dma_start3A_373 = arith.constant 64 : i32
      %dma_start3A_374 = tpu.memref_slice %arg17[%add3A_348, %dma_start3A_373] : memref<256x128xf32, #tpu.memory_space<vmem>> -> memref<1x64xf32, #tpu.memory_space<vmem>>
      %dma_start3A_375 = tpu.memref_squeeze %dma_start3A_374 : memref<1x64xf32, #tpu.memory_space<vmem>> -> memref<64xf32, #tpu.memory_space<vmem>>
      %dma_start3A_376 = arith.constant 0 : i32
      %dma_start3A_377 = tpu.memref_slice %arg6[%shift_right_arithmetic3A_370, %and3A_372, %dma_start3A_376] : memref<12500x8x64xf32, #tpu.memory_space<hbm>> -> memref<1x1x64xf32, #tpu.memory_space<hbm>>
      %dma_start3A_378 = tpu.memref_squeeze %dma_start3A_377 : memref<1x1x64xf32, #tpu.memory_space<hbm>> -> memref<64xf32, #tpu.memory_space<hbm>>
      %dma_start3A_379 = arith.constant 64 : i32
      %dma_start3A_380 = tpu.memref_slice %arg17[%add3A_348, %dma_start3A_379] : memref<256x128xf32, #tpu.memory_space<vmem>> -> memref<1x64xf32, #tpu.memory_space<vmem>>
      %dma_start3A_381 = tpu.memref_squeeze %dma_start3A_380 : memref<1x64xf32, #tpu.memory_space<vmem>> -> memref<64xf32, #tpu.memory_space<vmem>>
      %dma_start3A_382 = arith.constant 0 : i32
      %dma_start3A_383 = tpu.memref_slice %arg6[%shift_right_arithmetic3A_370, %and3A_372, %dma_start3A_382] : memref<12500x8x64xf32, #tpu.memory_space<hbm>> -> memref<1x1x64xf32, #tpu.memory_space<hbm>>
      %dma_start3A_384 = tpu.memref_squeeze %dma_start3A_383 : memref<1x1x64xf32, #tpu.memory_space<hbm>> -> memref<64xf32, #tpu.memory_space<hbm>>
      tpu.enqueue_dma source(%dma_start3A_384 : memref<64xf32, #tpu.memory_space<hbm>>) target(%dma_start3A_381 : memref<64xf32, #tpu.memory_space<vmem>>) target_semaphore(%arg20 : memref<!tpu.dma_semaphore, #tpu.memory_space<semaphore_mem>>)
      %mul3A_385 = arith.constant 8 : i32
      %mul3A_386 = arith.muli %scan3A_139, %mul3A_385 : i32
      %add3A_387 = arith.constant 3 : i32
      %add3A_388 = arith.addi %mul3A_386, %add3A_387 : i32
      %slice3A_389 = vector.extract_strided_slice %get3A_144 {offsets = [6], sizes = [1], strides = [1]} : vector<16xi32> to vector<1xi32>
      %squeeze3A_390 = vector.extract %slice3A_389[0] : i32 from vector<1xi32>
      %slice3A_391 = vector.extract_strided_slice %get3A_148 {offsets = [6], sizes = [1], strides = [1]} : vector<16xi32> to vector<1xi32>
      %squeeze3A_392 = vector.extract %slice3A_391[0] : i32 from vector<1xi32>
      %shift_right_arithmetic3A_393 = arith.constant 3 : i32
      %shift_right_arithmetic3A_394 = arith.shrsi %squeeze3A_390, %shift_right_arithmetic3A_393 : i32
      %and3A_395 = arith.constant 7 : i32
      %and3A_396 = arith.andi %squeeze3A_390, %and3A_395 : i32
      %dma_start3A_397 = arith.constant 0 : i32
      %dma_start3A_398 = tpu.memref_slice %arg16[%add3A_388, %dma_start3A_397] : memref<256x128xf32, #tpu.memory_space<vmem>> -> memref<1x64xf32, #tpu.memory_space<vmem>>
      %dma_start3A_399 = tpu.memref_squeeze %dma_start3A_398 : memref<1x64xf32, #tpu.memory_space<vmem>> -> memref<64xf32, #tpu.memory_space<vmem>>
      %dma_start3A_400 = arith.constant 0 : i32
      %dma_start3A_401 = tpu.memref_slice %arg6[%shift_right_arithmetic3A_394, %and3A_396, %dma_start3A_400] : memref<12500x8x64xf32, #tpu.memory_space<hbm>> -> memref<1x1x64xf32, #tpu.memory_space<hbm>>
      %dma_start3A_402 = tpu.memref_squeeze %dma_start3A_401 : memref<1x1x64xf32, #tpu.memory_space<hbm>> -> memref<64xf32, #tpu.memory_space<hbm>>
      %dma_start3A_403 = arith.constant 0 : i32
      %dma_start3A_404 = tpu.memref_slice %arg16[%add3A_388, %dma_start3A_403] : memref<256x128xf32, #tpu.memory_space<vmem>> -> memref<1x64xf32, #tpu.memory_space<vmem>>
      %dma_start3A_405 = tpu.memref_squeeze %dma_start3A_404 : memref<1x64xf32, #tpu.memory_space<vmem>> -> memref<64xf32, #tpu.memory_space<vmem>>
      %dma_start3A_406 = arith.constant 0 : i32
      %dma_start3A_407 = tpu.memref_slice %arg6[%shift_right_arithmetic3A_394, %and3A_396, %dma_start3A_406] : memref<12500x8x64xf32, #tpu.memory_space<hbm>> -> memref<1x1x64xf32, #tpu.memory_space<hbm>>
      %dma_start3A_408 = tpu.memref_squeeze %dma_start3A_407 : memref<1x1x64xf32, #tpu.memory_space<hbm>> -> memref<64xf32, #tpu.memory_space<hbm>>
      tpu.enqueue_dma source(%dma_start3A_408 : memref<64xf32, #tpu.memory_space<hbm>>) target(%dma_start3A_405 : memref<64xf32, #tpu.memory_space<vmem>>) target_semaphore(%arg20 : memref<!tpu.dma_semaphore, #tpu.memory_space<semaphore_mem>>)
      %shift_right_arithmetic3A_409 = arith.constant 3 : i32
      %shift_right_arithmetic3A_410 = arith.shrsi %squeeze3A_392, %shift_right_arithmetic3A_409 : i32
      %and3A_411 = arith.constant 7 : i32
      %and3A_412 = arith.andi %squeeze3A_392, %and3A_411 : i32
      %dma_start3A_413 = arith.constant 0 : i32
      %dma_start3A_414 = tpu.memref_slice %arg17[%add3A_388, %dma_start3A_413] : memref<256x128xf32, #tpu.memory_space<vmem>> -> memref<1x64xf32, #tpu.memory_space<vmem>>
      %dma_start3A_415 = tpu.memref_squeeze %dma_start3A_414 : memref<1x64xf32, #tpu.memory_space<vmem>> -> memref<64xf32, #tpu.memory_space<vmem>>
      %dma_start3A_416 = arith.constant 0 : i32
      %dma_start3A_417 = tpu.memref_slice %arg6[%shift_right_arithmetic3A_410, %and3A_412, %dma_start3A_416] : memref<12500x8x64xf32, #tpu.memory_space<hbm>> -> memref<1x1x64xf32, #tpu.memory_space<hbm>>
      %dma_start3A_418 = tpu.memref_squeeze %dma_start3A_417 : memref<1x1x64xf32, #tpu.memory_space<hbm>> -> memref<64xf32, #tpu.memory_space<hbm>>
      %dma_start3A_419 = arith.constant 0 : i32
      %dma_start3A_420 = tpu.memref_slice %arg17[%add3A_388, %dma_start3A_419] : memref<256x128xf32, #tpu.memory_space<vmem>> -> memref<1x64xf32, #tpu.memory_space<vmem>>
      %dma_start3A_421 = tpu.memref_squeeze %dma_start3A_420 : memref<1x64xf32, #tpu.memory_space<vmem>> -> memref<64xf32, #tpu.memory_space<vmem>>
      %dma_start3A_422 = arith.constant 0 : i32
      %dma_start3A_423 = tpu.memref_slice %arg6[%shift_right_arithmetic3A_410, %and3A_412, %dma_start3A_422] : memref<12500x8x64xf32, #tpu.memory_space<hbm>> -> memref<1x1x64xf32, #tpu.memory_space<hbm>>
      %dma_start3A_424 = tpu.memref_squeeze %dma_start3A_423 : memref<1x1x64xf32, #tpu.memory_space<hbm>> -> memref<64xf32, #tpu.memory_space<hbm>>
      tpu.enqueue_dma source(%dma_start3A_424 : memref<64xf32, #tpu.memory_space<hbm>>) target(%dma_start3A_421 : memref<64xf32, #tpu.memory_space<vmem>>) target_semaphore(%arg20 : memref<!tpu.dma_semaphore, #tpu.memory_space<semaphore_mem>>)
      %mul3A_425 = arith.constant 8 : i32
      %mul3A_426 = arith.muli %scan3A_139, %mul3A_425 : i32
      %add3A_427 = arith.constant 3 : i32
      %add3A_428 = arith.addi %mul3A_426, %add3A_427 : i32
      %slice3A_429 = vector.extract_strided_slice %get3A_144 {offsets = [7], sizes = [1], strides = [1]} : vector<16xi32> to vector<1xi32>
      %squeeze3A_430 = vector.extract %slice3A_429[0] : i32 from vector<1xi32>
      %slice3A_431 = vector.extract_strided_slice %get3A_148 {offsets = [7], sizes = [1], strides = [1]} : vector<16xi32> to vector<1xi32>
      %squeeze3A_432 = vector.extract %slice3A_431[0] : i32 from vector<1xi32>
      %shift_right_arithmetic3A_433 = arith.constant 3 : i32
      %shift_right_arithmetic3A_434 = arith.shrsi %squeeze3A_430, %shift_right_arithmetic3A_433 : i32
      %and3A_435 = arith.constant 7 : i32
      %and3A_436 = arith.andi %squeeze3A_430, %and3A_435 : i32
      %dma_start3A_437 = arith.constant 64 : i32
      %dma_start3A_438 = tpu.memref_slice %arg16[%add3A_428, %dma_start3A_437] : memref<256x128xf32, #tpu.memory_space<vmem>> -> memref<1x64xf32, #tpu.memory_space<vmem>>
      %dma_start3A_439 = tpu.memref_squeeze %dma_start3A_438 : memref<1x64xf32, #tpu.memory_space<vmem>> -> memref<64xf32, #tpu.memory_space<vmem>>
      %dma_start3A_440 = arith.constant 0 : i32
      %dma_start3A_441 = tpu.memref_slice %arg6[%shift_right_arithmetic3A_434, %and3A_436, %dma_start3A_440] : memref<12500x8x64xf32, #tpu.memory_space<hbm>> -> memref<1x1x64xf32, #tpu.memory_space<hbm>>
      %dma_start3A_442 = tpu.memref_squeeze %dma_start3A_441 : memref<1x1x64xf32, #tpu.memory_space<hbm>> -> memref<64xf32, #tpu.memory_space<hbm>>
      %dma_start3A_443 = arith.constant 64 : i32
      %dma_start3A_444 = tpu.memref_slice %arg16[%add3A_428, %dma_start3A_443] : memref<256x128xf32, #tpu.memory_space<vmem>> -> memref<1x64xf32, #tpu.memory_space<vmem>>
      %dma_start3A_445 = tpu.memref_squeeze %dma_start3A_444 : memref<1x64xf32, #tpu.memory_space<vmem>> -> memref<64xf32, #tpu.memory_space<vmem>>
      %dma_start3A_446 = arith.constant 0 : i32
      %dma_start3A_447 = tpu.memref_slice %arg6[%shift_right_arithmetic3A_434, %and3A_436, %dma_start3A_446] : memref<12500x8x64xf32, #tpu.memory_space<hbm>> -> memref<1x1x64xf32, #tpu.memory_space<hbm>>
      %dma_start3A_448 = tpu.memref_squeeze %dma_start3A_447 : memref<1x1x64xf32, #tpu.memory_space<hbm>> -> memref<64xf32, #tpu.memory_space<hbm>>
      tpu.enqueue_dma source(%dma_start3A_448 : memref<64xf32, #tpu.memory_space<hbm>>) target(%dma_start3A_445 : memref<64xf32, #tpu.memory_space<vmem>>) target_semaphore(%arg20 : memref<!tpu.dma_semaphore, #tpu.memory_space<semaphore_mem>>)
      %shift_right_arithmetic3A_449 = arith.constant 3 : i32
      %shift_right_arithmetic3A_450 = arith.shrsi %squeeze3A_432, %shift_right_arithmetic3A_449 : i32
      %and3A_451 = arith.constant 7 : i32
      %and3A_452 = arith.andi %squeeze3A_432, %and3A_451 : i32
      %dma_start3A_453 = arith.constant 64 : i32
      %dma_start3A_454 = tpu.memref_slice %arg17[%add3A_428, %dma_start3A_453] : memref<256x128xf32, #tpu.memory_space<vmem>> -> memref<1x64xf32, #tpu.memory_space<vmem>>
      %dma_start3A_455 = tpu.memref_squeeze %dma_start3A_454 : memref<1x64xf32, #tpu.memory_space<vmem>> -> memref<64xf32, #tpu.memory_space<vmem>>
      %dma_start3A_456 = arith.constant 0 : i32
      %dma_start3A_457 = tpu.memref_slice %arg6[%shift_right_arithmetic3A_450, %and3A_452, %dma_start3A_456] : memref<12500x8x64xf32, #tpu.memory_space<hbm>> -> memref<1x1x64xf32, #tpu.memory_space<hbm>>
      %dma_start3A_458 = tpu.memref_squeeze %dma_start3A_457 : memref<1x1x64xf32, #tpu.memory_space<hbm>> -> memref<64xf32, #tpu.memory_space<hbm>>
      %dma_start3A_459 = arith.constant 64 : i32
      %dma_start3A_460 = tpu.memref_slice %arg17[%add3A_428, %dma_start3A_459] : memref<256x128xf32, #tpu.memory_space<vmem>> -> memref<1x64xf32, #tpu.memory_space<vmem>>
      %dma_start3A_461 = tpu.memref_squeeze %dma_start3A_460 : memref<1x64xf32, #tpu.memory_space<vmem>> -> memref<64xf32, #tpu.memory_space<vmem>>
      %dma_start3A_462 = arith.constant 0 : i32
      %dma_start3A_463 = tpu.memref_slice %arg6[%shift_right_arithmetic3A_450, %and3A_452, %dma_start3A_462] : memref<12500x8x64xf32, #tpu.memory_space<hbm>> -> memref<1x1x64xf32, #tpu.memory_space<hbm>>
      %dma_start3A_464 = tpu.memref_squeeze %dma_start3A_463 : memref<1x1x64xf32, #tpu.memory_space<hbm>> -> memref<64xf32, #tpu.memory_space<hbm>>
      tpu.enqueue_dma source(%dma_start3A_464 : memref<64xf32, #tpu.memory_space<hbm>>) target(%dma_start3A_461 : memref<64xf32, #tpu.memory_space<vmem>>) target_semaphore(%arg20 : memref<!tpu.dma_semaphore, #tpu.memory_space<semaphore_mem>>)
      %mul3A_465 = arith.constant 8 : i32
      %mul3A_466 = arith.muli %scan3A_139, %mul3A_465 : i32
      %add3A_467 = arith.constant 4 : i32
      %add3A_468 = arith.addi %mul3A_466, %add3A_467 : i32
      %slice3A_469 = vector.extract_strided_slice %get3A_144 {offsets = [8], sizes = [1], strides = [1]} : vector<16xi32> to vector<1xi32>
      %squeeze3A_470 = vector.extract %slice3A_469[0] : i32 from vector<1xi32>
      %slice3A_471 = vector.extract_strided_slice %get3A_148 {offsets = [8], sizes = [1], strides = [1]} : vector<16xi32> to vector<1xi32>
      %squeeze3A_472 = vector.extract %slice3A_471[0] : i32 from vector<1xi32>
      %shift_right_arithmetic3A_473 = arith.constant 3 : i32
      %shift_right_arithmetic3A_474 = arith.shrsi %squeeze3A_470, %shift_right_arithmetic3A_473 : i32
      %and3A_475 = arith.constant 7 : i32
      %and3A_476 = arith.andi %squeeze3A_470, %and3A_475 : i32
      %dma_start3A_477 = arith.constant 0 : i32
      %dma_start3A_478 = tpu.memref_slice %arg16[%add3A_468, %dma_start3A_477] : memref<256x128xf32, #tpu.memory_space<vmem>> -> memref<1x64xf32, #tpu.memory_space<vmem>>
      %dma_start3A_479 = tpu.memref_squeeze %dma_start3A_478 : memref<1x64xf32, #tpu.memory_space<vmem>> -> memref<64xf32, #tpu.memory_space<vmem>>
      %dma_start3A_480 = arith.constant 0 : i32
      %dma_start3A_481 = tpu.memref_slice %arg6[%shift_right_arithmetic3A_474, %and3A_476, %dma_start3A_480] : memref<12500x8x64xf32, #tpu.memory_space<hbm>> -> memref<1x1x64xf32, #tpu.memory_space<hbm>>
      %dma_start3A_482 = tpu.memref_squeeze %dma_start3A_481 : memref<1x1x64xf32, #tpu.memory_space<hbm>> -> memref<64xf32, #tpu.memory_space<hbm>>
      %dma_start3A_483 = arith.constant 0 : i32
      %dma_start3A_484 = tpu.memref_slice %arg16[%add3A_468, %dma_start3A_483] : memref<256x128xf32, #tpu.memory_space<vmem>> -> memref<1x64xf32, #tpu.memory_space<vmem>>
      %dma_start3A_485 = tpu.memref_squeeze %dma_start3A_484 : memref<1x64xf32, #tpu.memory_space<vmem>> -> memref<64xf32, #tpu.memory_space<vmem>>
      %dma_start3A_486 = arith.constant 0 : i32
      %dma_start3A_487 = tpu.memref_slice %arg6[%shift_right_arithmetic3A_474, %and3A_476, %dma_start3A_486] : memref<12500x8x64xf32, #tpu.memory_space<hbm>> -> memref<1x1x64xf32, #tpu.memory_space<hbm>>
      %dma_start3A_488 = tpu.memref_squeeze %dma_start3A_487 : memref<1x1x64xf32, #tpu.memory_space<hbm>> -> memref<64xf32, #tpu.memory_space<hbm>>
      tpu.enqueue_dma source(%dma_start3A_488 : memref<64xf32, #tpu.memory_space<hbm>>) target(%dma_start3A_485 : memref<64xf32, #tpu.memory_space<vmem>>) target_semaphore(%arg20 : memref<!tpu.dma_semaphore, #tpu.memory_space<semaphore_mem>>)
      %shift_right_arithmetic3A_489 = arith.constant 3 : i32
      %shift_right_arithmetic3A_490 = arith.shrsi %squeeze3A_472, %shift_right_arithmetic3A_489 : i32
      %and3A_491 = arith.constant 7 : i32
      %and3A_492 = arith.andi %squeeze3A_472, %and3A_491 : i32
      %dma_start3A_493 = arith.constant 0 : i32
      %dma_start3A_494 = tpu.memref_slice %arg17[%add3A_468, %dma_start3A_493] : memref<256x128xf32, #tpu.memory_space<vmem>> -> memref<1x64xf32, #tpu.memory_space<vmem>>
      %dma_start3A_495 = tpu.memref_squeeze %dma_start3A_494 : memref<1x64xf32, #tpu.memory_space<vmem>> -> memref<64xf32, #tpu.memory_space<vmem>>
      %dma_start3A_496 = arith.constant 0 : i32
      %dma_start3A_497 = tpu.memref_slice %arg6[%shift_right_arithmetic3A_490, %and3A_492, %dma_start3A_496] : memref<12500x8x64xf32, #tpu.memory_space<hbm>> -> memref<1x1x64xf32, #tpu.memory_space<hbm>>
      %dma_start3A_498 = tpu.memref_squeeze %dma_start3A_497 : memref<1x1x64xf32, #tpu.memory_space<hbm>> -> memref<64xf32, #tpu.memory_space<hbm>>
      %dma_start3A_499 = arith.constant 0 : i32
      %dma_start3A_500 = tpu.memref_slice %arg17[%add3A_468, %dma_start3A_499] : memref<256x128xf32, #tpu.memory_space<vmem>> -> memref<1x64xf32, #tpu.memory_space<vmem>>
      %dma_start3A_501 = tpu.memref_squeeze %dma_start3A_500 : memref<1x64xf32, #tpu.memory_space<vmem>> -> memref<64xf32, #tpu.memory_space<vmem>>
      %dma_start3A_502 = arith.constant 0 : i32
      %dma_start3A_503 = tpu.memref_slice %arg6[%shift_right_arithmetic3A_490, %and3A_492, %dma_start3A_502] : memref<12500x8x64xf32, #tpu.memory_space<hbm>> -> memref<1x1x64xf32, #tpu.memory_space<hbm>>
      %dma_start3A_504 = tpu.memref_squeeze %dma_start3A_503 : memref<1x1x64xf32, #tpu.memory_space<hbm>> -> memref<64xf32, #tpu.memory_space<hbm>>
      tpu.enqueue_dma source(%dma_start3A_504 : memref<64xf32, #tpu.memory_space<hbm>>) target(%dma_start3A_501 : memref<64xf32, #tpu.memory_space<vmem>>) target_semaphore(%arg20 : memref<!tpu.dma_semaphore, #tpu.memory_space<semaphore_mem>>)
      %mul3A_505 = arith.constant 8 : i32
      %mul3A_506 = arith.muli %scan3A_139, %mul3A_505 : i32
      %add3A_507 = arith.constant 4 : i32
      %add3A_508 = arith.addi %mul3A_506, %add3A_507 : i32
      %slice3A_509 = vector.extract_strided_slice %get3A_144 {offsets = [9], sizes = [1], strides = [1]} : vector<16xi32> to vector<1xi32>
      %squeeze3A_510 = vector.extract %slice3A_509[0] : i32 from vector<1xi32>
      %slice3A_511 = vector.extract_strided_slice %get3A_148 {offsets = [9], sizes = [1], strides = [1]} : vector<16xi32> to vector<1xi32>
      %squeeze3A_512 = vector.extract %slice3A_511[0] : i32 from vector<1xi32>
      %shift_right_arithmetic3A_513 = arith.constant 3 : i32
      %shift_right_arithmetic3A_514 = arith.shrsi %squeeze3A_510, %shift_right_arithmetic3A_513 : i32
      %and3A_515 = arith.constant 7 : i32
      %and3A_516 = arith.andi %squeeze3A_510, %and3A_515 : i32
      %dma_start3A_517 = arith.constant 64 : i32
      %dma_start3A_518 = tpu.memref_slice %arg16[%add3A_508, %dma_start3A_517] : memref<256x128xf32, #tpu.memory_space<vmem>> -> memref<1x64xf32, #tpu.memory_space<vmem>>
      %dma_start3A_519 = tpu.memref_squeeze %dma_start3A_518 : memref<1x64xf32, #tpu.memory_space<vmem>> -> memref<64xf32, #tpu.memory_space<vmem>>
      %dma_start3A_520 = arith.constant 0 : i32
      %dma_start3A_521 = tpu.memref_slice %arg6[%shift_right_arithmetic3A_514, %and3A_516, %dma_start3A_520] : memref<12500x8x64xf32, #tpu.memory_space<hbm>> -> memref<1x1x64xf32, #tpu.memory_space<hbm>>
      %dma_start3A_522 = tpu.memref_squeeze %dma_start3A_521 : memref<1x1x64xf32, #tpu.memory_space<hbm>> -> memref<64xf32, #tpu.memory_space<hbm>>
      %dma_start3A_523 = arith.constant 64 : i32
      %dma_start3A_524 = tpu.memref_slice %arg16[%add3A_508, %dma_start3A_523] : memref<256x128xf32, #tpu.memory_space<vmem>> -> memref<1x64xf32, #tpu.memory_space<vmem>>
      %dma_start3A_525 = tpu.memref_squeeze %dma_start3A_524 : memref<1x64xf32, #tpu.memory_space<vmem>> -> memref<64xf32, #tpu.memory_space<vmem>>
      %dma_start3A_526 = arith.constant 0 : i32
      %dma_start3A_527 = tpu.memref_slice %arg6[%shift_right_arithmetic3A_514, %and3A_516, %dma_start3A_526] : memref<12500x8x64xf32, #tpu.memory_space<hbm>> -> memref<1x1x64xf32, #tpu.memory_space<hbm>>
      %dma_start3A_528 = tpu.memref_squeeze %dma_start3A_527 : memref<1x1x64xf32, #tpu.memory_space<hbm>> -> memref<64xf32, #tpu.memory_space<hbm>>
      tpu.enqueue_dma source(%dma_start3A_528 : memref<64xf32, #tpu.memory_space<hbm>>) target(%dma_start3A_525 : memref<64xf32, #tpu.memory_space<vmem>>) target_semaphore(%arg20 : memref<!tpu.dma_semaphore, #tpu.memory_space<semaphore_mem>>)
      %shift_right_arithmetic3A_529 = arith.constant 3 : i32
      %shift_right_arithmetic3A_530 = arith.shrsi %squeeze3A_512, %shift_right_arithmetic3A_529 : i32
      %and3A_531 = arith.constant 7 : i32
      %and3A_532 = arith.andi %squeeze3A_512, %and3A_531 : i32
      %dma_start3A_533 = arith.constant 64 : i32
      %dma_start3A_534 = tpu.memref_slice %arg17[%add3A_508, %dma_start3A_533] : memref<256x128xf32, #tpu.memory_space<vmem>> -> memref<1x64xf32, #tpu.memory_space<vmem>>
      %dma_start3A_535 = tpu.memref_squeeze %dma_start3A_534 : memref<1x64xf32, #tpu.memory_space<vmem>> -> memref<64xf32, #tpu.memory_space<vmem>>
      %dma_start3A_536 = arith.constant 0 : i32
      %dma_start3A_537 = tpu.memref_slice %arg6[%shift_right_arithmetic3A_530, %and3A_532, %dma_start3A_536] : memref<12500x8x64xf32, #tpu.memory_space<hbm>> -> memref<1x1x64xf32, #tpu.memory_space<hbm>>
      %dma_start3A_538 = tpu.memref_squeeze %dma_start3A_537 : memref<1x1x64xf32, #tpu.memory_space<hbm>> -> memref<64xf32, #tpu.memory_space<hbm>>
      %dma_start3A_539 = arith.constant 64 : i32
      %dma_start3A_540 = tpu.memref_slice %arg17[%add3A_508, %dma_start3A_539] : memref<256x128xf32, #tpu.memory_space<vmem>> -> memref<1x64xf32, #tpu.memory_space<vmem>>
      %dma_start3A_541 = tpu.memref_squeeze %dma_start3A_540 : memref<1x64xf32, #tpu.memory_space<vmem>> -> memref<64xf32, #tpu.memory_space<vmem>>
      %dma_start3A_542 = arith.constant 0 : i32
      %dma_start3A_543 = tpu.memref_slice %arg6[%shift_right_arithmetic3A_530, %and3A_532, %dma_start3A_542] : memref<12500x8x64xf32, #tpu.memory_space<hbm>> -> memref<1x1x64xf32, #tpu.memory_space<hbm>>
      %dma_start3A_544 = tpu.memref_squeeze %dma_start3A_543 : memref<1x1x64xf32, #tpu.memory_space<hbm>> -> memref<64xf32, #tpu.memory_space<hbm>>
      tpu.enqueue_dma source(%dma_start3A_544 : memref<64xf32, #tpu.memory_space<hbm>>) target(%dma_start3A_541 : memref<64xf32, #tpu.memory_space<vmem>>) target_semaphore(%arg20 : memref<!tpu.dma_semaphore, #tpu.memory_space<semaphore_mem>>)
      %mul3A_545 = arith.constant 8 : i32
      %mul3A_546 = arith.muli %scan3A_139, %mul3A_545 : i32
      %add3A_547 = arith.constant 5 : i32
      %add3A_548 = arith.addi %mul3A_546, %add3A_547 : i32
      %slice3A_549 = vector.extract_strided_slice %get3A_144 {offsets = [10], sizes = [1], strides = [1]} : vector<16xi32> to vector<1xi32>
      %squeeze3A_550 = vector.extract %slice3A_549[0] : i32 from vector<1xi32>
      %slice3A_551 = vector.extract_strided_slice %get3A_148 {offsets = [10], sizes = [1], strides = [1]} : vector<16xi32> to vector<1xi32>
      %squeeze3A_552 = vector.extract %slice3A_551[0] : i32 from vector<1xi32>
      %shift_right_arithmetic3A_553 = arith.constant 3 : i32
      %shift_right_arithmetic3A_554 = arith.shrsi %squeeze3A_550, %shift_right_arithmetic3A_553 : i32
      %and3A_555 = arith.constant 7 : i32
      %and3A_556 = arith.andi %squeeze3A_550, %and3A_555 : i32
      %dma_start3A_557 = arith.constant 0 : i32
      %dma_start3A_558 = tpu.memref_slice %arg16[%add3A_548, %dma_start3A_557] : memref<256x128xf32, #tpu.memory_space<vmem>> -> memref<1x64xf32, #tpu.memory_space<vmem>>
      %dma_start3A_559 = tpu.memref_squeeze %dma_start3A_558 : memref<1x64xf32, #tpu.memory_space<vmem>> -> memref<64xf32, #tpu.memory_space<vmem>>
      %dma_start3A_560 = arith.constant 0 : i32
      %dma_start3A_561 = tpu.memref_slice %arg6[%shift_right_arithmetic3A_554, %and3A_556, %dma_start3A_560] : memref<12500x8x64xf32, #tpu.memory_space<hbm>> -> memref<1x1x64xf32, #tpu.memory_space<hbm>>
      %dma_start3A_562 = tpu.memref_squeeze %dma_start3A_561 : memref<1x1x64xf32, #tpu.memory_space<hbm>> -> memref<64xf32, #tpu.memory_space<hbm>>
      %dma_start3A_563 = arith.constant 0 : i32
      %dma_start3A_564 = tpu.memref_slice %arg16[%add3A_548, %dma_start3A_563] : memref<256x128xf32, #tpu.memory_space<vmem>> -> memref<1x64xf32, #tpu.memory_space<vmem>>
      %dma_start3A_565 = tpu.memref_squeeze %dma_start3A_564 : memref<1x64xf32, #tpu.memory_space<vmem>> -> memref<64xf32, #tpu.memory_space<vmem>>
      %dma_start3A_566 = arith.constant 0 : i32
      %dma_start3A_567 = tpu.memref_slice %arg6[%shift_right_arithmetic3A_554, %and3A_556, %dma_start3A_566] : memref<12500x8x64xf32, #tpu.memory_space<hbm>> -> memref<1x1x64xf32, #tpu.memory_space<hbm>>
      %dma_start3A_568 = tpu.memref_squeeze %dma_start3A_567 : memref<1x1x64xf32, #tpu.memory_space<hbm>> -> memref<64xf32, #tpu.memory_space<hbm>>
      tpu.enqueue_dma source(%dma_start3A_568 : memref<64xf32, #tpu.memory_space<hbm>>) target(%dma_start3A_565 : memref<64xf32, #tpu.memory_space<vmem>>) target_semaphore(%arg20 : memref<!tpu.dma_semaphore, #tpu.memory_space<semaphore_mem>>)
      %shift_right_arithmetic3A_569 = arith.constant 3 : i32
      %shift_right_arithmetic3A_570 = arith.shrsi %squeeze3A_552, %shift_right_arithmetic3A_569 : i32
      %and3A_571 = arith.constant 7 : i32
      %and3A_572 = arith.andi %squeeze3A_552, %and3A_571 : i32
      %dma_start3A_573 = arith.constant 0 : i32
      %dma_start3A_574 = tpu.memref_slice %arg17[%add3A_548, %dma_start3A_573] : memref<256x128xf32, #tpu.memory_space<vmem>> -> memref<1x64xf32, #tpu.memory_space<vmem>>
      %dma_start3A_575 = tpu.memref_squeeze %dma_start3A_574 : memref<1x64xf32, #tpu.memory_space<vmem>> -> memref<64xf32, #tpu.memory_space<vmem>>
      %dma_start3A_576 = arith.constant 0 : i32
      %dma_start3A_577 = tpu.memref_slice %arg6[%shift_right_arithmetic3A_570, %and3A_572, %dma_start3A_576] : memref<12500x8x64xf32, #tpu.memory_space<hbm>> -> memref<1x1x64xf32, #tpu.memory_space<hbm>>
      %dma_start3A_578 = tpu.memref_squeeze %dma_start3A_577 : memref<1x1x64xf32, #tpu.memory_space<hbm>> -> memref<64xf32, #tpu.memory_space<hbm>>
      %dma_start3A_579 = arith.constant 0 : i32
      %dma_start3A_580 = tpu.memref_slice %arg17[%add3A_548, %dma_start3A_579] : memref<256x128xf32, #tpu.memory_space<vmem>> -> memref<1x64xf32, #tpu.memory_space<vmem>>
      %dma_start3A_581 = tpu.memref_squeeze %dma_start3A_580 : memref<1x64xf32, #tpu.memory_space<vmem>> -> memref<64xf32, #tpu.memory_space<vmem>>
      %dma_start3A_582 = arith.constant 0 : i32
      %dma_start3A_583 = tpu.memref_slice %arg6[%shift_right_arithmetic3A_570, %and3A_572, %dma_start3A_582] : memref<12500x8x64xf32, #tpu.memory_space<hbm>> -> memref<1x1x64xf32, #tpu.memory_space<hbm>>
      %dma_start3A_584 = tpu.memref_squeeze %dma_start3A_583 : memref<1x1x64xf32, #tpu.memory_space<hbm>> -> memref<64xf32, #tpu.memory_space<hbm>>
      tpu.enqueue_dma source(%dma_start3A_584 : memref<64xf32, #tpu.memory_space<hbm>>) target(%dma_start3A_581 : memref<64xf32, #tpu.memory_space<vmem>>) target_semaphore(%arg20 : memref<!tpu.dma_semaphore, #tpu.memory_space<semaphore_mem>>)
      %mul3A_585 = arith.constant 8 : i32
      %mul3A_586 = arith.muli %scan3A_139, %mul3A_585 : i32
      %add3A_587 = arith.constant 5 : i32
      %add3A_588 = arith.addi %mul3A_586, %add3A_587 : i32
      %slice3A_589 = vector.extract_strided_slice %get3A_144 {offsets = [11], sizes = [1], strides = [1]} : vector<16xi32> to vector<1xi32>
      %squeeze3A_590 = vector.extract %slice3A_589[0] : i32 from vector<1xi32>
      %slice3A_591 = vector.extract_strided_slice %get3A_148 {offsets = [11], sizes = [1], strides = [1]} : vector<16xi32> to vector<1xi32>
      %squeeze3A_592 = vector.extract %slice3A_591[0] : i32 from vector<1xi32>
      %shift_right_arithmetic3A_593 = arith.constant 3 : i32
      %shift_right_arithmetic3A_594 = arith.shrsi %squeeze3A_590, %shift_right_arithmetic3A_593 : i32
      %and3A_595 = arith.constant 7 : i32
      %and3A_596 = arith.andi %squeeze3A_590, %and3A_595 : i32
      %dma_start3A_597 = arith.constant 64 : i32
      %dma_start3A_598 = tpu.memref_slice %arg16[%add3A_588, %dma_start3A_597] : memref<256x128xf32, #tpu.memory_space<vmem>> -> memref<1x64xf32, #tpu.memory_space<vmem>>
      %dma_start3A_599 = tpu.memref_squeeze %dma_start3A_598 : memref<1x64xf32, #tpu.memory_space<vmem>> -> memref<64xf32, #tpu.memory_space<vmem>>
      %dma_start3A_600 = arith.constant 0 : i32
      %dma_start3A_601 = tpu.memref_slice %arg6[%shift_right_arithmetic3A_594, %and3A_596, %dma_start3A_600] : memref<12500x8x64xf32, #tpu.memory_space<hbm>> -> memref<1x1x64xf32, #tpu.memory_space<hbm>>
      %dma_start3A_602 = tpu.memref_squeeze %dma_start3A_601 : memref<1x1x64xf32, #tpu.memory_space<hbm>> -> memref<64xf32, #tpu.memory_space<hbm>>
      %dma_start3A_603 = arith.constant 64 : i32
      %dma_start3A_604 = tpu.memref_slice %arg16[%add3A_588, %dma_start3A_603] : memref<256x128xf32, #tpu.memory_space<vmem>> -> memref<1x64xf32, #tpu.memory_space<vmem>>
      %dma_start3A_605 = tpu.memref_squeeze %dma_start3A_604 : memref<1x64xf32, #tpu.memory_space<vmem>> -> memref<64xf32, #tpu.memory_space<vmem>>
      %dma_start3A_606 = arith.constant 0 : i32
      %dma_start3A_607 = tpu.memref_slice %arg6[%shift_right_arithmetic3A_594, %and3A_596, %dma_start3A_606] : memref<12500x8x64xf32, #tpu.memory_space<hbm>> -> memref<1x1x64xf32, #tpu.memory_space<hbm>>
      %dma_start3A_608 = tpu.memref_squeeze %dma_start3A_607 : memref<1x1x64xf32, #tpu.memory_space<hbm>> -> memref<64xf32, #tpu.memory_space<hbm>>
      tpu.enqueue_dma source(%dma_start3A_608 : memref<64xf32, #tpu.memory_space<hbm>>) target(%dma_start3A_605 : memref<64xf32, #tpu.memory_space<vmem>>) target_semaphore(%arg20 : memref<!tpu.dma_semaphore, #tpu.memory_space<semaphore_mem>>)
      %shift_right_arithmetic3A_609 = arith.constant 3 : i32
      %shift_right_arithmetic3A_610 = arith.shrsi %squeeze3A_592, %shift_right_arithmetic3A_609 : i32
      %and3A_611 = arith.constant 7 : i32
      %and3A_612 = arith.andi %squeeze3A_592, %and3A_611 : i32
      %dma_start3A_613 = arith.constant 64 : i32
      %dma_start3A_614 = tpu.memref_slice %arg17[%add3A_588, %dma_start3A_613] : memref<256x128xf32, #tpu.memory_space<vmem>> -> memref<1x64xf32, #tpu.memory_space<vmem>>
      %dma_start3A_615 = tpu.memref_squeeze %dma_start3A_614 : memref<1x64xf32, #tpu.memory_space<vmem>> -> memref<64xf32, #tpu.memory_space<vmem>>
      %dma_start3A_616 = arith.constant 0 : i32
      %dma_start3A_617 = tpu.memref_slice %arg6[%shift_right_arithmetic3A_610, %and3A_612, %dma_start3A_616] : memref<12500x8x64xf32, #tpu.memory_space<hbm>> -> memref<1x1x64xf32, #tpu.memory_space<hbm>>
      %dma_start3A_618 = tpu.memref_squeeze %dma_start3A_617 : memref<1x1x64xf32, #tpu.memory_space<hbm>> -> memref<64xf32, #tpu.memory_space<hbm>>
      %dma_start3A_619 = arith.constant 64 : i32
      %dma_start3A_620 = tpu.memref_slice %arg17[%add3A_588, %dma_start3A_619] : memref<256x128xf32, #tpu.memory_space<vmem>> -> memref<1x64xf32, #tpu.memory_space<vmem>>
      %dma_start3A_621 = tpu.memref_squeeze %dma_start3A_620 : memref<1x64xf32, #tpu.memory_space<vmem>> -> memref<64xf32, #tpu.memory_space<vmem>>
      %dma_start3A_622 = arith.constant 0 : i32
      %dma_start3A_623 = tpu.memref_slice %arg6[%shift_right_arithmetic3A_610, %and3A_612, %dma_start3A_622] : memref<12500x8x64xf32, #tpu.memory_space<hbm>> -> memref<1x1x64xf32, #tpu.memory_space<hbm>>
      %dma_start3A_624 = tpu.memref_squeeze %dma_start3A_623 : memref<1x1x64xf32, #tpu.memory_space<hbm>> -> memref<64xf32, #tpu.memory_space<hbm>>
      tpu.enqueue_dma source(%dma_start3A_624 : memref<64xf32, #tpu.memory_space<hbm>>) target(%dma_start3A_621 : memref<64xf32, #tpu.memory_space<vmem>>) target_semaphore(%arg20 : memref<!tpu.dma_semaphore, #tpu.memory_space<semaphore_mem>>)
      %mul3A_625 = arith.constant 8 : i32
      %mul3A_626 = arith.muli %scan3A_139, %mul3A_625 : i32
      %add3A_627 = arith.constant 6 : i32
      %add3A_628 = arith.addi %mul3A_626, %add3A_627 : i32
      %slice3A_629 = vector.extract_strided_slice %get3A_144 {offsets = [12], sizes = [1], strides = [1]} : vector<16xi32> to vector<1xi32>
      %squeeze3A_630 = vector.extract %slice3A_629[0] : i32 from vector<1xi32>
      %slice3A_631 = vector.extract_strided_slice %get3A_148 {offsets = [12], sizes = [1], strides = [1]} : vector<16xi32> to vector<1xi32>
      %squeeze3A_632 = vector.extract %slice3A_631[0] : i32 from vector<1xi32>
      %shift_right_arithmetic3A_633 = arith.constant 3 : i32
      %shift_right_arithmetic3A_634 = arith.shrsi %squeeze3A_630, %shift_right_arithmetic3A_633 : i32
      %and3A_635 = arith.constant 7 : i32
      %and3A_636 = arith.andi %squeeze3A_630, %and3A_635 : i32
      %dma_start3A_637 = arith.constant 0 : i32
      %dma_start3A_638 = tpu.memref_slice %arg16[%add3A_628, %dma_start3A_637] : memref<256x128xf32, #tpu.memory_space<vmem>> -> memref<1x64xf32, #tpu.memory_space<vmem>>
      %dma_start3A_639 = tpu.memref_squeeze %dma_start3A_638 : memref<1x64xf32, #tpu.memory_space<vmem>> -> memref<64xf32, #tpu.memory_space<vmem>>
      %dma_start3A_640 = arith.constant 0 : i32
      %dma_start3A_641 = tpu.memref_slice %arg6[%shift_right_arithmetic3A_634, %and3A_636, %dma_start3A_640] : memref<12500x8x64xf32, #tpu.memory_space<hbm>> -> memref<1x1x64xf32, #tpu.memory_space<hbm>>
      %dma_start3A_642 = tpu.memref_squeeze %dma_start3A_641 : memref<1x1x64xf32, #tpu.memory_space<hbm>> -> memref<64xf32, #tpu.memory_space<hbm>>
      %dma_start3A_643 = arith.constant 0 : i32
      %dma_start3A_644 = tpu.memref_slice %arg16[%add3A_628, %dma_start3A_643] : memref<256x128xf32, #tpu.memory_space<vmem>> -> memref<1x64xf32, #tpu.memory_space<vmem>>
      %dma_start3A_645 = tpu.memref_squeeze %dma_start3A_644 : memref<1x64xf32, #tpu.memory_space<vmem>> -> memref<64xf32, #tpu.memory_space<vmem>>
      %dma_start3A_646 = arith.constant 0 : i32
      %dma_start3A_647 = tpu.memref_slice %arg6[%shift_right_arithmetic3A_634, %and3A_636, %dma_start3A_646] : memref<12500x8x64xf32, #tpu.memory_space<hbm>> -> memref<1x1x64xf32, #tpu.memory_space<hbm>>
      %dma_start3A_648 = tpu.memref_squeeze %dma_start3A_647 : memref<1x1x64xf32, #tpu.memory_space<hbm>> -> memref<64xf32, #tpu.memory_space<hbm>>
      tpu.enqueue_dma source(%dma_start3A_648 : memref<64xf32, #tpu.memory_space<hbm>>) target(%dma_start3A_645 : memref<64xf32, #tpu.memory_space<vmem>>) target_semaphore(%arg20 : memref<!tpu.dma_semaphore, #tpu.memory_space<semaphore_mem>>)
      %shift_right_arithmetic3A_649 = arith.constant 3 : i32
      %shift_right_arithmetic3A_650 = arith.shrsi %squeeze3A_632, %shift_right_arithmetic3A_649 : i32
      %and3A_651 = arith.constant 7 : i32
      %and3A_652 = arith.andi %squeeze3A_632, %and3A_651 : i32
      %dma_start3A_653 = arith.constant 0 : i32
      %dma_start3A_654 = tpu.memref_slice %arg17[%add3A_628, %dma_start3A_653] : memref<256x128xf32, #tpu.memory_space<vmem>> -> memref<1x64xf32, #tpu.memory_space<vmem>>
      %dma_start3A_655 = tpu.memref_squeeze %dma_start3A_654 : memref<1x64xf32, #tpu.memory_space<vmem>> -> memref<64xf32, #tpu.memory_space<vmem>>
      %dma_start3A_656 = arith.constant 0 : i32
      %dma_start3A_657 = tpu.memref_slice %arg6[%shift_right_arithmetic3A_650, %and3A_652, %dma_start3A_656] : memref<12500x8x64xf32, #tpu.memory_space<hbm>> -> memref<1x1x64xf32, #tpu.memory_space<hbm>>
      %dma_start3A_658 = tpu.memref_squeeze %dma_start3A_657 : memref<1x1x64xf32, #tpu.memory_space<hbm>> -> memref<64xf32, #tpu.memory_space<hbm>>
      %dma_start3A_659 = arith.constant 0 : i32
      %dma_start3A_660 = tpu.memref_slice %arg17[%add3A_628, %dma_start3A_659] : memref<256x128xf32, #tpu.memory_space<vmem>> -> memref<1x64xf32, #tpu.memory_space<vmem>>
      %dma_start3A_661 = tpu.memref_squeeze %dma_start3A_660 : memref<1x64xf32, #tpu.memory_space<vmem>> -> memref<64xf32, #tpu.memory_space<vmem>>
      %dma_start3A_662 = arith.constant 0 : i32
      %dma_start3A_663 = tpu.memref_slice %arg6[%shift_right_arithmetic3A_650, %and3A_652, %dma_start3A_662] : memref<12500x8x64xf32, #tpu.memory_space<hbm>> -> memref<1x1x64xf32, #tpu.memory_space<hbm>>
      %dma_start3A_664 = tpu.memref_squeeze %dma_start3A_663 : memref<1x1x64xf32, #tpu.memory_space<hbm>> -> memref<64xf32, #tpu.memory_space<hbm>>
      tpu.enqueue_dma source(%dma_start3A_664 : memref<64xf32, #tpu.memory_space<hbm>>) target(%dma_start3A_661 : memref<64xf32, #tpu.memory_space<vmem>>) target_semaphore(%arg20 : memref<!tpu.dma_semaphore, #tpu.memory_space<semaphore_mem>>)
      %mul3A_665 = arith.constant 8 : i32
      %mul3A_666 = arith.muli %scan3A_139, %mul3A_665 : i32
      %add3A_667 = arith.constant 6 : i32
      %add3A_668 = arith.addi %mul3A_666, %add3A_667 : i32
      %slice3A_669 = vector.extract_strided_slice %get3A_144 {offsets = [13], sizes = [1], strides = [1]} : vector<16xi32> to vector<1xi32>
      %squeeze3A_670 = vector.extract %slice3A_669[0] : i32 from vector<1xi32>
      %slice3A_671 = vector.extract_strided_slice %get3A_148 {offsets = [13], sizes = [1], strides = [1]} : vector<16xi32> to vector<1xi32>
      %squeeze3A_672 = vector.extract %slice3A_671[0] : i32 from vector<1xi32>
      %shift_right_arithmetic3A_673 = arith.constant 3 : i32
      %shift_right_arithmetic3A_674 = arith.shrsi %squeeze3A_670, %shift_right_arithmetic3A_673 : i32
      %and3A_675 = arith.constant 7 : i32
      %and3A_676 = arith.andi %squeeze3A_670, %and3A_675 : i32
      %dma_start3A_677 = arith.constant 64 : i32
      %dma_start3A_678 = tpu.memref_slice %arg16[%add3A_668, %dma_start3A_677] : memref<256x128xf32, #tpu.memory_space<vmem>> -> memref<1x64xf32, #tpu.memory_space<vmem>>
      %dma_start3A_679 = tpu.memref_squeeze %dma_start3A_678 : memref<1x64xf32, #tpu.memory_space<vmem>> -> memref<64xf32, #tpu.memory_space<vmem>>
      %dma_start3A_680 = arith.constant 0 : i32
      %dma_start3A_681 = tpu.memref_slice %arg6[%shift_right_arithmetic3A_674, %and3A_676, %dma_start3A_680] : memref<12500x8x64xf32, #tpu.memory_space<hbm>> -> memref<1x1x64xf32, #tpu.memory_space<hbm>>
      %dma_start3A_682 = tpu.memref_squeeze %dma_start3A_681 : memref<1x1x64xf32, #tpu.memory_space<hbm>> -> memref<64xf32, #tpu.memory_space<hbm>>
      %dma_start3A_683 = arith.constant 64 : i32
      %dma_start3A_684 = tpu.memref_slice %arg16[%add3A_668, %dma_start3A_683] : memref<256x128xf32, #tpu.memory_space<vmem>> -> memref<1x64xf32, #tpu.memory_space<vmem>>
      %dma_start3A_685 = tpu.memref_squeeze %dma_start3A_684 : memref<1x64xf32, #tpu.memory_space<vmem>> -> memref<64xf32, #tpu.memory_space<vmem>>
      %dma_start3A_686 = arith.constant 0 : i32
      %dma_start3A_687 = tpu.memref_slice %arg6[%shift_right_arithmetic3A_674, %and3A_676, %dma_start3A_686] : memref<12500x8x64xf32, #tpu.memory_space<hbm>> -> memref<1x1x64xf32, #tpu.memory_space<hbm>>
      %dma_start3A_688 = tpu.memref_squeeze %dma_start3A_687 : memref<1x1x64xf32, #tpu.memory_space<hbm>> -> memref<64xf32, #tpu.memory_space<hbm>>
      tpu.enqueue_dma source(%dma_start3A_688 : memref<64xf32, #tpu.memory_space<hbm>>) target(%dma_start3A_685 : memref<64xf32, #tpu.memory_space<vmem>>) target_semaphore(%arg20 : memref<!tpu.dma_semaphore, #tpu.memory_space<semaphore_mem>>)
      %shift_right_arithmetic3A_689 = arith.constant 3 : i32
      %shift_right_arithmetic3A_690 = arith.shrsi %squeeze3A_672, %shift_right_arithmetic3A_689 : i32
      %and3A_691 = arith.constant 7 : i32
      %and3A_692 = arith.andi %squeeze3A_672, %and3A_691 : i32
      %dma_start3A_693 = arith.constant 64 : i32
      %dma_start3A_694 = tpu.memref_slice %arg17[%add3A_668, %dma_start3A_693] : memref<256x128xf32, #tpu.memory_space<vmem>> -> memref<1x64xf32, #tpu.memory_space<vmem>>
      %dma_start3A_695 = tpu.memref_squeeze %dma_start3A_694 : memref<1x64xf32, #tpu.memory_space<vmem>> -> memref<64xf32, #tpu.memory_space<vmem>>
      %dma_start3A_696 = arith.constant 0 : i32
      %dma_start3A_697 = tpu.memref_slice %arg6[%shift_right_arithmetic3A_690, %and3A_692, %dma_start3A_696] : memref<12500x8x64xf32, #tpu.memory_space<hbm>> -> memref<1x1x64xf32, #tpu.memory_space<hbm>>
      %dma_start3A_698 = tpu.memref_squeeze %dma_start3A_697 : memref<1x1x64xf32, #tpu.memory_space<hbm>> -> memref<64xf32, #tpu.memory_space<hbm>>
      %dma_start3A_699 = arith.constant 64 : i32
      %dma_start3A_700 = tpu.memref_slice %arg17[%add3A_668, %dma_start3A_699] : memref<256x128xf32, #tpu.memory_space<vmem>> -> memref<1x64xf32, #tpu.memory_space<vmem>>
      %dma_start3A_701 = tpu.memref_squeeze %dma_start3A_700 : memref<1x64xf32, #tpu.memory_space<vmem>> -> memref<64xf32, #tpu.memory_space<vmem>>
      %dma_start3A_702 = arith.constant 0 : i32
      %dma_start3A_703 = tpu.memref_slice %arg6[%shift_right_arithmetic3A_690, %and3A_692, %dma_start3A_702] : memref<12500x8x64xf32, #tpu.memory_space<hbm>> -> memref<1x1x64xf32, #tpu.memory_space<hbm>>
      %dma_start3A_704 = tpu.memref_squeeze %dma_start3A_703 : memref<1x1x64xf32, #tpu.memory_space<hbm>> -> memref<64xf32, #tpu.memory_space<hbm>>
      tpu.enqueue_dma source(%dma_start3A_704 : memref<64xf32, #tpu.memory_space<hbm>>) target(%dma_start3A_701 : memref<64xf32, #tpu.memory_space<vmem>>) target_semaphore(%arg20 : memref<!tpu.dma_semaphore, #tpu.memory_space<semaphore_mem>>)
      %mul3A_705 = arith.constant 8 : i32
      %mul3A_706 = arith.muli %scan3A_139, %mul3A_705 : i32
      %add3A_707 = arith.constant 7 : i32
      %add3A_708 = arith.addi %mul3A_706, %add3A_707 : i32
      %slice3A_709 = vector.extract_strided_slice %get3A_144 {offsets = [14], sizes = [1], strides = [1]} : vector<16xi32> to vector<1xi32>
      %squeeze3A_710 = vector.extract %slice3A_709[0] : i32 from vector<1xi32>
      %slice3A_711 = vector.extract_strided_slice %get3A_148 {offsets = [14], sizes = [1], strides = [1]} : vector<16xi32> to vector<1xi32>
      %squeeze3A_712 = vector.extract %slice3A_711[0] : i32 from vector<1xi32>
      %shift_right_arithmetic3A_713 = arith.constant 3 : i32
      %shift_right_arithmetic3A_714 = arith.shrsi %squeeze3A_710, %shift_right_arithmetic3A_713 : i32
      %and3A_715 = arith.constant 7 : i32
      %and3A_716 = arith.andi %squeeze3A_710, %and3A_715 : i32
      %dma_start3A_717 = arith.constant 0 : i32
      %dma_start3A_718 = tpu.memref_slice %arg16[%add3A_708, %dma_start3A_717] : memref<256x128xf32, #tpu.memory_space<vmem>> -> memref<1x64xf32, #tpu.memory_space<vmem>>
      %dma_start3A_719 = tpu.memref_squeeze %dma_start3A_718 : memref<1x64xf32, #tpu.memory_space<vmem>> -> memref<64xf32, #tpu.memory_space<vmem>>
      %dma_start3A_720 = arith.constant 0 : i32
      %dma_start3A_721 = tpu.memref_slice %arg6[%shift_right_arithmetic3A_714, %and3A_716, %dma_start3A_720] : memref<12500x8x64xf32, #tpu.memory_space<hbm>> -> memref<1x1x64xf32, #tpu.memory_space<hbm>>
      %dma_start3A_722 = tpu.memref_squeeze %dma_start3A_721 : memref<1x1x64xf32, #tpu.memory_space<hbm>> -> memref<64xf32, #tpu.memory_space<hbm>>
      %dma_start3A_723 = arith.constant 0 : i32
      %dma_start3A_724 = tpu.memref_slice %arg16[%add3A_708, %dma_start3A_723] : memref<256x128xf32, #tpu.memory_space<vmem>> -> memref<1x64xf32, #tpu.memory_space<vmem>>
      %dma_start3A_725 = tpu.memref_squeeze %dma_start3A_724 : memref<1x64xf32, #tpu.memory_space<vmem>> -> memref<64xf32, #tpu.memory_space<vmem>>
      %dma_start3A_726 = arith.constant 0 : i32
      %dma_start3A_727 = tpu.memref_slice %arg6[%shift_right_arithmetic3A_714, %and3A_716, %dma_start3A_726] : memref<12500x8x64xf32, #tpu.memory_space<hbm>> -> memref<1x1x64xf32, #tpu.memory_space<hbm>>
      %dma_start3A_728 = tpu.memref_squeeze %dma_start3A_727 : memref<1x1x64xf32, #tpu.memory_space<hbm>> -> memref<64xf32, #tpu.memory_space<hbm>>
      tpu.enqueue_dma source(%dma_start3A_728 : memref<64xf32, #tpu.memory_space<hbm>>) target(%dma_start3A_725 : memref<64xf32, #tpu.memory_space<vmem>>) target_semaphore(%arg20 : memref<!tpu.dma_semaphore, #tpu.memory_space<semaphore_mem>>)
      %shift_right_arithmetic3A_729 = arith.constant 3 : i32
      %shift_right_arithmetic3A_730 = arith.shrsi %squeeze3A_712, %shift_right_arithmetic3A_729 : i32
      %and3A_731 = arith.constant 7 : i32
      %and3A_732 = arith.andi %squeeze3A_712, %and3A_731 : i32
      %dma_start3A_733 = arith.constant 0 : i32
      %dma_start3A_734 = tpu.memref_slice %arg17[%add3A_708, %dma_start3A_733] : memref<256x128xf32, #tpu.memory_space<vmem>> -> memref<1x64xf32, #tpu.memory_space<vmem>>
      %dma_start3A_735 = tpu.memref_squeeze %dma_start3A_734 : memref<1x64xf32, #tpu.memory_space<vmem>> -> memref<64xf32, #tpu.memory_space<vmem>>
      %dma_start3A_736 = arith.constant 0 : i32
      %dma_start3A_737 = tpu.memref_slice %arg6[%shift_right_arithmetic3A_730, %and3A_732, %dma_start3A_736] : memref<12500x8x64xf32, #tpu.memory_space<hbm>> -> memref<1x1x64xf32, #tpu.memory_space<hbm>>
      %dma_start3A_738 = tpu.memref_squeeze %dma_start3A_737 : memref<1x1x64xf32, #tpu.memory_space<hbm>> -> memref<64xf32, #tpu.memory_space<hbm>>
      %dma_start3A_739 = arith.constant 0 : i32
      %dma_start3A_740 = tpu.memref_slice %arg17[%add3A_708, %dma_start3A_739] : memref<256x128xf32, #tpu.memory_space<vmem>> -> memref<1x64xf32, #tpu.memory_space<vmem>>
      %dma_start3A_741 = tpu.memref_squeeze %dma_start3A_740 : memref<1x64xf32, #tpu.memory_space<vmem>> -> memref<64xf32, #tpu.memory_space<vmem>>
      %dma_start3A_742 = arith.constant 0 : i32
      %dma_start3A_743 = tpu.memref_slice %arg6[%shift_right_arithmetic3A_730, %and3A_732, %dma_start3A_742] : memref<12500x8x64xf32, #tpu.memory_space<hbm>> -> memref<1x1x64xf32, #tpu.memory_space<hbm>>
      %dma_start3A_744 = tpu.memref_squeeze %dma_start3A_743 : memref<1x1x64xf32, #tpu.memory_space<hbm>> -> memref<64xf32, #tpu.memory_space<hbm>>
      tpu.enqueue_dma source(%dma_start3A_744 : memref<64xf32, #tpu.memory_space<hbm>>) target(%dma_start3A_741 : memref<64xf32, #tpu.memory_space<vmem>>) target_semaphore(%arg20 : memref<!tpu.dma_semaphore, #tpu.memory_space<semaphore_mem>>)
      %mul3A_745 = arith.constant 8 : i32
      %mul3A_746 = arith.muli %scan3A_139, %mul3A_745 : i32
      %add3A_747 = arith.constant 7 : i32
      %add3A_748 = arith.addi %mul3A_746, %add3A_747 : i32
      %slice3A_749 = vector.extract_strided_slice %get3A_144 {offsets = [15], sizes = [1], strides = [1]} : vector<16xi32> to vector<1xi32>
      %squeeze3A_750 = vector.extract %slice3A_749[0] : i32 from vector<1xi32>
      %slice3A_751 = vector.extract_strided_slice %get3A_148 {offsets = [15], sizes = [1], strides = [1]} : vector<16xi32> to vector<1xi32>
      %squeeze3A_752 = vector.extract %slice3A_751[0] : i32 from vector<1xi32>
      %shift_right_arithmetic3A_753 = arith.constant 3 : i32
      %shift_right_arithmetic3A_754 = arith.shrsi %squeeze3A_750, %shift_right_arithmetic3A_753 : i32
      %and3A_755 = arith.constant 7 : i32
      %and3A_756 = arith.andi %squeeze3A_750, %and3A_755 : i32
      %dma_start3A_757 = arith.constant 64 : i32
      %dma_start3A_758 = tpu.memref_slice %arg16[%add3A_748, %dma_start3A_757] : memref<256x128xf32, #tpu.memory_space<vmem>> -> memref<1x64xf32, #tpu.memory_space<vmem>>
      %dma_start3A_759 = tpu.memref_squeeze %dma_start3A_758 : memref<1x64xf32, #tpu.memory_space<vmem>> -> memref<64xf32, #tpu.memory_space<vmem>>
      %dma_start3A_760 = arith.constant 0 : i32
      %dma_start3A_761 = tpu.memref_slice %arg6[%shift_right_arithmetic3A_754, %and3A_756, %dma_start3A_760] : memref<12500x8x64xf32, #tpu.memory_space<hbm>> -> memref<1x1x64xf32, #tpu.memory_space<hbm>>
      %dma_start3A_762 = tpu.memref_squeeze %dma_start3A_761 : memref<1x1x64xf32, #tpu.memory_space<hbm>> -> memref<64xf32, #tpu.memory_space<hbm>>
      %dma_start3A_763 = arith.constant 64 : i32
      %dma_start3A_764 = tpu.memref_slice %arg16[%add3A_748, %dma_start3A_763] : memref<256x128xf32, #tpu.memory_space<vmem>> -> memref<1x64xf32, #tpu.memory_space<vmem>>
      %dma_start3A_765 = tpu.memref_squeeze %dma_start3A_764 : memref<1x64xf32, #tpu.memory_space<vmem>> -> memref<64xf32, #tpu.memory_space<vmem>>
      %dma_start3A_766 = arith.constant 0 : i32
      %dma_start3A_767 = tpu.memref_slice %arg6[%shift_right_arithmetic3A_754, %and3A_756, %dma_start3A_766] : memref<12500x8x64xf32, #tpu.memory_space<hbm>> -> memref<1x1x64xf32, #tpu.memory_space<hbm>>
      %dma_start3A_768 = tpu.memref_squeeze %dma_start3A_767 : memref<1x1x64xf32, #tpu.memory_space<hbm>> -> memref<64xf32, #tpu.memory_space<hbm>>
      tpu.enqueue_dma source(%dma_start3A_768 : memref<64xf32, #tpu.memory_space<hbm>>) target(%dma_start3A_765 : memref<64xf32, #tpu.memory_space<vmem>>) target_semaphore(%arg20 : memref<!tpu.dma_semaphore, #tpu.memory_space<semaphore_mem>>)
      %shift_right_arithmetic3A_769 = arith.constant 3 : i32
      %shift_right_arithmetic3A_770 = arith.shrsi %squeeze3A_752, %shift_right_arithmetic3A_769 : i32
      %and3A_771 = arith.constant 7 : i32
      %and3A_772 = arith.andi %squeeze3A_752, %and3A_771 : i32
      %dma_start3A_773 = arith.constant 64 : i32
      %dma_start3A_774 = tpu.memref_slice %arg17[%add3A_748, %dma_start3A_773] : memref<256x128xf32, #tpu.memory_space<vmem>> -> memref<1x64xf32, #tpu.memory_space<vmem>>
      %dma_start3A_775 = tpu.memref_squeeze %dma_start3A_774 : memref<1x64xf32, #tpu.memory_space<vmem>> -> memref<64xf32, #tpu.memory_space<vmem>>
      %dma_start3A_776 = arith.constant 0 : i32
      %dma_start3A_777 = tpu.memref_slice %arg6[%shift_right_arithmetic3A_770, %and3A_772, %dma_start3A_776] : memref<12500x8x64xf32, #tpu.memory_space<hbm>> -> memref<1x1x64xf32, #tpu.memory_space<hbm>>
      %dma_start3A_778 = tpu.memref_squeeze %dma_start3A_777 : memref<1x1x64xf32, #tpu.memory_space<hbm>> -> memref<64xf32, #tpu.memory_space<hbm>>
      %dma_start3A_779 = arith.constant 64 : i32
      %dma_start3A_780 = tpu.memref_slice %arg17[%add3A_748, %dma_start3A_779] : memref<256x128xf32, #tpu.memory_space<vmem>> -> memref<1x64xf32, #tpu.memory_space<vmem>>
      %dma_start3A_781 = tpu.memref_squeeze %dma_start3A_780 : memref<1x64xf32, #tpu.memory_space<vmem>> -> memref<64xf32, #tpu.memory_space<vmem>>
      %dma_start3A_782 = arith.constant 0 : i32
      %dma_start3A_783 = tpu.memref_slice %arg6[%shift_right_arithmetic3A_770, %and3A_772, %dma_start3A_782] : memref<12500x8x64xf32, #tpu.memory_space<hbm>> -> memref<1x1x64xf32, #tpu.memory_space<hbm>>
      %dma_start3A_784 = tpu.memref_squeeze %dma_start3A_783 : memref<1x1x64xf32, #tpu.memory_space<hbm>> -> memref<64xf32, #tpu.memory_space<hbm>>
      tpu.enqueue_dma source(%dma_start3A_784 : memref<64xf32, #tpu.memory_space<hbm>>) target(%dma_start3A_781 : memref<64xf32, #tpu.memory_space<vmem>>) target_semaphore(%arg20 : memref<!tpu.dma_semaphore, #tpu.memory_space<semaphore_mem>>)
      %scan3A_785 = arith.constant 0 : i32
      scf.yield %scan3A_785 : i32
    }
    %scan3A_76 = arith.constant 32 : i32
    tpu.wait_dma2 semaphore(%arg20 : memref<!tpu.dma_semaphore, #tpu.memory_space<semaphore_mem>>) src(%arg8 : memref<256x128xf32, #tpu.memory_space<hbm>>) dst(%arg16 : memref<256x128xf32, #tpu.memory_space<vmem>>)
    tpu.wait_dma2 semaphore(%arg20 : memref<!tpu.dma_semaphore, #tpu.memory_space<semaphore_mem>>) src(%arg8 : memref<256x128xf32, #tpu.memory_space<hbm>>) dst(%arg17 : memref<256x128xf32, #tpu.memory_space<vmem>>)
    %dma_wait3A_77 = arith.constant 0 : i32
    %dma_wait3A_78 = tpu.memref_slice %arg13[%dma_wait3A_77] : memref<512xf32, #tpu.memory_space<vmem>> -> memref<128xf32, #tpu.memory_space<vmem>>
    %dma_wait3A_79 = arith.constant 0 : i32
    %dma_wait3A_80 = tpu.memref_slice %arg10[%dma_wait3A_79] : memref<512xi32, #tpu.memory_space<vmem>> -> memref<128xi32, #tpu.memory_space<vmem>>
    %dma_wait3A_81 = arith.constant 0 : i32
    %dma_wait3A_82 = tpu.memref_slice %arg7[%dma_wait3A_81] : memref<100000xf32, #tpu.memory_space<hbm>> -> memref<100000xf32, #tpu.memory_space<hbm>>
    tpu.wait_indirect_dma semaphore(%arg19 : memref<!tpu.dma_semaphore, #tpu.memory_space<semaphore_mem>>) src(%dma_wait3A_82 : memref<100000xf32, #tpu.memory_space<hbm>>) dst(%dma_wait3A_78 : memref<128xf32, #tpu.memory_space<vmem>>)
    %dma_wait3A_83 = arith.constant 0 : i32
    %dma_wait3A_84 = tpu.memref_slice %arg14[%dma_wait3A_83] : memref<512xf32, #tpu.memory_space<vmem>> -> memref<128xf32, #tpu.memory_space<vmem>>
    %dma_wait3A_85 = arith.constant 0 : i32
    %dma_wait3A_86 = tpu.memref_slice %arg11[%dma_wait3A_85] : memref<512xi32, #tpu.memory_space<vmem>> -> memref<128xi32, #tpu.memory_space<vmem>>
    %dma_wait3A_87 = arith.constant 0 : i32
    %dma_wait3A_88 = tpu.memref_slice %arg7[%dma_wait3A_87] : memref<100000xf32, #tpu.memory_space<hbm>> -> memref<100000xf32, #tpu.memory_space<hbm>>
    tpu.wait_indirect_dma semaphore(%arg19 : memref<!tpu.dma_semaphore, #tpu.memory_space<semaphore_mem>>) src(%dma_wait3A_88 : memref<100000xf32, #tpu.memory_space<hbm>>) dst(%dma_wait3A_84 : memref<128xf32, #tpu.memory_space<vmem>>)
    %dma_wait3A_89 = arith.constant 128 : i32
    %dma_wait3A_90 = tpu.memref_slice %arg13[%dma_wait3A_89] : memref<512xf32, #tpu.memory_space<vmem>> -> memref<128xf32, #tpu.memory_space<vmem>>
    %dma_wait3A_91 = arith.constant 128 : i32
    %dma_wait3A_92 = tpu.memref_slice %arg10[%dma_wait3A_91] : memref<512xi32, #tpu.memory_space<vmem>> -> memref<128xi32, #tpu.memory_space<vmem>>
    %dma_wait3A_93 = arith.constant 0 : i32
    %dma_wait3A_94 = tpu.memref_slice %arg7[%dma_wait3A_93] : memref<100000xf32, #tpu.memory_space<hbm>> -> memref<100000xf32, #tpu.memory_space<hbm>>
    tpu.wait_indirect_dma semaphore(%arg19 : memref<!tpu.dma_semaphore, #tpu.memory_space<semaphore_mem>>) src(%dma_wait3A_94 : memref<100000xf32, #tpu.memory_space<hbm>>) dst(%dma_wait3A_90 : memref<128xf32, #tpu.memory_space<vmem>>)
    %dma_wait3A_95 = arith.constant 128 : i32
    %dma_wait3A_96 = tpu.memref_slice %arg14[%dma_wait3A_95] : memref<512xf32, #tpu.memory_space<vmem>> -> memref<128xf32, #tpu.memory_space<vmem>>
    %dma_wait3A_97 = arith.constant 128 : i32
    %dma_wait3A_98 = tpu.memref_slice %arg11[%dma_wait3A_97] : memref<512xi32, #tpu.memory_space<vmem>> -> memref<128xi32, #tpu.memory_space<vmem>>
    %dma_wait3A_99 = arith.constant 0 : i32
    %dma_wait3A_100 = tpu.memref_slice %arg7[%dma_wait3A_99] : memref<100000xf32, #tpu.memory_space<hbm>> -> memref<100000xf32, #tpu.memory_space<hbm>>
    tpu.wait_indirect_dma semaphore(%arg19 : memref<!tpu.dma_semaphore, #tpu.memory_space<semaphore_mem>>) src(%dma_wait3A_100 : memref<100000xf32, #tpu.memory_space<hbm>>) dst(%dma_wait3A_96 : memref<128xf32, #tpu.memory_space<vmem>>)
    %dma_wait3A_101 = arith.constant 256 : i32
    %dma_wait3A_102 = tpu.memref_slice %arg13[%dma_wait3A_101] : memref<512xf32, #tpu.memory_space<vmem>> -> memref<128xf32, #tpu.memory_space<vmem>>
    %dma_wait3A_103 = arith.constant 256 : i32
    %dma_wait3A_104 = tpu.memref_slice %arg10[%dma_wait3A_103] : memref<512xi32, #tpu.memory_space<vmem>> -> memref<128xi32, #tpu.memory_space<vmem>>
    %dma_wait3A_105 = arith.constant 0 : i32
    %dma_wait3A_106 = tpu.memref_slice %arg7[%dma_wait3A_105] : memref<100000xf32, #tpu.memory_space<hbm>> -> memref<100000xf32, #tpu.memory_space<hbm>>
    tpu.wait_indirect_dma semaphore(%arg19 : memref<!tpu.dma_semaphore, #tpu.memory_space<semaphore_mem>>) src(%dma_wait3A_106 : memref<100000xf32, #tpu.memory_space<hbm>>) dst(%dma_wait3A_102 : memref<128xf32, #tpu.memory_space<vmem>>)
    %dma_wait3A_107 = arith.constant 256 : i32
    %dma_wait3A_108 = tpu.memref_slice %arg14[%dma_wait3A_107] : memref<512xf32, #tpu.memory_space<vmem>> -> memref<128xf32, #tpu.memory_space<vmem>>
    %dma_wait3A_109 = arith.constant 256 : i32
    %dma_wait3A_110 = tpu.memref_slice %arg11[%dma_wait3A_109] : memref<512xi32, #tpu.memory_space<vmem>> -> memref<128xi32, #tpu.memory_space<vmem>>
    %dma_wait3A_111 = arith.constant 0 : i32
    %dma_wait3A_112 = tpu.memref_slice %arg7[%dma_wait3A_111] : memref<100000xf32, #tpu.memory_space<hbm>> -> memref<100000xf32, #tpu.memory_space<hbm>>
    tpu.wait_indirect_dma semaphore(%arg19 : memref<!tpu.dma_semaphore, #tpu.memory_space<semaphore_mem>>) src(%dma_wait3A_112 : memref<100000xf32, #tpu.memory_space<hbm>>) dst(%dma_wait3A_108 : memref<128xf32, #tpu.memory_space<vmem>>)
    %dma_wait3A_113 = arith.constant 384 : i32
    %dma_wait3A_114 = tpu.memref_slice %arg13[%dma_wait3A_113] : memref<512xf32, #tpu.memory_space<vmem>> -> memref<128xf32, #tpu.memory_space<vmem>>
    %dma_wait3A_115 = arith.constant 384 : i32
    %dma_wait3A_116 = tpu.memref_slice %arg10[%dma_wait3A_115] : memref<512xi32, #tpu.memory_space<vmem>> -> memref<128xi32, #tpu.memory_space<vmem>>
    %dma_wait3A_117 = arith.constant 0 : i32
    %dma_wait3A_118 = tpu.memref_slice %arg7[%dma_wait3A_117] : memref<100000xf32, #tpu.memory_space<hbm>> -> memref<100000xf32, #tpu.memory_space<hbm>>
    tpu.wait_indirect_dma semaphore(%arg19 : memref<!tpu.dma_semaphore, #tpu.memory_space<semaphore_mem>>) src(%dma_wait3A_118 : memref<100000xf32, #tpu.memory_space<hbm>>) dst(%dma_wait3A_114 : memref<128xf32, #tpu.memory_space<vmem>>)
    %dma_wait3A_119 = arith.constant 384 : i32
    %dma_wait3A_120 = tpu.memref_slice %arg14[%dma_wait3A_119] : memref<512xf32, #tpu.memory_space<vmem>> -> memref<128xf32, #tpu.memory_space<vmem>>
    %dma_wait3A_121 = arith.constant 384 : i32
    %dma_wait3A_122 = tpu.memref_slice %arg11[%dma_wait3A_121] : memref<512xi32, #tpu.memory_space<vmem>> -> memref<128xi32, #tpu.memory_space<vmem>>
    %dma_wait3A_123 = arith.constant 0 : i32
    %dma_wait3A_124 = tpu.memref_slice %arg7[%dma_wait3A_123] : memref<100000xf32, #tpu.memory_space<hbm>> -> memref<100000xf32, #tpu.memory_space<hbm>>
    tpu.wait_indirect_dma semaphore(%arg19 : memref<!tpu.dma_semaphore, #tpu.memory_space<semaphore_mem>>) src(%dma_wait3A_124 : memref<100000xf32, #tpu.memory_space<hbm>>) dst(%dma_wait3A_120 : memref<128xf32, #tpu.memory_space<vmem>>)
    %get3A = arith.constant 0 : index
    %get3A_125 = tpu.vector_load %arg15[%get3A] {strides = array<i32>} : memref<16xf32, #tpu.memory_space<vmem>>, vector<16xf32>,
    %reduce_sum3A = arith.constant true
    %reduce_sum3A_126 = vector.broadcast %reduce_sum3A : i1 to vector<16xi1>
    %reduce_sum3A_127 = tpu.scan <sum>, %get3A_125 masked %reduce_sum3A_126 : vector<16xf32>, vector<16xi1> -> vector<16xf32>
    %reduce_sum3A_128 = vector.extract %reduce_sum3A_127[15] : f32 from vector<16xf32>
    %iota3A = tpu.iota {dimensions = array<i32: 0>} : vector<16xi32>
    %broadcast_in_dim3A_129 = arith.constant 0.000000e+00 : f32
    %broadcast_in_dim3A_130 = vector.broadcast %broadcast_in_dim3A_129 : f32 to vector<16xf32>
    %scan3A_131 = arith.constant 0 : i32
    %scan3A_132 = arith.constant 32 : i32
    %scan3A_133 = arith.addi %scan3A_131, %scan3A_132 : i32
    %scan3A_134 = arith.constant 1 : i32
    %scan3A_135 = scf.for %scan3A_139 = %scan3A_131 to %scan3A_133 step %scan3A_134 iter_args(%scan3A_140 = %broadcast_in_dim3A_130) -> (vector<16xf32>)  : i32 {
      %broadcast_in_dim3A_141 = arith.constant 0.000000e+00 : f32
      %broadcast_in_dim3A_142 = vector.broadcast %broadcast_in_dim3A_141 : f32 to vector<16xf32>
      %scan3A_143 = arith.constant 0 : i32
      %scan3A_144 = arith.constant 2 : i32
      %scan3A_145 = arith.addi %scan3A_143, %scan3A_144 : i32
      %scan3A_146 = arith.constant 1 : i32
      %scan3A_147:3 = scf.for %scan3A_474 = %scan3A_143 to %scan3A_145 step %scan3A_146 iter_args(%scan3A_475 = %broadcast_in_dim3A_142, %scan3A_476 = %broadcast_in_dim3A_142, %scan3A_477 = %broadcast_in_dim3A_142) -> (vector<16xf32>, vector<16xf32>, vector<16xf32>)  : i32 {
        %mul3A_478 = arith.constant 8 : i32
        %mul3A_479 = arith.muli %scan3A_139, %mul3A_478 : i32
        %mul3A_480 = arith.constant 4 : i32
        %mul3A_481 = arith.muli %scan3A_474, %mul3A_480 : i32
        %add3A_482 = arith.addi %mul3A_479, %mul3A_481 : i32
        %add3A_483 = arith.constant 0 : i32
        %add3A_484 = arith.addi %add3A_482, %add3A_483 : i32
        %get3A_485 = arith.index_cast %add3A_484 : i32 to index
        %get3A_486 = arith.constant 0 : index
        %get3A_487 = tpu.vector_load %arg16[%get3A_485, %get3A_486] {strides = array<i32>} : memref<256x128xf32, #tpu.memory_space<vmem>>, vector<16xf32>,
        %get3A_488 = arith.index_cast %add3A_484 : i32 to index
        %get3A_489 = arith.constant 16 : index
        %get3A_490 = tpu.vector_load %arg16[%get3A_488, %get3A_489] {strides = array<i32>} : memref<256x128xf32, #tpu.memory_space<vmem>>, vector<16xf32>,
        %get3A_491 = arith.index_cast %add3A_484 : i32 to index
        %get3A_492 = arith.constant 32 : index
        %get3A_493 = tpu.vector_load %arg16[%get3A_491, %get3A_492] {strides = array<i32>} : memref<256x128xf32, #tpu.memory_space<vmem>>, vector<16xf32>,
        %get3A_494 = arith.index_cast %add3A_484 : i32 to index
        %get3A_495 = arith.constant 48 : index
        %get3A_496 = tpu.vector_load %arg16[%get3A_494, %get3A_495] {strides = array<i32>} : memref<256x128xf32, #tpu.memory_space<vmem>>, vector<16xf32>,
        %get3A_497 = arith.index_cast %add3A_484 : i32 to index
        %get3A_498 = arith.constant 0 : index
        %get3A_499 = tpu.vector_load %arg17[%get3A_497, %get3A_498] {strides = array<i32>} : memref<256x128xf32, #tpu.memory_space<vmem>>, vector<16xf32>,
        %get3A_500 = arith.index_cast %add3A_484 : i32 to index
        %get3A_501 = arith.constant 16 : index
        %get3A_502 = tpu.vector_load %arg17[%get3A_500, %get3A_501] {strides = array<i32>} : memref<256x128xf32, #tpu.memory_space<vmem>>, vector<16xf32>,
        %get3A_503 = arith.index_cast %add3A_484 : i32 to index
        %get3A_504 = arith.constant 32 : index
        %get3A_505 = tpu.vector_load %arg17[%get3A_503, %get3A_504] {strides = array<i32>} : memref<256x128xf32, #tpu.memory_space<vmem>>, vector<16xf32>,
        %get3A_506 = arith.index_cast %add3A_484 : i32 to index
        %get3A_507 = arith.constant 48 : index
        %get3A_508 = tpu.vector_load %arg17[%get3A_506, %get3A_507] {strides = array<i32>} : memref<256x128xf32, #tpu.memory_space<vmem>>, vector<16xf32>,
        %mul3A_509 = arith.mulf %get3A_487, %get3A_487 : vector<16xf32>
        %mul3A_510 = arith.mulf %get3A_499, %get3A_499 : vector<16xf32>
        %mul3A_511 = arith.mulf %get3A_487, %get3A_499 : vector<16xf32>
        %mul3A_512 = arith.mulf %get3A_490, %get3A_490 : vector<16xf32>
        %add3A_513 = arith.addf %mul3A_509, %mul3A_512 : vector<16xf32>
        %mul3A_514 = arith.mulf %get3A_502, %get3A_502 : vector<16xf32>
        %add3A_515 = arith.addf %mul3A_510, %mul3A_514 : vector<16xf32>
        %mul3A_516 = arith.mulf %get3A_490, %get3A_502 : vector<16xf32>
        %add3A_517 = arith.addf %mul3A_511, %mul3A_516 : vector<16xf32>
        %mul3A_518 = arith.mulf %get3A_493, %get3A_493 : vector<16xf32>
        %add3A_519 = arith.addf %add3A_513, %mul3A_518 : vector<16xf32>
        %mul3A_520 = arith.mulf %get3A_505, %get3A_505 : vector<16xf32>
        %add3A_521 = arith.addf %add3A_515, %mul3A_520 : vector<16xf32>
        %mul3A_522 = arith.mulf %get3A_493, %get3A_505 : vector<16xf32>
        %add3A_523 = arith.addf %add3A_517, %mul3A_522 : vector<16xf32>
        %mul3A_524 = arith.mulf %get3A_496, %get3A_496 : vector<16xf32>
        %add3A_525 = arith.addf %add3A_519, %mul3A_524 : vector<16xf32>
        %mul3A_526 = arith.mulf %get3A_508, %get3A_508 : vector<16xf32>
        %add3A_527 = arith.addf %add3A_521, %mul3A_526 : vector<16xf32>
        %mul3A_528 = arith.mulf %get3A_496, %get3A_508 : vector<16xf32>
        %add3A_529 = arith.addf %add3A_523, %mul3A_528 : vector<16xf32>
        %mul3A_530 = arith.constant 8 : i32
        %mul3A_531 = arith.muli %scan3A_474, %mul3A_530 : i32
        %add3A_532 = arith.constant 0 : i32
        %add3A_533 = arith.addi %mul3A_531, %add3A_532 : i32
        %eq3A = vector.broadcast %add3A_533 : i32 to vector<16xi32>
        %eq3A_534 = arith.cmpi eq, %iota3A, %eq3A : vector<16xi32>
        %reduce_sum3A_535 = arith.constant true
        %reduce_sum3A_536 = vector.broadcast %reduce_sum3A_535 : i1 to vector<16xi1>
        %reduce_sum3A_537 = tpu.scan <sum>, %add3A_525 masked %reduce_sum3A_536 : vector<16xf32>, vector<16xi1> -> vector<16xf32>
        %reduce_sum3A_538 = vector.extract %reduce_sum3A_537[15] : f32 from vector<16xf32>
        %broadcast_in_dim3A_539 = vector.broadcast %reduce_sum3A_538 : f32 to vector<16xf32>
        %select_n3A_540 = arith.select %eq3A_534, %broadcast_in_dim3A_539, %scan3A_475 : vector<16xi1>, vector<16xf32>
        %reduce_sum3A_541 = arith.constant true
        %reduce_sum3A_542 = vector.broadcast %reduce_sum3A_541 : i1 to vector<16xi1>
        %reduce_sum3A_543 = tpu.scan <sum>, %add3A_527 masked %reduce_sum3A_542 : vector<16xf32>, vector<16xi1> -> vector<16xf32>
        %reduce_sum3A_544 = vector.extract %reduce_sum3A_543[15] : f32 from vector<16xf32>
        %broadcast_in_dim3A_545 = vector.broadcast %reduce_sum3A_544 : f32 to vector<16xf32>
        %select_n3A_546 = arith.select %eq3A_534, %broadcast_in_dim3A_545, %scan3A_476 : vector<16xi1>, vector<16xf32>
        %reduce_sum3A_547 = arith.constant true
        %reduce_sum3A_548 = vector.broadcast %reduce_sum3A_547 : i1 to vector<16xi1>
        %reduce_sum3A_549 = tpu.scan <sum>, %add3A_529 masked %reduce_sum3A_548 : vector<16xf32>, vector<16xi1> -> vector<16xf32>
        %reduce_sum3A_550 = vector.extract %reduce_sum3A_549[15] : f32 from vector<16xf32>
        %broadcast_in_dim3A_551 = vector.broadcast %reduce_sum3A_550 : f32 to vector<16xf32>
        %select_n3A_552 = arith.select %eq3A_534, %broadcast_in_dim3A_551, %scan3A_477 : vector<16xi1>, vector<16xf32>
        %mul3A_553 = arith.constant 8 : i32
        %mul3A_554 = arith.muli %scan3A_139, %mul3A_553 : i32
        %mul3A_555 = arith.constant 4 : i32
        %mul3A_556 = arith.muli %scan3A_474, %mul3A_555 : i32
        %add3A_557 = arith.addi %mul3A_554, %mul3A_556 : i32
        %add3A_558 = arith.constant 0 : i32
        %add3A_559 = arith.addi %add3A_557, %add3A_558 : i32
        %get3A_560 = arith.index_cast %add3A_559 : i32 to index
        %get3A_561 = arith.constant 64 : index
        %get3A_562 = tpu.vector_load %arg16[%get3A_560, %get3A_561] {strides = array<i32>} : memref<256x128xf32, #tpu.memory_space<vmem>>, vector<16xf32>,
        %get3A_563 = arith.index_cast %add3A_559 : i32 to index
        %get3A_564 = arith.constant 80 : index
        %get3A_565 = tpu.vector_load %arg16[%get3A_563, %get3A_564] {strides = array<i32>} : memref<256x128xf32, #tpu.memory_space<vmem>>, vector<16xf32>,
        %get3A_566 = arith.index_cast %add3A_559 : i32 to index
        %get3A_567 = arith.constant 96 : index
        %get3A_568 = tpu.vector_load %arg16[%get3A_566, %get3A_567] {strides = array<i32>} : memref<256x128xf32, #tpu.memory_space<vmem>>, vector<16xf32>,
        %get3A_569 = arith.index_cast %add3A_559 : i32 to index
        %get3A_570 = arith.constant 112 : index
        %get3A_571 = tpu.vector_load %arg16[%get3A_569, %get3A_570] {strides = array<i32>} : memref<256x128xf32, #tpu.memory_space<vmem>>, vector<16xf32>,
        %get3A_572 = arith.index_cast %add3A_559 : i32 to index
        %get3A_573 = arith.constant 64 : index
        %get3A_574 = tpu.vector_load %arg17[%get3A_572, %get3A_573] {strides = array<i32>} : memref<256x128xf32, #tpu.memory_space<vmem>>, vector<16xf32>,
        %get3A_575 = arith.index_cast %add3A_559 : i32 to index
        %get3A_576 = arith.constant 80 : index
        %get3A_577 = tpu.vector_load %arg17[%get3A_575, %get3A_576] {strides = array<i32>} : memref<256x128xf32, #tpu.memory_space<vmem>>, vector<16xf32>,
        %get3A_578 = arith.index_cast %add3A_559 : i32 to index
        %get3A_579 = arith.constant 96 : index
        %get3A_580 = tpu.vector_load %arg17[%get3A_578, %get3A_579] {strides = array<i32>} : memref<256x128xf32, #tpu.memory_space<vmem>>, vector<16xf32>,
        %get3A_581 = arith.index_cast %add3A_559 : i32 to index
        %get3A_582 = arith.constant 112 : index
        %get3A_583 = tpu.vector_load %arg17[%get3A_581, %get3A_582] {strides = array<i32>} : memref<256x128xf32, #tpu.memory_space<vmem>>, vector<16xf32>,
        %mul3A_584 = arith.mulf %get3A_562, %get3A_562 : vector<16xf32>
        %mul3A_585 = arith.mulf %get3A_574, %get3A_574 : vector<16xf32>
        %mul3A_586 = arith.mulf %get3A_562, %get3A_574 : vector<16xf32>
        %mul3A_587 = arith.mulf %get3A_565, %get3A_565 : vector<16xf32>
        %add3A_588 = arith.addf %mul3A_584, %mul3A_587 : vector<16xf32>
        %mul3A_589 = arith.mulf %get3A_577, %get3A_577 : vector<16xf32>
        %add3A_590 = arith.addf %mul3A_585, %mul3A_589 : vector<16xf32>
        %mul3A_591 = arith.mulf %get3A_565, %get3A_577 : vector<16xf32>
        %add3A_592 = arith.addf %mul3A_586, %mul3A_591 : vector<16xf32>
        %mul3A_593 = arith.mulf %get3A_568, %get3A_568 : vector<16xf32>
        %add3A_594 = arith.addf %add3A_588, %mul3A_593 : vector<16xf32>
        %mul3A_595 = arith.mulf %get3A_580, %get3A_580 : vector<16xf32>
        %add3A_596 = arith.addf %add3A_590, %mul3A_595 : vector<16xf32>
        %mul3A_597 = arith.mulf %get3A_568, %get3A_580 : vector<16xf32>
        %add3A_598 = arith.addf %add3A_592, %mul3A_597 : vector<16xf32>
        %mul3A_599 = arith.mulf %get3A_571, %get3A_571 : vector<16xf32>
        %add3A_600 = arith.addf %add3A_594, %mul3A_599 : vector<16xf32>
        %mul3A_601 = arith.mulf %get3A_583, %get3A_583 : vector<16xf32>
        %add3A_602 = arith.addf %add3A_596, %mul3A_601 : vector<16xf32>
        %mul3A_603 = arith.mulf %get3A_571, %get3A_583 : vector<16xf32>
        %add3A_604 = arith.addf %add3A_598, %mul3A_603 : vector<16xf32>
        %mul3A_605 = arith.constant 8 : i32
        %mul3A_606 = arith.muli %scan3A_474, %mul3A_605 : i32
        %add3A_607 = arith.constant 1 : i32
        %add3A_608 = arith.addi %mul3A_606, %add3A_607 : i32
        %eq3A_609 = vector.broadcast %add3A_608 : i32 to vector<16xi32>
        %eq3A_610 = arith.cmpi eq, %iota3A, %eq3A_609 : vector<16xi32>
        %reduce_sum3A_611 = arith.constant true
        %reduce_sum3A_612 = vector.broadcast %reduce_sum3A_611 : i1 to vector<16xi1>
        %reduce_sum3A_613 = tpu.scan <sum>, %add3A_600 masked %reduce_sum3A_612 : vector<16xf32>, vector<16xi1> -> vector<16xf32>
        %reduce_sum3A_614 = vector.extract %reduce_sum3A_613[15] : f32 from vector<16xf32>
        %broadcast_in_dim3A_615 = vector.broadcast %reduce_sum3A_614 : f32 to vector<16xf32>
        %select_n3A_616 = arith.select %eq3A_610, %broadcast_in_dim3A_615, %select_n3A_540 : vector<16xi1>, vector<16xf32>
        %reduce_sum3A_617 = arith.constant true
        %reduce_sum3A_618 = vector.broadcast %reduce_sum3A_617 : i1 to vector<16xi1>
        %reduce_sum3A_619 = tpu.scan <sum>, %add3A_602 masked %reduce_sum3A_618 : vector<16xf32>, vector<16xi1> -> vector<16xf32>
        %reduce_sum3A_620 = vector.extract %reduce_sum3A_619[15] : f32 from vector<16xf32>
        %broadcast_in_dim3A_621 = vector.broadcast %reduce_sum3A_620 : f32 to vector<16xf32>
        %select_n3A_622 = arith.select %eq3A_610, %broadcast_in_dim3A_621, %select_n3A_546 : vector<16xi1>, vector<16xf32>
        %reduce_sum3A_623 = arith.constant true
        %reduce_sum3A_624 = vector.broadcast %reduce_sum3A_623 : i1 to vector<16xi1>
        %reduce_sum3A_625 = tpu.scan <sum>, %add3A_604 masked %reduce_sum3A_624 : vector<16xf32>, vector<16xi1> -> vector<16xf32>
        %reduce_sum3A_626 = vector.extract %reduce_sum3A_625[15] : f32 from vector<16xf32>
        %broadcast_in_dim3A_627 = vector.broadcast %reduce_sum3A_626 : f32 to vector<16xf32>
        %select_n3A_628 = arith.select %eq3A_610, %broadcast_in_dim3A_627, %select_n3A_552 : vector<16xi1>, vector<16xf32>
        %mul3A_629 = arith.constant 8 : i32
        %mul3A_630 = arith.muli %scan3A_139, %mul3A_629 : i32
        %mul3A_631 = arith.constant 4 : i32
        %mul3A_632 = arith.muli %scan3A_474, %mul3A_631 : i32
        %add3A_633 = arith.addi %mul3A_630, %mul3A_632 : i32
        %add3A_634 = arith.constant 1 : i32
        %add3A_635 = arith.addi %add3A_633, %add3A_634 : i32
        %get3A_636 = arith.index_cast %add3A_635 : i32 to index
        %get3A_637 = arith.constant 0 : index
        %get3A_638 = tpu.vector_load %arg16[%get3A_636, %get3A_637] {strides = array<i32>} : memref<256x128xf32, #tpu.memory_space<vmem>>, vector<16xf32>,
        %get3A_639 = arith.index_cast %add3A_635 : i32 to index
        %get3A_640 = arith.constant 16 : index
        %get3A_641 = tpu.vector_load %arg16[%get3A_639, %get3A_640] {strides = array<i32>} : memref<256x128xf32, #tpu.memory_space<vmem>>, vector<16xf32>,
        %get3A_642 = arith.index_cast %add3A_635 : i32 to index
        %get3A_643 = arith.constant 32 : index
        %get3A_644 = tpu.vector_load %arg16[%get3A_642, %get3A_643] {strides = array<i32>} : memref<256x128xf32, #tpu.memory_space<vmem>>, vector<16xf32>,
        %get3A_645 = arith.index_cast %add3A_635 : i32 to index
        %get3A_646 = arith.constant 48 : index
        %get3A_647 = tpu.vector_load %arg16[%get3A_645, %get3A_646] {strides = array<i32>} : memref<256x128xf32, #tpu.memory_space<vmem>>, vector<16xf32>,
        %get3A_648 = arith.index_cast %add3A_635 : i32 to index
        %get3A_649 = arith.constant 0 : index
        %get3A_650 = tpu.vector_load %arg17[%get3A_648, %get3A_649] {strides = array<i32>} : memref<256x128xf32, #tpu.memory_space<vmem>>, vector<16xf32>,
        %get3A_651 = arith.index_cast %add3A_635 : i32 to index
        %get3A_652 = arith.constant 16 : index
        %get3A_653 = tpu.vector_load %arg17[%get3A_651, %get3A_652] {strides = array<i32>} : memref<256x128xf32, #tpu.memory_space<vmem>>, vector<16xf32>,
        %get3A_654 = arith.index_cast %add3A_635 : i32 to index
        %get3A_655 = arith.constant 32 : index
        %get3A_656 = tpu.vector_load %arg17[%get3A_654, %get3A_655] {strides = array<i32>} : memref<256x128xf32, #tpu.memory_space<vmem>>, vector<16xf32>,
        %get3A_657 = arith.index_cast %add3A_635 : i32 to index
        %get3A_658 = arith.constant 48 : index
        %get3A_659 = tpu.vector_load %arg17[%get3A_657, %get3A_658] {strides = array<i32>} : memref<256x128xf32, #tpu.memory_space<vmem>>, vector<16xf32>,
        %mul3A_660 = arith.mulf %get3A_638, %get3A_638 : vector<16xf32>
        %mul3A_661 = arith.mulf %get3A_650, %get3A_650 : vector<16xf32>
        %mul3A_662 = arith.mulf %get3A_638, %get3A_650 : vector<16xf32>
        %mul3A_663 = arith.mulf %get3A_641, %get3A_641 : vector<16xf32>
        %add3A_664 = arith.addf %mul3A_660, %mul3A_663 : vector<16xf32>
        %mul3A_665 = arith.mulf %get3A_653, %get3A_653 : vector<16xf32>
        %add3A_666 = arith.addf %mul3A_661, %mul3A_665 : vector<16xf32>
        %mul3A_667 = arith.mulf %get3A_641, %get3A_653 : vector<16xf32>
        %add3A_668 = arith.addf %mul3A_662, %mul3A_667 : vector<16xf32>
        %mul3A_669 = arith.mulf %get3A_644, %get3A_644 : vector<16xf32>
        %add3A_670 = arith.addf %add3A_664, %mul3A_669 : vector<16xf32>
        %mul3A_671 = arith.mulf %get3A_656, %get3A_656 : vector<16xf32>
        %add3A_672 = arith.addf %add3A_666, %mul3A_671 : vector<16xf32>
        %mul3A_673 = arith.mulf %get3A_644, %get3A_656 : vector<16xf32>
        %add3A_674 = arith.addf %add3A_668, %mul3A_673 : vector<16xf32>
        %mul3A_675 = arith.mulf %get3A_647, %get3A_647 : vector<16xf32>
        %add3A_676 = arith.addf %add3A_670, %mul3A_675 : vector<16xf32>
        %mul3A_677 = arith.mulf %get3A_659, %get3A_659 : vector<16xf32>
        %add3A_678 = arith.addf %add3A_672, %mul3A_677 : vector<16xf32>
        %mul3A_679 = arith.mulf %get3A_647, %get3A_659 : vector<16xf32>
        %add3A_680 = arith.addf %add3A_674, %mul3A_679 : vector<16xf32>
        %mul3A_681 = arith.constant 8 : i32
        %mul3A_682 = arith.muli %scan3A_474, %mul3A_681 : i32
        %add3A_683 = arith.constant 2 : i32
        %add3A_684 = arith.addi %mul3A_682, %add3A_683 : i32
        %eq3A_685 = vector.broadcast %add3A_684 : i32 to vector<16xi32>
        %eq3A_686 = arith.cmpi eq, %iota3A, %eq3A_685 : vector<16xi32>
        %reduce_sum3A_687 = arith.constant true
        %reduce_sum3A_688 = vector.broadcast %reduce_sum3A_687 : i1 to vector<16xi1>
        %reduce_sum3A_689 = tpu.scan <sum>, %add3A_676 masked %reduce_sum3A_688 : vector<16xf32>, vector<16xi1> -> vector<16xf32>
        %reduce_sum3A_690 = vector.extract %reduce_sum3A_689[15] : f32 from vector<16xf32>
        %broadcast_in_dim3A_691 = vector.broadcast %reduce_sum3A_690 : f32 to vector<16xf32>
        %select_n3A_692 = arith.select %eq3A_686, %broadcast_in_dim3A_691, %select_n3A_616 : vector<16xi1>, vector<16xf32>
        %reduce_sum3A_693 = arith.constant true
        %reduce_sum3A_694 = vector.broadcast %reduce_sum3A_693 : i1 to vector<16xi1>
        %reduce_sum3A_695 = tpu.scan <sum>, %add3A_678 masked %reduce_sum3A_694 : vector<16xf32>, vector<16xi1> -> vector<16xf32>
        %reduce_sum3A_696 = vector.extract %reduce_sum3A_695[15] : f32 from vector<16xf32>
        %broadcast_in_dim3A_697 = vector.broadcast %reduce_sum3A_696 : f32 to vector<16xf32>
        %select_n3A_698 = arith.select %eq3A_686, %broadcast_in_dim3A_697, %select_n3A_622 : vector<16xi1>, vector<16xf32>
        %reduce_sum3A_699 = arith.constant true
        %reduce_sum3A_700 = vector.broadcast %reduce_sum3A_699 : i1 to vector<16xi1>
        %reduce_sum3A_701 = tpu.scan <sum>, %add3A_680 masked %reduce_sum3A_700 : vector<16xf32>, vector<16xi1> -> vector<16xf32>
        %reduce_sum3A_702 = vector.extract %reduce_sum3A_701[15] : f32 from vector<16xf32>
        %broadcast_in_dim3A_703 = vector.broadcast %reduce_sum3A_702 : f32 to vector<16xf32>
        %select_n3A_704 = arith.select %eq3A_686, %broadcast_in_dim3A_703, %select_n3A_628 : vector<16xi1>, vector<16xf32>
        %mul3A_705 = arith.constant 8 : i32
        %mul3A_706 = arith.muli %scan3A_139, %mul3A_705 : i32
        %mul3A_707 = arith.constant 4 : i32
        %mul3A_708 = arith.muli %scan3A_474, %mul3A_707 : i32
        %add3A_709 = arith.addi %mul3A_706, %mul3A_708 : i32
        %add3A_710 = arith.constant 1 : i32
        %add3A_711 = arith.addi %add3A_709, %add3A_710 : i32
        %get3A_712 = arith.index_cast %add3A_711 : i32 to index
        %get3A_713 = arith.constant 64 : index
        %get3A_714 = tpu.vector_load %arg16[%get3A_712, %get3A_713] {strides = array<i32>} : memref<256x128xf32, #tpu.memory_space<vmem>>, vector<16xf32>,
        %get3A_715 = arith.index_cast %add3A_711 : i32 to index
        %get3A_716 = arith.constant 80 : index
        %get3A_717 = tpu.vector_load %arg16[%get3A_715, %get3A_716] {strides = array<i32>} : memref<256x128xf32, #tpu.memory_space<vmem>>, vector<16xf32>,
        %get3A_718 = arith.index_cast %add3A_711 : i32 to index
        %get3A_719 = arith.constant 96 : index
        %get3A_720 = tpu.vector_load %arg16[%get3A_718, %get3A_719] {strides = array<i32>} : memref<256x128xf32, #tpu.memory_space<vmem>>, vector<16xf32>,
        %get3A_721 = arith.index_cast %add3A_711 : i32 to index
        %get3A_722 = arith.constant 112 : index
        %get3A_723 = tpu.vector_load %arg16[%get3A_721, %get3A_722] {strides = array<i32>} : memref<256x128xf32, #tpu.memory_space<vmem>>, vector<16xf32>,
        %get3A_724 = arith.index_cast %add3A_711 : i32 to index
        %get3A_725 = arith.constant 64 : index
        %get3A_726 = tpu.vector_load %arg17[%get3A_724, %get3A_725] {strides = array<i32>} : memref<256x128xf32, #tpu.memory_space<vmem>>, vector<16xf32>,
        %get3A_727 = arith.index_cast %add3A_711 : i32 to index
        %get3A_728 = arith.constant 80 : index
        %get3A_729 = tpu.vector_load %arg17[%get3A_727, %get3A_728] {strides = array<i32>} : memref<256x128xf32, #tpu.memory_space<vmem>>, vector<16xf32>,
        %get3A_730 = arith.index_cast %add3A_711 : i32 to index
        %get3A_731 = arith.constant 96 : index
        %get3A_732 = tpu.vector_load %arg17[%get3A_730, %get3A_731] {strides = array<i32>} : memref<256x128xf32, #tpu.memory_space<vmem>>, vector<16xf32>,
        %get3A_733 = arith.index_cast %add3A_711 : i32 to index
        %get3A_734 = arith.constant 112 : index
        %get3A_735 = tpu.vector_load %arg17[%get3A_733, %get3A_734] {strides = array<i32>} : memref<256x128xf32, #tpu.memory_space<vmem>>, vector<16xf32>,
        %mul3A_736 = arith.mulf %get3A_714, %get3A_714 : vector<16xf32>
        %mul3A_737 = arith.mulf %get3A_726, %get3A_726 : vector<16xf32>
        %mul3A_738 = arith.mulf %get3A_714, %get3A_726 : vector<16xf32>
        %mul3A_739 = arith.mulf %get3A_717, %get3A_717 : vector<16xf32>
        %add3A_740 = arith.addf %mul3A_736, %mul3A_739 : vector<16xf32>
        %mul3A_741 = arith.mulf %get3A_729, %get3A_729 : vector<16xf32>
        %add3A_742 = arith.addf %mul3A_737, %mul3A_741 : vector<16xf32>
        %mul3A_743 = arith.mulf %get3A_717, %get3A_729 : vector<16xf32>
        %add3A_744 = arith.addf %mul3A_738, %mul3A_743 : vector<16xf32>
        %mul3A_745 = arith.mulf %get3A_720, %get3A_720 : vector<16xf32>
        %add3A_746 = arith.addf %add3A_740, %mul3A_745 : vector<16xf32>
        %mul3A_747 = arith.mulf %get3A_732, %get3A_732 : vector<16xf32>
        %add3A_748 = arith.addf %add3A_742, %mul3A_747 : vector<16xf32>
        %mul3A_749 = arith.mulf %get3A_720, %get3A_732 : vector<16xf32>
        %add3A_750 = arith.addf %add3A_744, %mul3A_749 : vector<16xf32>
        %mul3A_751 = arith.mulf %get3A_723, %get3A_723 : vector<16xf32>
        %add3A_752 = arith.addf %add3A_746, %mul3A_751 : vector<16xf32>
        %mul3A_753 = arith.mulf %get3A_735, %get3A_735 : vector<16xf32>
        %add3A_754 = arith.addf %add3A_748, %mul3A_753 : vector<16xf32>
        %mul3A_755 = arith.mulf %get3A_723, %get3A_735 : vector<16xf32>
        %add3A_756 = arith.addf %add3A_750, %mul3A_755 : vector<16xf32>
        %mul3A_757 = arith.constant 8 : i32
        %mul3A_758 = arith.muli %scan3A_474, %mul3A_757 : i32
        %add3A_759 = arith.constant 3 : i32
        %add3A_760 = arith.addi %mul3A_758, %add3A_759 : i32
        %eq3A_761 = vector.broadcast %add3A_760 : i32 to vector<16xi32>
        %eq3A_762 = arith.cmpi eq, %iota3A, %eq3A_761 : vector<16xi32>
        %reduce_sum3A_763 = arith.constant true
        %reduce_sum3A_764 = vector.broadcast %reduce_sum3A_763 : i1 to vector<16xi1>
        %reduce_sum3A_765 = tpu.scan <sum>, %add3A_752 masked %reduce_sum3A_764 : vector<16xf32>, vector<16xi1> -> vector<16xf32>
        %reduce_sum3A_766 = vector.extract %reduce_sum3A_765[15] : f32 from vector<16xf32>
        %broadcast_in_dim3A_767 = vector.broadcast %reduce_sum3A_766 : f32 to vector<16xf32>
        %select_n3A_768 = arith.select %eq3A_762, %broadcast_in_dim3A_767, %select_n3A_692 : vector<16xi1>, vector<16xf32>
        %reduce_sum3A_769 = arith.constant true
        %reduce_sum3A_770 = vector.broadcast %reduce_sum3A_769 : i1 to vector<16xi1>
        %reduce_sum3A_771 = tpu.scan <sum>, %add3A_754 masked %reduce_sum3A_770 : vector<16xf32>, vector<16xi1> -> vector<16xf32>
        %reduce_sum3A_772 = vector.extract %reduce_sum3A_771[15] : f32 from vector<16xf32>
        %broadcast_in_dim3A_773 = vector.broadcast %reduce_sum3A_772 : f32 to vector<16xf32>
        %select_n3A_774 = arith.select %eq3A_762, %broadcast_in_dim3A_773, %select_n3A_698 : vector<16xi1>, vector<16xf32>
        %reduce_sum3A_775 = arith.constant true
        %reduce_sum3A_776 = vector.broadcast %reduce_sum3A_775 : i1 to vector<16xi1>
        %reduce_sum3A_777 = tpu.scan <sum>, %add3A_756 masked %reduce_sum3A_776 : vector<16xf32>, vector<16xi1> -> vector<16xf32>
        %reduce_sum3A_778 = vector.extract %reduce_sum3A_777[15] : f32 from vector<16xf32>
        %broadcast_in_dim3A_779 = vector.broadcast %reduce_sum3A_778 : f32 to vector<16xf32>
        %select_n3A_780 = arith.select %eq3A_762, %broadcast_in_dim3A_779, %select_n3A_704 : vector<16xi1>, vector<16xf32>
        %mul3A_781 = arith.constant 8 : i32
        %mul3A_782 = arith.muli %scan3A_139, %mul3A_781 : i32
        %mul3A_783 = arith.constant 4 : i32
        %mul3A_784 = arith.muli %scan3A_474, %mul3A_783 : i32
        %add3A_785 = arith.addi %mul3A_782, %mul3A_784 : i32
        %add3A_786 = arith.constant 2 : i32
        %add3A_787 = arith.addi %add3A_785, %add3A_786 : i32
        %get3A_788 = arith.index_cast %add3A_787 : i32 to index
        %get3A_789 = arith.constant 0 : index
        %get3A_790 = tpu.vector_load %arg16[%get3A_788, %get3A_789] {strides = array<i32>} : memref<256x128xf32, #tpu.memory_space<vmem>>, vector<16xf32>,
        %get3A_791 = arith.index_cast %add3A_787 : i32 to index
        %get3A_792 = arith.constant 16 : index
        %get3A_793 = tpu.vector_load %arg16[%get3A_791, %get3A_792] {strides = array<i32>} : memref<256x128xf32, #tpu.memory_space<vmem>>, vector<16xf32>,
        %get3A_794 = arith.index_cast %add3A_787 : i32 to index
        %get3A_795 = arith.constant 32 : index
        %get3A_796 = tpu.vector_load %arg16[%get3A_794, %get3A_795] {strides = array<i32>} : memref<256x128xf32, #tpu.memory_space<vmem>>, vector<16xf32>,
        %get3A_797 = arith.index_cast %add3A_787 : i32 to index
        %get3A_798 = arith.constant 48 : index
        %get3A_799 = tpu.vector_load %arg16[%get3A_797, %get3A_798] {strides = array<i32>} : memref<256x128xf32, #tpu.memory_space<vmem>>, vector<16xf32>,
        %get3A_800 = arith.index_cast %add3A_787 : i32 to index
        %get3A_801 = arith.constant 0 : index
        %get3A_802 = tpu.vector_load %arg17[%get3A_800, %get3A_801] {strides = array<i32>} : memref<256x128xf32, #tpu.memory_space<vmem>>, vector<16xf32>,
        %get3A_803 = arith.index_cast %add3A_787 : i32 to index
        %get3A_804 = arith.constant 16 : index
        %get3A_805 = tpu.vector_load %arg17[%get3A_803, %get3A_804] {strides = array<i32>} : memref<256x128xf32, #tpu.memory_space<vmem>>, vector<16xf32>,
        %get3A_806 = arith.index_cast %add3A_787 : i32 to index
        %get3A_807 = arith.constant 32 : index
        %get3A_808 = tpu.vector_load %arg17[%get3A_806, %get3A_807] {strides = array<i32>} : memref<256x128xf32, #tpu.memory_space<vmem>>, vector<16xf32>,
        %get3A_809 = arith.index_cast %add3A_787 : i32 to index
        %get3A_810 = arith.constant 48 : index
        %get3A_811 = tpu.vector_load %arg17[%get3A_809, %get3A_810] {strides = array<i32>} : memref<256x128xf32, #tpu.memory_space<vmem>>, vector<16xf32>,
        %mul3A_812 = arith.mulf %get3A_790, %get3A_790 : vector<16xf32>
        %mul3A_813 = arith.mulf %get3A_802, %get3A_802 : vector<16xf32>
        %mul3A_814 = arith.mulf %get3A_790, %get3A_802 : vector<16xf32>
        %mul3A_815 = arith.mulf %get3A_793, %get3A_793 : vector<16xf32>
        %add3A_816 = arith.addf %mul3A_812, %mul3A_815 : vector<16xf32>
        %mul3A_817 = arith.mulf %get3A_805, %get3A_805 : vector<16xf32>
        %add3A_818 = arith.addf %mul3A_813, %mul3A_817 : vector<16xf32>
        %mul3A_819 = arith.mulf %get3A_793, %get3A_805 : vector<16xf32>
        %add3A_820 = arith.addf %mul3A_814, %mul3A_819 : vector<16xf32>
        %mul3A_821 = arith.mulf %get3A_796, %get3A_796 : vector<16xf32>
        %add3A_822 = arith.addf %add3A_816, %mul3A_821 : vector<16xf32>
        %mul3A_823 = arith.mulf %get3A_808, %get3A_808 : vector<16xf32>
        %add3A_824 = arith.addf %add3A_818, %mul3A_823 : vector<16xf32>
        %mul3A_825 = arith.mulf %get3A_796, %get3A_808 : vector<16xf32>
        %add3A_826 = arith.addf %add3A_820, %mul3A_825 : vector<16xf32>
        %mul3A_827 = arith.mulf %get3A_799, %get3A_799 : vector<16xf32>
        %add3A_828 = arith.addf %add3A_822, %mul3A_827 : vector<16xf32>
        %mul3A_829 = arith.mulf %get3A_811, %get3A_811 : vector<16xf32>
        %add3A_830 = arith.addf %add3A_824, %mul3A_829 : vector<16xf32>
        %mul3A_831 = arith.mulf %get3A_799, %get3A_811 : vector<16xf32>
        %add3A_832 = arith.addf %add3A_826, %mul3A_831 : vector<16xf32>
        %mul3A_833 = arith.constant 8 : i32
        %mul3A_834 = arith.muli %scan3A_474, %mul3A_833 : i32
        %add3A_835 = arith.constant 4 : i32
        %add3A_836 = arith.addi %mul3A_834, %add3A_835 : i32
        %eq3A_837 = vector.broadcast %add3A_836 : i32 to vector<16xi32>
        %eq3A_838 = arith.cmpi eq, %iota3A, %eq3A_837 : vector<16xi32>
        %reduce_sum3A_839 = arith.constant true
        %reduce_sum3A_840 = vector.broadcast %reduce_sum3A_839 : i1 to vector<16xi1>
        %reduce_sum3A_841 = tpu.scan <sum>, %add3A_828 masked %reduce_sum3A_840 : vector<16xf32>, vector<16xi1> -> vector<16xf32>
        %reduce_sum3A_842 = vector.extract %reduce_sum3A_841[15] : f32 from vector<16xf32>
        %broadcast_in_dim3A_843 = vector.broadcast %reduce_sum3A_842 : f32 to vector<16xf32>
        %select_n3A_844 = arith.select %eq3A_838, %broadcast_in_dim3A_843, %select_n3A_768 : vector<16xi1>, vector<16xf32>
        %reduce_sum3A_845 = arith.constant true
        %reduce_sum3A_846 = vector.broadcast %reduce_sum3A_845 : i1 to vector<16xi1>
        %reduce_sum3A_847 = tpu.scan <sum>, %add3A_830 masked %reduce_sum3A_846 : vector<16xf32>, vector<16xi1> -> vector<16xf32>
        %reduce_sum3A_848 = vector.extract %reduce_sum3A_847[15] : f32 from vector<16xf32>
        %broadcast_in_dim3A_849 = vector.broadcast %reduce_sum3A_848 : f32 to vector<16xf32>
        %select_n3A_850 = arith.select %eq3A_838, %broadcast_in_dim3A_849, %select_n3A_774 : vector<16xi1>, vector<16xf32>
        %reduce_sum3A_851 = arith.constant true
        %reduce_sum3A_852 = vector.broadcast %reduce_sum3A_851 : i1 to vector<16xi1>
        %reduce_sum3A_853 = tpu.scan <sum>, %add3A_832 masked %reduce_sum3A_852 : vector<16xf32>, vector<16xi1> -> vector<16xf32>
        %reduce_sum3A_854 = vector.extract %reduce_sum3A_853[15] : f32 from vector<16xf32>
        %broadcast_in_dim3A_855 = vector.broadcast %reduce_sum3A_854 : f32 to vector<16xf32>
        %select_n3A_856 = arith.select %eq3A_838, %broadcast_in_dim3A_855, %select_n3A_780 : vector<16xi1>, vector<16xf32>
        %mul3A_857 = arith.constant 8 : i32
        %mul3A_858 = arith.muli %scan3A_139, %mul3A_857 : i32
        %mul3A_859 = arith.constant 4 : i32
        %mul3A_860 = arith.muli %scan3A_474, %mul3A_859 : i32
        %add3A_861 = arith.addi %mul3A_858, %mul3A_860 : i32
        %add3A_862 = arith.constant 2 : i32
        %add3A_863 = arith.addi %add3A_861, %add3A_862 : i32
        %get3A_864 = arith.index_cast %add3A_863 : i32 to index
        %get3A_865 = arith.constant 64 : index
        %get3A_866 = tpu.vector_load %arg16[%get3A_864, %get3A_865] {strides = array<i32>} : memref<256x128xf32, #tpu.memory_space<vmem>>, vector<16xf32>,
        %get3A_867 = arith.index_cast %add3A_863 : i32 to index
        %get3A_868 = arith.constant 80 : index
        %get3A_869 = tpu.vector_load %arg16[%get3A_867, %get3A_868] {strides = array<i32>} : memref<256x128xf32, #tpu.memory_space<vmem>>, vector<16xf32>,
        %get3A_870 = arith.index_cast %add3A_863 : i32 to index
        %get3A_871 = arith.constant 96 : index
        %get3A_872 = tpu.vector_load %arg16[%get3A_870, %get3A_871] {strides = array<i32>} : memref<256x128xf32, #tpu.memory_space<vmem>>, vector<16xf32>,
        %get3A_873 = arith.index_cast %add3A_863 : i32 to index
        %get3A_874 = arith.constant 112 : index
        %get3A_875 = tpu.vector_load %arg16[%get3A_873, %get3A_874] {strides = array<i32>} : memref<256x128xf32, #tpu.memory_space<vmem>>, vector<16xf32>,
        %get3A_876 = arith.index_cast %add3A_863 : i32 to index
        %get3A_877 = arith.constant 64 : index
        %get3A_878 = tpu.vector_load %arg17[%get3A_876, %get3A_877] {strides = array<i32>} : memref<256x128xf32, #tpu.memory_space<vmem>>, vector<16xf32>,
        %get3A_879 = arith.index_cast %add3A_863 : i32 to index
        %get3A_880 = arith.constant 80 : index
        %get3A_881 = tpu.vector_load %arg17[%get3A_879, %get3A_880] {strides = array<i32>} : memref<256x128xf32, #tpu.memory_space<vmem>>, vector<16xf32>,
        %get3A_882 = arith.index_cast %add3A_863 : i32 to index
        %get3A_883 = arith.constant 96 : index
        %get3A_884 = tpu.vector_load %arg17[%get3A_882, %get3A_883] {strides = array<i32>} : memref<256x128xf32, #tpu.memory_space<vmem>>, vector<16xf32>,
        %get3A_885 = arith.index_cast %add3A_863 : i32 to index
        %get3A_886 = arith.constant 112 : index
        %get3A_887 = tpu.vector_load %arg17[%get3A_885, %get3A_886] {strides = array<i32>} : memref<256x128xf32, #tpu.memory_space<vmem>>, vector<16xf32>,
        %mul3A_888 = arith.mulf %get3A_866, %get3A_866 : vector<16xf32>
        %mul3A_889 = arith.mulf %get3A_878, %get3A_878 : vector<16xf32>
        %mul3A_890 = arith.mulf %get3A_866, %get3A_878 : vector<16xf32>
        %mul3A_891 = arith.mulf %get3A_869, %get3A_869 : vector<16xf32>
        %add3A_892 = arith.addf %mul3A_888, %mul3A_891 : vector<16xf32>
        %mul3A_893 = arith.mulf %get3A_881, %get3A_881 : vector<16xf32>
        %add3A_894 = arith.addf %mul3A_889, %mul3A_893 : vector<16xf32>
        %mul3A_895 = arith.mulf %get3A_869, %get3A_881 : vector<16xf32>
        %add3A_896 = arith.addf %mul3A_890, %mul3A_895 : vector<16xf32>
        %mul3A_897 = arith.mulf %get3A_872, %get3A_872 : vector<16xf32>
        %add3A_898 = arith.addf %add3A_892, %mul3A_897 : vector<16xf32>
        %mul3A_899 = arith.mulf %get3A_884, %get3A_884 : vector<16xf32>
        %add3A_900 = arith.addf %add3A_894, %mul3A_899 : vector<16xf32>
        %mul3A_901 = arith.mulf %get3A_872, %get3A_884 : vector<16xf32>
        %add3A_902 = arith.addf %add3A_896, %mul3A_901 : vector<16xf32>
        %mul3A_903 = arith.mulf %get3A_875, %get3A_875 : vector<16xf32>
        %add3A_904 = arith.addf %add3A_898, %mul3A_903 : vector<16xf32>
        %mul3A_905 = arith.mulf %get3A_887, %get3A_887 : vector<16xf32>
        %add3A_906 = arith.addf %add3A_900, %mul3A_905 : vector<16xf32>
        %mul3A_907 = arith.mulf %get3A_875, %get3A_887 : vector<16xf32>
        %add3A_908 = arith.addf %add3A_902, %mul3A_907 : vector<16xf32>
        %mul3A_909 = arith.constant 8 : i32
        %mul3A_910 = arith.muli %scan3A_474, %mul3A_909 : i32
        %add3A_911 = arith.constant 5 : i32
        %add3A_912 = arith.addi %mul3A_910, %add3A_911 : i32
        %eq3A_913 = vector.broadcast %add3A_912 : i32 to vector<16xi32>
        %eq3A_914 = arith.cmpi eq, %iota3A, %eq3A_913 : vector<16xi32>
        %reduce_sum3A_915 = arith.constant true
        %reduce_sum3A_916 = vector.broadcast %reduce_sum3A_915 : i1 to vector<16xi1>
        %reduce_sum3A_917 = tpu.scan <sum>, %add3A_904 masked %reduce_sum3A_916 : vector<16xf32>, vector<16xi1> -> vector<16xf32>
        %reduce_sum3A_918 = vector.extract %reduce_sum3A_917[15] : f32 from vector<16xf32>
        %broadcast_in_dim3A_919 = vector.broadcast %reduce_sum3A_918 : f32 to vector<16xf32>
        %select_n3A_920 = arith.select %eq3A_914, %broadcast_in_dim3A_919, %select_n3A_844 : vector<16xi1>, vector<16xf32>
        %reduce_sum3A_921 = arith.constant true
        %reduce_sum3A_922 = vector.broadcast %reduce_sum3A_921 : i1 to vector<16xi1>
        %reduce_sum3A_923 = tpu.scan <sum>, %add3A_906 masked %reduce_sum3A_922 : vector<16xf32>, vector<16xi1> -> vector<16xf32>
        %reduce_sum3A_924 = vector.extract %reduce_sum3A_923[15] : f32 from vector<16xf32>
        %broadcast_in_dim3A_925 = vector.broadcast %reduce_sum3A_924 : f32 to vector<16xf32>
        %select_n3A_926 = arith.select %eq3A_914, %broadcast_in_dim3A_925, %select_n3A_850 : vector<16xi1>, vector<16xf32>
        %reduce_sum3A_927 = arith.constant true
        %reduce_sum3A_928 = vector.broadcast %reduce_sum3A_927 : i1 to vector<16xi1>
        %reduce_sum3A_929 = tpu.scan <sum>, %add3A_908 masked %reduce_sum3A_928 : vector<16xf32>, vector<16xi1> -> vector<16xf32>
        %reduce_sum3A_930 = vector.extract %reduce_sum3A_929[15] : f32 from vector<16xf32>
        %broadcast_in_dim3A_931 = vector.broadcast %reduce_sum3A_930 : f32 to vector<16xf32>
        %select_n3A_932 = arith.select %eq3A_914, %broadcast_in_dim3A_931, %select_n3A_856 : vector<16xi1>, vector<16xf32>
        %mul3A_933 = arith.constant 8 : i32
        %mul3A_934 = arith.muli %scan3A_139, %mul3A_933 : i32
        %mul3A_935 = arith.constant 4 : i32
        %mul3A_936 = arith.muli %scan3A_474, %mul3A_935 : i32
        %add3A_937 = arith.addi %mul3A_934, %mul3A_936 : i32
        %add3A_938 = arith.constant 3 : i32
        %add3A_939 = arith.addi %add3A_937, %add3A_938 : i32
        %get3A_940 = arith.index_cast %add3A_939 : i32 to index
        %get3A_941 = arith.constant 0 : index
        %get3A_942 = tpu.vector_load %arg16[%get3A_940, %get3A_941] {strides = array<i32>} : memref<256x128xf32, #tpu.memory_space<vmem>>, vector<16xf32>,
        %get3A_943 = arith.index_cast %add3A_939 : i32 to index
        %get3A_944 = arith.constant 16 : index
        %get3A_945 = tpu.vector_load %arg16[%get3A_943, %get3A_944] {strides = array<i32>} : memref<256x128xf32, #tpu.memory_space<vmem>>, vector<16xf32>,
        %get3A_946 = arith.index_cast %add3A_939 : i32 to index
        %get3A_947 = arith.constant 32 : index
        %get3A_948 = tpu.vector_load %arg16[%get3A_946, %get3A_947] {strides = array<i32>} : memref<256x128xf32, #tpu.memory_space<vmem>>, vector<16xf32>,
        %get3A_949 = arith.index_cast %add3A_939 : i32 to index
        %get3A_950 = arith.constant 48 : index
        %get3A_951 = tpu.vector_load %arg16[%get3A_949, %get3A_950] {strides = array<i32>} : memref<256x128xf32, #tpu.memory_space<vmem>>, vector<16xf32>,
        %get3A_952 = arith.index_cast %add3A_939 : i32 to index
        %get3A_953 = arith.constant 0 : index
        %get3A_954 = tpu.vector_load %arg17[%get3A_952, %get3A_953] {strides = array<i32>} : memref<256x128xf32, #tpu.memory_space<vmem>>, vector<16xf32>,
        %get3A_955 = arith.index_cast %add3A_939 : i32 to index
        %get3A_956 = arith.constant 16 : index
        %get3A_957 = tpu.vector_load %arg17[%get3A_955, %get3A_956] {strides = array<i32>} : memref<256x128xf32, #tpu.memory_space<vmem>>, vector<16xf32>,
        %get3A_958 = arith.index_cast %add3A_939 : i32 to index
        %get3A_959 = arith.constant 32 : index
        %get3A_960 = tpu.vector_load %arg17[%get3A_958, %get3A_959] {strides = array<i32>} : memref<256x128xf32, #tpu.memory_space<vmem>>, vector<16xf32>,
        %get3A_961 = arith.index_cast %add3A_939 : i32 to index
        %get3A_962 = arith.constant 48 : index
        %get3A_963 = tpu.vector_load %arg17[%get3A_961, %get3A_962] {strides = array<i32>} : memref<256x128xf32, #tpu.memory_space<vmem>>, vector<16xf32>,
        %mul3A_964 = arith.mulf %get3A_942, %get3A_942 : vector<16xf32>
        %mul3A_965 = arith.mulf %get3A_954, %get3A_954 : vector<16xf32>
        %mul3A_966 = arith.mulf %get3A_942, %get3A_954 : vector<16xf32>
        %mul3A_967 = arith.mulf %get3A_945, %get3A_945 : vector<16xf32>
        %add3A_968 = arith.addf %mul3A_964, %mul3A_967 : vector<16xf32>
        %mul3A_969 = arith.mulf %get3A_957, %get3A_957 : vector<16xf32>
        %add3A_970 = arith.addf %mul3A_965, %mul3A_969 : vector<16xf32>
        %mul3A_971 = arith.mulf %get3A_945, %get3A_957 : vector<16xf32>
        %add3A_972 = arith.addf %mul3A_966, %mul3A_971 : vector<16xf32>
        %mul3A_973 = arith.mulf %get3A_948, %get3A_948 : vector<16xf32>
        %add3A_974 = arith.addf %add3A_968, %mul3A_973 : vector<16xf32>
        %mul3A_975 = arith.mulf %get3A_960, %get3A_960 : vector<16xf32>
        %add3A_976 = arith.addf %add3A_970, %mul3A_975 : vector<16xf32>
        %mul3A_977 = arith.mulf %get3A_948, %get3A_960 : vector<16xf32>
        %add3A_978 = arith.addf %add3A_972, %mul3A_977 : vector<16xf32>
        %mul3A_979 = arith.mulf %get3A_951, %get3A_951 : vector<16xf32>
        %add3A_980 = arith.addf %add3A_974, %mul3A_979 : vector<16xf32>
        %mul3A_981 = arith.mulf %get3A_963, %get3A_963 : vector<16xf32>
        %add3A_982 = arith.addf %add3A_976, %mul3A_981 : vector<16xf32>
        %mul3A_983 = arith.mulf %get3A_951, %get3A_963 : vector<16xf32>
        %add3A_984 = arith.addf %add3A_978, %mul3A_983 : vector<16xf32>
        %mul3A_985 = arith.constant 8 : i32
        %mul3A_986 = arith.muli %scan3A_474, %mul3A_985 : i32
        %add3A_987 = arith.constant 6 : i32
        %add3A_988 = arith.addi %mul3A_986, %add3A_987 : i32
        %eq3A_989 = vector.broadcast %add3A_988 : i32 to vector<16xi32>
        %eq3A_990 = arith.cmpi eq, %iota3A, %eq3A_989 : vector<16xi32>
        %reduce_sum3A_991 = arith.constant true
        %reduce_sum3A_992 = vector.broadcast %reduce_sum3A_991 : i1 to vector<16xi1>
        %reduce_sum3A_993 = tpu.scan <sum>, %add3A_980 masked %reduce_sum3A_992 : vector<16xf32>, vector<16xi1> -> vector<16xf32>
        %reduce_sum3A_994 = vector.extract %reduce_sum3A_993[15] : f32 from vector<16xf32>
        %broadcast_in_dim3A_995 = vector.broadcast %reduce_sum3A_994 : f32 to vector<16xf32>
        %select_n3A_996 = arith.select %eq3A_990, %broadcast_in_dim3A_995, %select_n3A_920 : vector<16xi1>, vector<16xf32>
        %reduce_sum3A_997 = arith.constant true
        %reduce_sum3A_998 = vector.broadcast %reduce_sum3A_997 : i1 to vector<16xi1>
        %reduce_sum3A_999 = tpu.scan <sum>, %add3A_982 masked %reduce_sum3A_998 : vector<16xf32>, vector<16xi1> -> vector<16xf32>
        %reduce_sum3A_1000 = vector.extract %reduce_sum3A_999[15] : f32 from vector<16xf32>
        %broadcast_in_dim3A_1001 = vector.broadcast %reduce_sum3A_1000 : f32 to vector<16xf32>
        %select_n3A_1002 = arith.select %eq3A_990, %broadcast_in_dim3A_1001, %select_n3A_926 : vector<16xi1>, vector<16xf32>
        %reduce_sum3A_1003 = arith.constant true
        %reduce_sum3A_1004 = vector.broadcast %reduce_sum3A_1003 : i1 to vector<16xi1>
        %reduce_sum3A_1005 = tpu.scan <sum>, %add3A_984 masked %reduce_sum3A_1004 : vector<16xf32>, vector<16xi1> -> vector<16xf32>
        %reduce_sum3A_1006 = vector.extract %reduce_sum3A_1005[15] : f32 from vector<16xf32>
        %broadcast_in_dim3A_1007 = vector.broadcast %reduce_sum3A_1006 : f32 to vector<16xf32>
        %select_n3A_1008 = arith.select %eq3A_990, %broadcast_in_dim3A_1007, %select_n3A_932 : vector<16xi1>, vector<16xf32>
        %mul3A_1009 = arith.constant 8 : i32
        %mul3A_1010 = arith.muli %scan3A_139, %mul3A_1009 : i32
        %mul3A_1011 = arith.constant 4 : i32
        %mul3A_1012 = arith.muli %scan3A_474, %mul3A_1011 : i32
        %add3A_1013 = arith.addi %mul3A_1010, %mul3A_1012 : i32
        %add3A_1014 = arith.constant 3 : i32
        %add3A_1015 = arith.addi %add3A_1013, %add3A_1014 : i32
        %get3A_1016 = arith.index_cast %add3A_1015 : i32 to index
        %get3A_1017 = arith.constant 64 : index
        %get3A_1018 = tpu.vector_load %arg16[%get3A_1016, %get3A_1017] {strides = array<i32>} : memref<256x128xf32, #tpu.memory_space<vmem>>, vector<16xf32>,
        %get3A_1019 = arith.index_cast %add3A_1015 : i32 to index
        %get3A_1020 = arith.constant 80 : index
        %get3A_1021 = tpu.vector_load %arg16[%get3A_1019, %get3A_1020] {strides = array<i32>} : memref<256x128xf32, #tpu.memory_space<vmem>>, vector<16xf32>,
        %get3A_1022 = arith.index_cast %add3A_1015 : i32 to index
        %get3A_1023 = arith.constant 96 : index
        %get3A_1024 = tpu.vector_load %arg16[%get3A_1022, %get3A_1023] {strides = array<i32>} : memref<256x128xf32, #tpu.memory_space<vmem>>, vector<16xf32>,
        %get3A_1025 = arith.index_cast %add3A_1015 : i32 to index
        %get3A_1026 = arith.constant 112 : index
        %get3A_1027 = tpu.vector_load %arg16[%get3A_1025, %get3A_1026] {strides = array<i32>} : memref<256x128xf32, #tpu.memory_space<vmem>>, vector<16xf32>,
        %get3A_1028 = arith.index_cast %add3A_1015 : i32 to index
        %get3A_1029 = arith.constant 64 : index
        %get3A_1030 = tpu.vector_load %arg17[%get3A_1028, %get3A_1029] {strides = array<i32>} : memref<256x128xf32, #tpu.memory_space<vmem>>, vector<16xf32>,
        %get3A_1031 = arith.index_cast %add3A_1015 : i32 to index
        %get3A_1032 = arith.constant 80 : index
        %get3A_1033 = tpu.vector_load %arg17[%get3A_1031, %get3A_1032] {strides = array<i32>} : memref<256x128xf32, #tpu.memory_space<vmem>>, vector<16xf32>,
        %get3A_1034 = arith.index_cast %add3A_1015 : i32 to index
        %get3A_1035 = arith.constant 96 : index
        %get3A_1036 = tpu.vector_load %arg17[%get3A_1034, %get3A_1035] {strides = array<i32>} : memref<256x128xf32, #tpu.memory_space<vmem>>, vector<16xf32>,
        %get3A_1037 = arith.index_cast %add3A_1015 : i32 to index
        %get3A_1038 = arith.constant 112 : index
        %get3A_1039 = tpu.vector_load %arg17[%get3A_1037, %get3A_1038] {strides = array<i32>} : memref<256x128xf32, #tpu.memory_space<vmem>>, vector<16xf32>,
        %mul3A_1040 = arith.mulf %get3A_1018, %get3A_1018 : vector<16xf32>
        %mul3A_1041 = arith.mulf %get3A_1030, %get3A_1030 : vector<16xf32>
        %mul3A_1042 = arith.mulf %get3A_1018, %get3A_1030 : vector<16xf32>
        %mul3A_1043 = arith.mulf %get3A_1021, %get3A_1021 : vector<16xf32>
        %add3A_1044 = arith.addf %mul3A_1040, %mul3A_1043 : vector<16xf32>
        %mul3A_1045 = arith.mulf %get3A_1033, %get3A_1033 : vector<16xf32>
        %add3A_1046 = arith.addf %mul3A_1041, %mul3A_1045 : vector<16xf32>
        %mul3A_1047 = arith.mulf %get3A_1021, %get3A_1033 : vector<16xf32>
        %add3A_1048 = arith.addf %mul3A_1042, %mul3A_1047 : vector<16xf32>
        %mul3A_1049 = arith.mulf %get3A_1024, %get3A_1024 : vector<16xf32>
        %add3A_1050 = arith.addf %add3A_1044, %mul3A_1049 : vector<16xf32>
        %mul3A_1051 = arith.mulf %get3A_1036, %get3A_1036 : vector<16xf32>
        %add3A_1052 = arith.addf %add3A_1046, %mul3A_1051 : vector<16xf32>
        %mul3A_1053 = arith.mulf %get3A_1024, %get3A_1036 : vector<16xf32>
        %add3A_1054 = arith.addf %add3A_1048, %mul3A_1053 : vector<16xf32>
        %mul3A_1055 = arith.mulf %get3A_1027, %get3A_1027 : vector<16xf32>
        %add3A_1056 = arith.addf %add3A_1050, %mul3A_1055 : vector<16xf32>
        %mul3A_1057 = arith.mulf %get3A_1039, %get3A_1039 : vector<16xf32>
        %add3A_1058 = arith.addf %add3A_1052, %mul3A_1057 : vector<16xf32>
        %mul3A_1059 = arith.mulf %get3A_1027, %get3A_1039 : vector<16xf32>
        %add3A_1060 = arith.addf %add3A_1054, %mul3A_1059 : vector<16xf32>
        %mul3A_1061 = arith.constant 8 : i32
        %mul3A_1062 = arith.muli %scan3A_474, %mul3A_1061 : i32
        %add3A_1063 = arith.constant 7 : i32
        %add3A_1064 = arith.addi %mul3A_1062, %add3A_1063 : i32
        %eq3A_1065 = vector.broadcast %add3A_1064 : i32 to vector<16xi32>
        %eq3A_1066 = arith.cmpi eq, %iota3A, %eq3A_1065 : vector<16xi32>
        %reduce_sum3A_1067 = arith.constant true
        %reduce_sum3A_1068 = vector.broadcast %reduce_sum3A_1067 : i1 to vector<16xi1>
        %reduce_sum3A_1069 = tpu.scan <sum>, %add3A_1056 masked %reduce_sum3A_1068 : vector<16xf32>, vector<16xi1> -> vector<16xf32>
        %reduce_sum3A_1070 = vector.extract %reduce_sum3A_1069[15] : f32 from vector<16xf32>
        %broadcast_in_dim3A_1071 = vector.broadcast %reduce_sum3A_1070 : f32 to vector<16xf32>
        %select_n3A_1072 = arith.select %eq3A_1066, %broadcast_in_dim3A_1071, %select_n3A_996 : vector<16xi1>, vector<16xf32>
        %reduce_sum3A_1073 = arith.constant true
        %reduce_sum3A_1074 = vector.broadcast %reduce_sum3A_1073 : i1 to vector<16xi1>
        %reduce_sum3A_1075 = tpu.scan <sum>, %add3A_1058 masked %reduce_sum3A_1074 : vector<16xf32>, vector<16xi1> -> vector<16xf32>
        %reduce_sum3A_1076 = vector.extract %reduce_sum3A_1075[15] : f32 from vector<16xf32>
        %broadcast_in_dim3A_1077 = vector.broadcast %reduce_sum3A_1076 : f32 to vector<16xf32>
        %select_n3A_1078 = arith.select %eq3A_1066, %broadcast_in_dim3A_1077, %select_n3A_1002 : vector<16xi1>, vector<16xf32>
        %reduce_sum3A_1079 = arith.constant true
        %reduce_sum3A_1080 = vector.broadcast %reduce_sum3A_1079 : i1 to vector<16xi1>
        %reduce_sum3A_1081 = tpu.scan <sum>, %add3A_1060 masked %reduce_sum3A_1080 : vector<16xf32>, vector<16xi1> -> vector<16xf32>
        %reduce_sum3A_1082 = vector.extract %reduce_sum3A_1081[15] : f32 from vector<16xf32>
        %broadcast_in_dim3A_1083 = vector.broadcast %reduce_sum3A_1082 : f32 to vector<16xf32>
        %select_n3A_1084 = arith.select %eq3A_1066, %broadcast_in_dim3A_1083, %select_n3A_1008 : vector<16xi1>, vector<16xf32>
        scf.yield %select_n3A_1072, %select_n3A_1078, %select_n3A_1084 : vector<16xf32>, vector<16xf32>, vector<16xf32>
      }
      %scan3A_148 = arith.constant 2 : i32
      %add3A_149 = arith.addf %scan3A_147#0, %scan3A_147#1 : vector<16xf32>
      %mul3A_150 = arith.constant 2.000000e+00 : f32
      %mul3A_151 = vector.broadcast %mul3A_150 : f32 to vector<16xf32>
      %mul3A_152 = arith.mulf %mul3A_151, %scan3A_147#2 : vector<16xf32>
      %sub3A = arith.subf %add3A_149, %mul3A_152 : vector<16xf32>
      %mul3A_153 = arith.constant 16 : i32
      %mul3A_154 = arith.muli %scan3A_139, %mul3A_153 : i32
      %get3A_155 = arith.index_cast %mul3A_154 : i32 to index
      %get3A_156 = tpu.vector_load %arg12[%get3A_155] {strides = array<i32>} : memref<512xf32, #tpu.memory_space<vmem>>, vector<16xf32>,
      %get3A_157 = arith.index_cast %mul3A_154 : i32 to index
      %get3A_158 = tpu.vector_load %arg13[%get3A_157] {strides = array<i32>} : memref<512xf32, #tpu.memory_space<vmem>>, vector<16xf32>,
      %get3A_159 = arith.index_cast %mul3A_154 : i32 to index
      %get3A_160 = tpu.vector_load %arg14[%get3A_159] {strides = array<i32>} : memref<512xf32, #tpu.memory_space<vmem>>, vector<16xf32>,
      %mul3A_161 = arith.constant 2.000000e+00 : f32
      %mul3A_162 = vector.broadcast %mul3A_161 : f32 to vector<16xf32>
      %mul3A_163 = arith.mulf %mul3A_162, %sub3A : vector<16xf32>
      %sub3A_164 = arith.constant 1.000000e+00 : f32
      %sub3A_165 = vector.broadcast %sub3A_164 : f32 to vector<16xf32>
      %sub3A_166 = arith.subf %sub3A_165, %scan3A_147#0 : vector<16xf32>
      %sub3A_167 = arith.constant 1.000000e+00 : f32
      %sub3A_168 = vector.broadcast %sub3A_167 : f32 to vector<16xf32>
      %sub3A_169 = arith.subf %sub3A_168, %scan3A_147#1 : vector<16xf32>
      %mul3A_170 = arith.mulf %sub3A_166, %sub3A_169 : vector<16xf32>
      %div3A = arith.divf %mul3A_163, %mul3A_170 : vector<16xf32>
      %max3A = arith.constant 9.99999974E-6 : f32
      %max3A_171 = vector.broadcast %max3A : f32 to vector<16xf32>
      %max3A_172 = arith.maximumf %div3A, %max3A_171 : vector<16xf32>
      %add3A_173 = arith.constant 2.000000e+00 : f32
      %add3A_174 = vector.broadcast %add3A_173 : f32 to vector<16xf32>
      %add3A_175 = arith.addf %max3A_172, %add3A_174 : vector<16xf32>
      %mul3A_176 = arith.mulf %max3A_172, %add3A_175 : vector<16xf32>
      %min3A = arith.constant 1.000000e+30 : f32
      %min3A_177 = vector.broadcast %min3A : f32 to vector<16xf32>
      %min3A_178 = arith.minimumf %mul3A_176, %min3A_177 : vector<16xf32>
      %add3A_179 = arith.constant 1.000000e+00 : f32
      %add3A_180 = vector.broadcast %add3A_179 : f32 to vector<16xf32>
      %add3A_181 = arith.addf %add3A_180, %max3A_172 : vector<16xf32>
      %bitcast_convert_type3A = tpu.bitcast %min3A_178 : vector<16xf32> -> vector<16xi32>
      %shift_right_arithmetic3A = arith.constant 1 : i32
      %shift_right_arithmetic3A_182 = vector.broadcast %shift_right_arithmetic3A : i32 to vector<16xi32>
      %shift_right_arithmetic3A_183 = arith.shrsi %bitcast_convert_type3A, %shift_right_arithmetic3A_182 : vector<16xi32>
      %sub3A_184 = arith.constant 1597463007 : i32
      %sub3A_185 = vector.broadcast %sub3A_184 : i32 to vector<16xi32>
      %sub3A_186 = arith.subi %sub3A_185, %shift_right_arithmetic3A_183 : vector<16xi32>
      %bitcast_convert_type3A_187 = tpu.bitcast %sub3A_186 : vector<16xi32> -> vector<16xf32>
      %mul3A_188 = arith.constant 5.000000e-01 : f32
      %mul3A_189 = vector.broadcast %mul3A_188 : f32 to vector<16xf32>
      %mul3A_190 = arith.mulf %mul3A_189, %min3A_178 : vector<16xf32>
      %mul3A_191 = arith.mulf %mul3A_190, %bitcast_convert_type3A_187 : vector<16xf32>
      %mul3A_192 = arith.mulf %mul3A_191, %bitcast_convert_type3A_187 : vector<16xf32>
      %sub3A_193 = arith.constant 1.500000e+00 : f32
      %sub3A_194 = vector.broadcast %sub3A_193 : f32 to vector<16xf32>
      %sub3A_195 = arith.subf %sub3A_194, %mul3A_192 : vector<16xf32>
      %mul3A_196 = arith.mulf %bitcast_convert_type3A_187, %sub3A_195 : vector<16xf32>
      %mul3A_197 = arith.constant 5.000000e-01 : f32
      %mul3A_198 = vector.broadcast %mul3A_197 : f32 to vector<16xf32>
      %mul3A_199 = arith.mulf %mul3A_198, %min3A_178 : vector<16xf32>
      %mul3A_200 = arith.mulf %mul3A_199, %mul3A_196 : vector<16xf32>
      %mul3A_201 = arith.mulf %mul3A_200, %mul3A_196 : vector<16xf32>
      %sub3A_202 = arith.constant 1.500000e+00 : f32
      %sub3A_203 = vector.broadcast %sub3A_202 : f32 to vector<16xf32>
      %sub3A_204 = arith.subf %sub3A_203, %mul3A_201 : vector<16xf32>
      %mul3A_205 = arith.mulf %mul3A_196, %sub3A_204 : vector<16xf32>
      %mul3A_206 = arith.constant 5.000000e-01 : f32
      %mul3A_207 = vector.broadcast %mul3A_206 : f32 to vector<16xf32>
      %mul3A_208 = arith.mulf %mul3A_207, %min3A_178 : vector<16xf32>
      %mul3A_209 = arith.mulf %mul3A_208, %mul3A_205 : vector<16xf32>
      %mul3A_210 = arith.mulf %mul3A_209, %mul3A_205 : vector<16xf32>
      %sub3A_211 = arith.constant 1.500000e+00 : f32
      %sub3A_212 = vector.broadcast %sub3A_211 : f32 to vector<16xf32>
      %sub3A_213 = arith.subf %sub3A_212, %mul3A_210 : vector<16xf32>
      %mul3A_214 = arith.mulf %mul3A_205, %sub3A_213 : vector<16xf32>
      %mul3A_215 = arith.mulf %min3A_178, %mul3A_214 : vector<16xf32>
      %add3A_216 = arith.addf %add3A_181, %mul3A_215 : vector<16xf32>
      %bitcast_convert_type3A_217 = tpu.bitcast %add3A_216 : vector<16xf32> -> vector<16xi32>
      %shift_right_arithmetic3A_218 = arith.constant 23 : i32
      %shift_right_arithmetic3A_219 = vector.broadcast %shift_right_arithmetic3A_218 : i32 to vector<16xi32>
      %shift_right_arithmetic3A_220 = arith.shrsi %bitcast_convert_type3A_217, %shift_right_arithmetic3A_219 : vector<16xi32>
      %sub3A_221 = arith.constant 127 : i32
      %sub3A_222 = vector.broadcast %sub3A_221 : i32 to vector<16xi32>
      %sub3A_223 = arith.subi %shift_right_arithmetic3A_220, %sub3A_222 : vector<16xi32>
      %and3A = arith.constant 8388607 : i32
      %and3A_224 = vector.broadcast %and3A : i32 to vector<16xi32>
      %and3A_225 = arith.andi %bitcast_convert_type3A_217, %and3A_224 : vector<16xi32>
      %or3A = arith.constant 1065353216 : i32
      %or3A_226 = vector.broadcast %or3A : i32 to vector<16xi32>
      %or3A_227 = arith.ori %and3A_225, %or3A_226 : vector<16xi32>
      %bitcast_convert_type3A_228 = tpu.bitcast %or3A_227 : vector<16xi32> -> vector<16xf32>
      %gt3A = arith.constant 1.41421354 : f32
      %gt3A_229 = vector.broadcast %gt3A : f32 to vector<16xf32>
      %gt3A_230 = arith.cmpf ogt, %bitcast_convert_type3A_228, %gt3A_229 : vector<16xf32>
      %mul3A_231 = arith.constant 5.000000e-01 : f32
      %mul3A_232 = vector.broadcast %mul3A_231 : f32 to vector<16xf32>
      %mul3A_233 = arith.mulf %mul3A_232, %bitcast_convert_type3A_228 : vector<16xf32>
      %select_n3A = arith.select %gt3A_230, %mul3A_233, %bitcast_convert_type3A_228 : vector<16xi1>, vector<16xf32>
      %jit3A = arith.constant 1 : i32
      %jit3A_234 = arith.constant 0 : i32
      %broadcast_in_dim3A_235 = vector.broadcast %jit3A : i32 to vector<16xi32>
      %broadcast_in_dim3A_236 = vector.broadcast %jit3A_234 : i32 to vector<16xi32>
      %select_n3A_237 = arith.select %gt3A_230, %broadcast_in_dim3A_235, %broadcast_in_dim3A_236 : vector<16xi1>, vector<16xi32>
      %add3A_238 = arith.addi %sub3A_223, %select_n3A_237 : vector<16xi32>
      %convert_element_type3A = arith.sitofp %add3A_238 : vector<16xi32> to vector<16xf32>
      %sub3A_239 = arith.constant 1.000000e+00 : f32
      %sub3A_240 = vector.broadcast %sub3A_239 : f32 to vector<16xf32>
      %sub3A_241 = arith.subf %select_n3A, %sub3A_240 : vector<16xf32>
      %broadcast_in_dim3A_242 = arith.constant 0.0703768358 : f32
      %broadcast_in_dim3A_243 = vector.broadcast %broadcast_in_dim3A_242 : f32 to vector<16xf32>
      %mul3A_244 = arith.mulf %broadcast_in_dim3A_243, %sub3A_241 : vector<16xf32>
      %add3A_245 = arith.constant -0.115146101 : f32
      %add3A_246 = vector.broadcast %add3A_245 : f32 to vector<16xf32>
      %add3A_247 = arith.addf %mul3A_244, %add3A_246 : vector<16xf32>
      %mul3A_248 = arith.mulf %add3A_247, %sub3A_241 : vector<16xf32>
      %add3A_249 = arith.constant 0.116769984 : f32
      %add3A_250 = vector.broadcast %add3A_249 : f32 to vector<16xf32>
      %add3A_251 = arith.addf %mul3A_248, %add3A_250 : vector<16xf32>
      %mul3A_252 = arith.mulf %add3A_251, %sub3A_241 : vector<16xf32>
      %add3A_253 = arith.constant -0.12420141 : f32
      %add3A_254 = vector.broadcast %add3A_253 : f32 to vector<16xf32>
      %add3A_255 = arith.addf %mul3A_252, %add3A_254 : vector<16xf32>
      %mul3A_256 = arith.mulf %add3A_255, %sub3A_241 : vector<16xf32>
      %add3A_257 = arith.constant 0.142493233 : f32
      %add3A_258 = vector.broadcast %add3A_257 : f32 to vector<16xf32>
      %add3A_259 = arith.addf %mul3A_256, %add3A_258 : vector<16xf32>
      %mul3A_260 = arith.mulf %add3A_259, %sub3A_241 : vector<16xf32>
      %add3A_261 = arith.constant -0.166680574 : f32
      %add3A_262 = vector.broadcast %add3A_261 : f32 to vector<16xf32>
      %add3A_263 = arith.addf %mul3A_260, %add3A_262 : vector<16xf32>
      %mul3A_264 = arith.mulf %add3A_263, %sub3A_241 : vector<16xf32>
      %add3A_265 = arith.constant 0.200007141 : f32
      %add3A_266 = vector.broadcast %add3A_265 : f32 to vector<16xf32>
      %add3A_267 = arith.addf %mul3A_264, %add3A_266 : vector<16xf32>
      %mul3A_268 = arith.mulf %add3A_267, %sub3A_241 : vector<16xf32>
      %add3A_269 = arith.constant -0.24999994 : f32
      %add3A_270 = vector.broadcast %add3A_269 : f32 to vector<16xf32>
      %add3A_271 = arith.addf %mul3A_268, %add3A_270 : vector<16xf32>
      %mul3A_272 = arith.mulf %add3A_271, %sub3A_241 : vector<16xf32>
      %add3A_273 = arith.constant 0.333333313 : f32
      %add3A_274 = vector.broadcast %add3A_273 : f32 to vector<16xf32>
      %add3A_275 = arith.addf %mul3A_272, %add3A_274 : vector<16xf32>
      %mul3A_276 = arith.mulf %sub3A_241, %sub3A_241 : vector<16xf32>
      %mul3A_277 = arith.mulf %sub3A_241, %mul3A_276 : vector<16xf32>
      %mul3A_278 = arith.mulf %mul3A_277, %add3A_275 : vector<16xf32>
      %mul3A_279 = arith.constant -2.12194442E-4 : f32
      %mul3A_280 = vector.broadcast %mul3A_279 : f32 to vector<16xf32>
      %mul3A_281 = arith.mulf %convert_element_type3A, %mul3A_280 : vector<16xf32>
      %add3A_282 = arith.addf %mul3A_278, %mul3A_281 : vector<16xf32>
      %mul3A_283 = arith.constant 5.000000e-01 : f32
      %mul3A_284 = vector.broadcast %mul3A_283 : f32 to vector<16xf32>
      %mul3A_285 = arith.mulf %mul3A_284, %mul3A_276 : vector<16xf32>
      %sub3A_286 = arith.subf %add3A_282, %mul3A_285 : vector<16xf32>
      %add3A_287 = arith.addf %sub3A_241, %sub3A_286 : vector<16xf32>
      %mul3A_288 = arith.constant 0.693359375 : f32
      %mul3A_289 = vector.broadcast %mul3A_288 : f32 to vector<16xf32>
      %mul3A_290 = arith.mulf %convert_element_type3A, %mul3A_289 : vector<16xf32>
      %add3A_291 = arith.addf %add3A_287, %mul3A_290 : vector<16xf32>
      %add3A_292 = vector.broadcast %reduce_sum3A_128 : f32 to vector<16xf32>
      %add3A_293 = arith.addf %add3A_292, %get3A_160 : vector<16xf32>
      %add3A_294 = arith.addf %add3A_293, %get3A_158 : vector<16xf32>
      %add3A_295 = arith.addf %add3A_294, %add3A_291 : vector<16xf32>
      %jit3A_296 = arith.constant 1.000000e-07 : f32
      %jit3A_297 = arith.constant 0.99999988 : f32
      %max3A_298 = vector.broadcast %jit3A_296 : f32 to vector<16xf32>
      %max3A_299 = arith.maximumf %max3A_298, %add3A_295 : vector<16xf32>
      %min3A_300 = vector.broadcast %jit3A_297 : f32 to vector<16xf32>
      %min3A_301 = arith.minimumf %min3A_300, %max3A_299 : vector<16xf32>
      %bitcast_convert_type3A_302 = tpu.bitcast %min3A_301 : vector<16xf32> -> vector<16xi32>
      %shift_right_arithmetic3A_303 = arith.constant 23 : i32
      %shift_right_arithmetic3A_304 = vector.broadcast %shift_right_arithmetic3A_303 : i32 to vector<16xi32>
      %shift_right_arithmetic3A_305 = arith.shrsi %bitcast_convert_type3A_302, %shift_right_arithmetic3A_304 : vector<16xi32>
      %sub3A_306 = arith.constant 127 : i32
      %sub3A_307 = vector.broadcast %sub3A_306 : i32 to vector<16xi32>
      %sub3A_308 = arith.subi %shift_right_arithmetic3A_305, %sub3A_307 : vector<16xi32>
      %and3A_309 = arith.constant 8388607 : i32
      %and3A_310 = vector.broadcast %and3A_309 : i32 to vector<16xi32>
      %and3A_311 = arith.andi %bitcast_convert_type3A_302, %and3A_310 : vector<16xi32>
      %or3A_312 = arith.constant 1065353216 : i32
      %or3A_313 = vector.broadcast %or3A_312 : i32 to vector<16xi32>
      %or3A_314 = arith.ori %and3A_311, %or3A_313 : vector<16xi32>
      %bitcast_convert_type3A_315 = tpu.bitcast %or3A_314 : vector<16xi32> -> vector<16xf32>
      %gt3A_316 = arith.constant 1.41421354 : f32
      %gt3A_317 = vector.broadcast %gt3A_316 : f32 to vector<16xf32>
      %gt3A_318 = arith.cmpf ogt, %bitcast_convert_type3A_315, %gt3A_317 : vector<16xf32>
      %mul3A_319 = arith.constant 5.000000e-01 : f32
      %mul3A_320 = vector.broadcast %mul3A_319 : f32 to vector<16xf32>
      %mul3A_321 = arith.mulf %mul3A_320, %bitcast_convert_type3A_315 : vector<16xf32>
      %select_n3A_322 = arith.select %gt3A_318, %mul3A_321, %bitcast_convert_type3A_315 : vector<16xi1>, vector<16xf32>
      %jit3A_323 = arith.constant 1 : i32
      %jit3A_324 = arith.constant 0 : i32
      %broadcast_in_dim3A_325 = vector.broadcast %jit3A_323 : i32 to vector<16xi32>
      %broadcast_in_dim3A_326 = vector.broadcast %jit3A_324 : i32 to vector<16xi32>
      %select_n3A_327 = arith.select %gt3A_318, %broadcast_in_dim3A_325, %broadcast_in_dim3A_326 : vector<16xi1>, vector<16xi32>
      %add3A_328 = arith.addi %sub3A_308, %select_n3A_327 : vector<16xi32>
      %convert_element_type3A_329 = arith.sitofp %add3A_328 : vector<16xi32> to vector<16xf32>
      %sub3A_330 = arith.constant 1.000000e+00 : f32
      %sub3A_331 = vector.broadcast %sub3A_330 : f32 to vector<16xf32>
      %sub3A_332 = arith.subf %select_n3A_322, %sub3A_331 : vector<16xf32>
      %broadcast_in_dim3A_333 = arith.constant 0.0703768358 : f32
      %broadcast_in_dim3A_334 = vector.broadcast %broadcast_in_dim3A_333 : f32 to vector<16xf32>
      %mul3A_335 = arith.mulf %broadcast_in_dim3A_334, %sub3A_332 : vector<16xf32>
      %add3A_336 = arith.constant -0.115146101 : f32
      %add3A_337 = vector.broadcast %add3A_336 : f32 to vector<16xf32>
      %add3A_338 = arith.addf %mul3A_335, %add3A_337 : vector<16xf32>
      %mul3A_339 = arith.mulf %add3A_338, %sub3A_332 : vector<16xf32>
      %add3A_340 = arith.constant 0.116769984 : f32
      %add3A_341 = vector.broadcast %add3A_340 : f32 to vector<16xf32>
      %add3A_342 = arith.addf %mul3A_339, %add3A_341 : vector<16xf32>
      %mul3A_343 = arith.mulf %add3A_342, %sub3A_332 : vector<16xf32>
      %add3A_344 = arith.constant -0.12420141 : f32
      %add3A_345 = vector.broadcast %add3A_344 : f32 to vector<16xf32>
      %add3A_346 = arith.addf %mul3A_343, %add3A_345 : vector<16xf32>
      %mul3A_347 = arith.mulf %add3A_346, %sub3A_332 : vector<16xf32>
      %add3A_348 = arith.constant 0.142493233 : f32
      %add3A_349 = vector.broadcast %add3A_348 : f32 to vector<16xf32>
      %add3A_350 = arith.addf %mul3A_347, %add3A_349 : vector<16xf32>
      %mul3A_351 = arith.mulf %add3A_350, %sub3A_332 : vector<16xf32>
      %add3A_352 = arith.constant -0.166680574 : f32
      %add3A_353 = vector.broadcast %add3A_352 : f32 to vector<16xf32>
      %add3A_354 = arith.addf %mul3A_351, %add3A_353 : vector<16xf32>
      %mul3A_355 = arith.mulf %add3A_354, %sub3A_332 : vector<16xf32>
      %add3A_356 = arith.constant 0.200007141 : f32
      %add3A_357 = vector.broadcast %add3A_356 : f32 to vector<16xf32>
      %add3A_358 = arith.addf %mul3A_355, %add3A_357 : vector<16xf32>
      %mul3A_359 = arith.mulf %add3A_358, %sub3A_332 : vector<16xf32>
      %add3A_360 = arith.constant -0.24999994 : f32
      %add3A_361 = vector.broadcast %add3A_360 : f32 to vector<16xf32>
      %add3A_362 = arith.addf %mul3A_359, %add3A_361 : vector<16xf32>
      %mul3A_363 = arith.mulf %add3A_362, %sub3A_332 : vector<16xf32>
      %add3A_364 = arith.constant 0.333333313 : f32
      %add3A_365 = vector.broadcast %add3A_364 : f32 to vector<16xf32>
      %add3A_366 = arith.addf %mul3A_363, %add3A_365 : vector<16xf32>
      %mul3A_367 = arith.mulf %sub3A_332, %sub3A_332 : vector<16xf32>
      %mul3A_368 = arith.mulf %sub3A_332, %mul3A_367 : vector<16xf32>
      %mul3A_369 = arith.mulf %mul3A_368, %add3A_366 : vector<16xf32>
      %mul3A_370 = arith.constant -2.12194442E-4 : f32
      %mul3A_371 = vector.broadcast %mul3A_370 : f32 to vector<16xf32>
      %mul3A_372 = arith.mulf %convert_element_type3A_329, %mul3A_371 : vector<16xf32>
      %add3A_373 = arith.addf %mul3A_369, %mul3A_372 : vector<16xf32>
      %mul3A_374 = arith.constant 5.000000e-01 : f32
      %mul3A_375 = vector.broadcast %mul3A_374 : f32 to vector<16xf32>
      %mul3A_376 = arith.mulf %mul3A_375, %mul3A_367 : vector<16xf32>
      %sub3A_377 = arith.subf %add3A_373, %mul3A_376 : vector<16xf32>
      %add3A_378 = arith.addf %sub3A_332, %sub3A_377 : vector<16xf32>
      %mul3A_379 = arith.constant 0.693359375 : f32
      %mul3A_380 = vector.broadcast %mul3A_379 : f32 to vector<16xf32>
      %mul3A_381 = arith.mulf %convert_element_type3A_329, %mul3A_380 : vector<16xf32>
      %add3A_382 = arith.addf %add3A_378, %mul3A_381 : vector<16xf32>
      %mul3A_383 = arith.mulf %get3A_156, %add3A_382 : vector<16xf32>
      %sub3A_384 = arith.constant 1.000000e+00 : f32
      %sub3A_385 = vector.broadcast %sub3A_384 : f32 to vector<16xf32>
      %sub3A_386 = arith.subf %sub3A_385, %get3A_156 : vector<16xf32>
      %sub3A_387 = arith.constant 1.000000e+00 : f32
      %sub3A_388 = vector.broadcast %sub3A_387 : f32 to vector<16xf32>
      %sub3A_389 = arith.subf %sub3A_388, %min3A_301 : vector<16xf32>
      %bitcast_convert_type3A_390 = tpu.bitcast %sub3A_389 : vector<16xf32> -> vector<16xi32>
      %shift_right_arithmetic3A_391 = arith.constant 23 : i32
      %shift_right_arithmetic3A_392 = vector.broadcast %shift_right_arithmetic3A_391 : i32 to vector<16xi32>
      %shift_right_arithmetic3A_393 = arith.shrsi %bitcast_convert_type3A_390, %shift_right_arithmetic3A_392 : vector<16xi32>
      %sub3A_394 = arith.constant 127 : i32
      %sub3A_395 = vector.broadcast %sub3A_394 : i32 to vector<16xi32>
      %sub3A_396 = arith.subi %shift_right_arithmetic3A_393, %sub3A_395 : vector<16xi32>
      %and3A_397 = arith.constant 8388607 : i32
      %and3A_398 = vector.broadcast %and3A_397 : i32 to vector<16xi32>
      %and3A_399 = arith.andi %bitcast_convert_type3A_390, %and3A_398 : vector<16xi32>
      %or3A_400 = arith.constant 1065353216 : i32
      %or3A_401 = vector.broadcast %or3A_400 : i32 to vector<16xi32>
      %or3A_402 = arith.ori %and3A_399, %or3A_401 : vector<16xi32>
      %bitcast_convert_type3A_403 = tpu.bitcast %or3A_402 : vector<16xi32> -> vector<16xf32>
      %gt3A_404 = arith.constant 1.41421354 : f32
      %gt3A_405 = vector.broadcast %gt3A_404 : f32 to vector<16xf32>
      %gt3A_406 = arith.cmpf ogt, %bitcast_convert_type3A_403, %gt3A_405 : vector<16xf32>
      %mul3A_407 = arith.constant 5.000000e-01 : f32
      %mul3A_408 = vector.broadcast %mul3A_407 : f32 to vector<16xf32>
      %mul3A_409 = arith.mulf %mul3A_408, %bitcast_convert_type3A_403 : vector<16xf32>
      %select_n3A_410 = arith.select %gt3A_406, %mul3A_409, %bitcast_convert_type3A_403 : vector<16xi1>, vector<16xf32>
      %jit3A_411 = arith.constant 1 : i32
      %jit3A_412 = arith.constant 0 : i32
      %broadcast_in_dim3A_413 = vector.broadcast %jit3A_411 : i32 to vector<16xi32>
      %broadcast_in_dim3A_414 = vector.broadcast %jit3A_412 : i32 to vector<16xi32>
      %select_n3A_415 = arith.select %gt3A_406, %broadcast_in_dim3A_413, %broadcast_in_dim3A_414 : vector<16xi1>, vector<16xi32>
      %add3A_416 = arith.addi %sub3A_396, %select_n3A_415 : vector<16xi32>
      %convert_element_type3A_417 = arith.sitofp %add3A_416 : vector<16xi32> to vector<16xf32>
      %sub3A_418 = arith.constant 1.000000e+00 : f32
      %sub3A_419 = vector.broadcast %sub3A_418 : f32 to vector<16xf32>
      %sub3A_420 = arith.subf %select_n3A_410, %sub3A_419 : vector<16xf32>
      %broadcast_in_dim3A_421 = arith.constant 0.0703768358 : f32
      %broadcast_in_dim3A_422 = vector.broadcast %broadcast_in_dim3A_421 : f32 to vector<16xf32>
      %mul3A_423 = arith.mulf %broadcast_in_dim3A_422, %sub3A_420 : vector<16xf32>
      %add3A_424 = arith.constant -0.115146101 : f32
      %add3A_425 = vector.broadcast %add3A_424 : f32 to vector<16xf32>
      %add3A_426 = arith.addf %mul3A_423, %add3A_425 : vector<16xf32>
      %mul3A_427 = arith.mulf %add3A_426, %sub3A_420 : vector<16xf32>
      %add3A_428 = arith.constant 0.116769984 : f32
      %add3A_429 = vector.broadcast %add3A_428 : f32 to vector<16xf32>
      %add3A_430 = arith.addf %mul3A_427, %add3A_429 : vector<16xf32>
      %mul3A_431 = arith.mulf %add3A_430, %sub3A_420 : vector<16xf32>
      %add3A_432 = arith.constant -0.12420141 : f32
      %add3A_433 = vector.broadcast %add3A_432 : f32 to vector<16xf32>
      %add3A_434 = arith.addf %mul3A_431, %add3A_433 : vector<16xf32>
      %mul3A_435 = arith.mulf %add3A_434, %sub3A_420 : vector<16xf32>
      %add3A_436 = arith.constant 0.142493233 : f32
      %add3A_437 = vector.broadcast %add3A_436 : f32 to vector<16xf32>
      %add3A_438 = arith.addf %mul3A_435, %add3A_437 : vector<16xf32>
      %mul3A_439 = arith.mulf %add3A_438, %sub3A_420 : vector<16xf32>
      %add3A_440 = arith.constant -0.166680574 : f32
      %add3A_441 = vector.broadcast %add3A_440 : f32 to vector<16xf32>
      %add3A_442 = arith.addf %mul3A_439, %add3A_441 : vector<16xf32>
      %mul3A_443 = arith.mulf %add3A_442, %sub3A_420 : vector<16xf32>
      %add3A_444 = arith.constant 0.200007141 : f32
      %add3A_445 = vector.broadcast %add3A_444 : f32 to vector<16xf32>
      %add3A_446 = arith.addf %mul3A_443, %add3A_445 : vector<16xf32>
      %mul3A_447 = arith.mulf %add3A_446, %sub3A_420 : vector<16xf32>
      %add3A_448 = arith.constant -0.24999994 : f32
      %add3A_449 = vector.broadcast %add3A_448 : f32 to vector<16xf32>
      %add3A_450 = arith.addf %mul3A_447, %add3A_449 : vector<16xf32>
      %mul3A_451 = arith.mulf %add3A_450, %sub3A_420 : vector<16xf32>
      %add3A_452 = arith.constant 0.333333313 : f32
      %add3A_453 = vector.broadcast %add3A_452 : f32 to vector<16xf32>
      %add3A_454 = arith.addf %mul3A_451, %add3A_453 : vector<16xf32>
      %mul3A_455 = arith.mulf %sub3A_420, %sub3A_420 : vector<16xf32>
      %mul3A_456 = arith.mulf %sub3A_420, %mul3A_455 : vector<16xf32>
      %mul3A_457 = arith.mulf %mul3A_456, %add3A_454 : vector<16xf32>
      %mul3A_458 = arith.constant -2.12194442E-4 : f32
      %mul3A_459 = vector.broadcast %mul3A_458 : f32 to vector<16xf32>
      %mul3A_460 = arith.mulf %convert_element_type3A_417, %mul3A_459 : vector<16xf32>
      %add3A_461 = arith.addf %mul3A_457, %mul3A_460 : vector<16xf32>
      %mul3A_462 = arith.constant 5.000000e-01 : f32
      %mul3A_463 = vector.broadcast %mul3A_462 : f32 to vector<16xf32>
      %mul3A_464 = arith.mulf %mul3A_463, %mul3A_455 : vector<16xf32>
      %sub3A_465 = arith.subf %add3A_461, %mul3A_464 : vector<16xf32>
      %add3A_466 = arith.addf %sub3A_420, %sub3A_465 : vector<16xf32>
      %mul3A_467 = arith.constant 0.693359375 : f32
      %mul3A_468 = vector.broadcast %mul3A_467 : f32 to vector<16xf32>
      %mul3A_469 = arith.mulf %convert_element_type3A_417, %mul3A_468 : vector<16xf32>
      %add3A_470 = arith.addf %add3A_466, %mul3A_469 : vector<16xf32>
      %mul3A_471 = arith.mulf %sub3A_386, %add3A_470 : vector<16xf32>
      %add3A_472 = arith.addf %mul3A_383, %mul3A_471 : vector<16xf32>
      %add3A_473 = arith.addf %scan3A_140, %add3A_472 : vector<16xf32>
      scf.yield %add3A_473 : vector<16xf32>
    }
    %scan3A_136 = arith.constant 32 : i32
    %swap3A_137 = arith.constant 0 : index
    %swap3A_138 = tpu.vector_load %arg18[%swap3A_137] {strides = array<i32>} : memref<16xf32, #tpu.memory_space<vmem>>, vector<16xf32>,
    tpu.vector_store %arg18[%swap3A_137], %scan3A_135 {strides = array<i32>} : memref<16xf32, #tpu.memory_space<vmem>>, vector<16xf32>,
    "tpu.region"() ({
      %run_scoped3A = tpu.sem_alloc : memref<!tpu.dma_semaphore, #tpu.memory_space<semaphore_mem>>
      %dma_start3A_139 = arith.constant 0 : i32
      %dma_start3A_140 = tpu.memref_slice %arg9[%add3A, %dma_start3A_139] : memref<32x16xf32, #tpu.memory_space<hbm>> -> memref<1x16xf32, #tpu.memory_space<hbm>>
      %dma_start3A_141 = tpu.memref_squeeze %dma_start3A_140 : memref<1x16xf32, #tpu.memory_space<hbm>> -> memref<16xf32, #tpu.memory_space<hbm>>
      %dma_start3A_142 = arith.constant 0 : i32
      %dma_start3A_143 = tpu.memref_slice %arg9[%add3A, %dma_start3A_142] : memref<32x16xf32, #tpu.memory_space<hbm>> -> memref<1x16xf32, #tpu.memory_space<hbm>>
      %dma_start3A_144 = tpu.memref_squeeze %dma_start3A_143 : memref<1x16xf32, #tpu.memory_space<hbm>> -> memref<16xf32, #tpu.memory_space<hbm>>
      tpu.enqueue_dma source(%arg18 : memref<16xf32, #tpu.memory_space<vmem>>) target(%dma_start3A_144 : memref<16xf32, #tpu.memory_space<hbm>>) target_semaphore(%run_scoped3A : memref<!tpu.dma_semaphore, #tpu.memory_space<semaphore_mem>>)
      %dma_wait3A_145 = arith.constant 0 : i32
      %dma_wait3A_146 = tpu.memref_slice %arg9[%add3A, %dma_wait3A_145] : memref<32x16xf32, #tpu.memory_space<hbm>> -> memref<1x16xf32, #tpu.memory_space<hbm>>
      %dma_wait3A_147 = tpu.memref_squeeze %dma_wait3A_146 : memref<1x16xf32, #tpu.memory_space<hbm>> -> memref<16xf32, #tpu.memory_space<hbm>>
      %dma_wait3A_148 = arith.constant 0 : i32
      %dma_wait3A_149 = tpu.memref_slice %arg9[%add3A, %dma_wait3A_148] : memref<32x16xf32, #tpu.memory_space<hbm>> -> memref<1x16xf32, #tpu.memory_space<hbm>>
      %dma_wait3A_150 = tpu.memref_squeeze %dma_wait3A_149 : memref<1x16xf32, #tpu.memory_space<hbm>> -> memref<16xf32, #tpu.memory_space<hbm>>
      tpu.wait_dma2 semaphore(%run_scoped3A : memref<!tpu.dma_semaphore, #tpu.memory_space<semaphore_mem>>) src(%arg18 : memref<16xf32, #tpu.memory_space<vmem>>) dst(%dma_wait3A_150 : memref<16xf32, #tpu.memory_space<hbm>>)
      tpu.yield
    }) : () -> ()
    return
  }
}

module attributes {stable_mosaic.version = 14 : i64} {
  func.func @_tc_reduce(%arg0: memref<32x16xf32, #tpu.memory_space<vmem>>, %arg1: memref<1x1xf32, #tpu.memory_space<vmem>>) attributes {dimension_semantics = [], scalar_prefetch = 0 : i64, scratch_operands = 0 : i64, tpu.core_type = #tpu.core_type<tc>} {
    %get3A = arith.constant 0 : index
    %get3A_0 = arith.constant 0 : index
    %get3A_1 = vector.load %arg0[%get3A, %get3A_0] : memref<32x16xf32, #tpu.memory_space<vmem>>, vector<32x16xf32>
    %reduce_sum3A = vector.shape_cast %get3A_1 : vector<32x16xf32> to vector<1x32x16xf32>
    %reduce_sum3A_2 = arith.constant dense<0.000000e+00> : vector<1xf32>
    %reduce_sum3A_3 = vector.multi_reduction <add>, %reduce_sum3A, %reduce_sum3A_2 [1, 2] : vector<1x32x16xf32> to vector<1xf32>
    %reduce_sum3A_4 = vector.shape_cast %reduce_sum3A_3 : vector<1xf32> to vector<1x1x1xf32>
    %reduce_sum3A_5 = vector.extract %reduce_sum3A_4[0, 0, 0] : f32 from vector<1x1x1xf32>
    %neg3A = arith.constant 0.000000e+00 : f32
    %neg3A_6 = arith.subf %neg3A, %reduce_sum3A_5 : f32
    %mul3A = arith.constant 6.10351563E-5 : f32
    %mul3A_7 = arith.mulf %neg3A_6, %mul3A : f32
    %broadcast_in_dim3A = vector.broadcast %mul3A_7 : f32 to vector<1x1xf32>
    %swap3A = arith.constant 0 : index
    %swap3A_8 = arith.constant 0 : index
    %swap3A_9 = vector.load %arg1[%swap3A, %swap3A_8] : memref<1x1xf32, #tpu.memory_space<vmem>>, vector<1x1xf32>
    tpu.vector_store %arg1[%swap3A, %swap3A_8], %broadcast_in_dim3A {strides = array<i32>} : memref<1x1xf32, #tpu.memory_space<vmem>>, vector<1x1xf32>,
    return
  }
}

</mosaic_0001>

<sc_bundles>
// kernel: kernel.4.cloned.1.call-start
scs
__scs_entry_jumppad:
0x0: {  	(pc) =	sbr.rel $0x88, $3  }
0x1: {  	(tag) =	ssettag $0x0;
	lr =	simm.s32 $0x1  }
0x2: {  	[smem:$0x3F9B] =	sst lr;
	_ =	strace $0xD0000000  }
0x3: {  	_ = 	snop  }
0x4: {  	_ = 	snop  }
0x5: {  	_ = 	snop  }
0x6: {  	_ = 	snop  }
0x7: {  	_ = 	snop  }
__scs_overlays_trampoline_lowered:
0x8: {  	[smem:$0x3FAA] =	sst s0  }
0x9: {  	[smem:$0x3FAB] =	sst s1  }
0xa: {  	[smem:$0x3FAC] =	sst s2  }
0xb: {  	[smem:$0x3FAD] =	sst s3  }
0xc: {  	[smem:$0x3FAE] =	sst s4  }
0xd: {  	[smem:$0x3FAF] =	sst s5  }
0xe: {  	[smem:$0x3FB0] =	sst s6  }
0xf: {  	[smem:$0x3FB1] =	sst s7  }
0x10: {  	[smem:$0x3FB2] =	sst s8  }
0x11: {  	[smem:$0x3FB3] =	sst s9;
	s0 =	simm.s32 @!p0 $0x0  }
0x12: {  	s1 =	sld [smem:$0x3F99];
	s0 =	simm.s32 @p0 $0x1  }
0x13: {  	[smem:$0x3FB4] =	sst s0;
	s0 =	simm.s32 @!p1 $0x0  }
0x14: {  	s2 =	sld [smem:$0x3F98];
	s0 =	simm.s32 @p1 $0x1  }
0x15: {  	[smem:$0x3FB5] =	sst s0;
	s0 =	simm.s32 @!p2 $0x0  }
0x16: {  	s3 =	sld [smem:$0x3FDB];
	s0 =	simm.s32 @p2 $0x1  }
0x17: {  	s4 =	simm.s32 $0x1BF5;
	[smem:$0x3FB7] =	sst s0  }
0x18: {  	s0 =	sld [smem:$0x3F9A];
	_ =	swait.ge [sflag:s4], $0x0  }
0x19: {  	s7 =	sld [smem:$0x3F9B]  }
0x1a: {  	s8 =	sadd.s32 $0xFFFFE003, lr  }
0x1b: {  	s9 =	sadd.s32 $0xFFFFFEF7, lr;
	s5 =	simm.s32 $0xFFFFFFFF;
	p2 =	slt.u32 s8, $0xFFFFF086  }
0x1c: {  	p1 =	slt.u32 s9, $0xF7A;
	s5 =	simm.s32 @!p2 $0x0  }
0x1d: {  	s5 =	simm.s32 @p1 $0x1;
	p0 =	seq.s32 s7, s2  }
0x1e: {  	s7 =	smul.u32 @!p0 $0xF7A, s2;
	p2 =	seq.s32 @!p0 s5, $0x0  }
0x1f: {  	s9 =	smul.u32 $0xF7A, s1;
	s8 =	simm.s32 @!p0 $0x1BF5;
	p2 =	por !p2, p0  }
0x20: {  	[sflag:s8] =	ssyncset.s32 @!p0 $0xFFFFF086;
	s6 =	sadd.s32 @!p0 s3, s7;
	s7 =	simm.s32 @!p0 $0x108  }
0x21: {  	s3 =	sadd.s32 s3, s9;
	s6 =	sadd.s32 @!p0 $0x88, s6;
	s7 =	simm.s32 @p2 $0x1082  }
0x22: {  	[simem:s7], [sflag:s8] =	dma.local @!p0 [hbm:s6], $0xF7A  }
0x23: {  	s9 =	sor.u32 $0xD0000000, s2;
	s6 =	simm.s32 $0x108;
	_ =	swait.ge @!p0 [sflag:s8], $0x0  }
0x24: {  	s3 =	sadd.s32 $0x88, s3;
	s6 =	simm.s32 @!p1 $0x1082;
	[sflag:s4] =	ssyncset.s32 $0xFFFFF086  }
0x25: {  	[simem:s6], [sflag:s4] =	dma.local [hbm:s3], $0xF7A  }
0x26: {  	[smem:$0x3F9B] =	sst s1;
	(tag) =	ssettag s2;
	_ =	strace s9  }
0x27: {  	s1 =	sld [smem:$0x3FAB]  }
0x28: {  	s2 =	sld [smem:$0x3FAC]  }
0x29: {  	s4 =	sld [smem:$0x3FAE]  }
0x2a: {  	p0 =	seq.s32 s5, $0x0;
	s5 =	sld [smem:$0x3FAF]  }
0x2b: {  	s6 =	sld [smem:$0x3FB0]  }
0x2c: {  	s7 =	sld [smem:$0x3FB1]  }
0x2d: {  	s3 =	simm.s32 $0x108;
	s8 =	sld [smem:$0x3FB2]  }
0x2e: {  	s3 =	simm.s32 @!p0 $0x1082;
	s9 =	sld [smem:$0x3FB3]  }
0x2f: {  	lr =	sadd.s32 s0, s3;
	s0 =	sld [smem:$0x3FAA]  }
0x30: {  	s3 =	sld [smem:$0x3FAD]  }
0x31: {  	[smem:$0x3FB6] =	sst s10  }
0x32: {  	s10 =	sld [smem:$0x3FB4];
	_ =	sdelay $0x3  }
0x33: {  	p0 =	seq.s32 s10, $0x1;
	s10 =	sld [smem:$0x3FB6];
	_ =	sdelay $0x3  }
0x34: {  	[smem:$0x3FB6] =	sst s10  }
0x35: {  	s10 =	sld [smem:$0x3FB5];
	_ =	sdelay $0x3  }
0x36: {  	p1 =	seq.s32 s10, $0x1;
	s10 =	sld [smem:$0x3FB6];
	_ =	sdelay $0x3  }
0x37: {  	[smem:$0x3FB6] =	sst s10  }
0x38: {  	s10 =	sld [smem:$0x3FB7]  }
0x39: {  	_ = 	snop;
	(pc) =	sbr.ind lr, $3  }
0x3a: {  	_ = 	snop  }
0x3b: {  	_ = 	snop  }
0x3c: {  	p2 =	seq.s32 s10, $0x1;
	s10 =	sld [smem:$0x3FB6]  }
0x3d: {  	_ =	shalt  }
0x3e: {  	_ =	shalt  }
0x3f: {  	_ =	shalt  }
0x40: {  	_ =	shalt  }
0x41: {  	_ =	shalt  }
0x42: {  	_ =	shalt  }
0x43: {  	_ =	shalt  }
0x44: {  	_ =	shalt  }
0x45: {  	_ =	shalt  }
0x46: {  	_ =	shalt  }
0x47: {  	_ =	shalt  }
0x48: {  	_ =	shalt  }
0x49: {  	_ =	shalt  }
0x4a: {  	_ =	shalt  }
0x4b: {  	_ =	shalt  }
0x4c: {  	_ =	shalt  }
0x4d: {  	_ =	shalt  }
0x4e: {  	_ =	shalt  }
0x4f: {  	_ =	shalt  }
0x50: {  	_ =	shalt  }
0x51: {  	_ =	shalt  }
0x52: {  	_ =	shalt  }
0x53: {  	_ =	shalt  }
0x54: {  	_ =	shalt  }
0x55: {  	_ =	shalt  }
0x56: {  	_ =	shalt  }
0x57: {  	_ =	shalt  }
0x58: {  	_ =	shalt  }
0x59: {  	_ =	shalt  }
0x5a: {  	_ =	shalt  }
0x5b: {  	_ =	shalt  }
0x5c: {  	_ =	shalt  }
0x5d: {  	_ =	shalt  }
0x5e: {  	_ =	shalt  }
0x5f: {  	_ =	shalt  }
0x60: {  	_ =	shalt  }
0x61: {  	_ =	shalt  }
0x62: {  	_ =	shalt  }
0x63: {  	_ =	shalt  }
0x64: {  	_ =	shalt  }
0x65: {  	_ =	shalt  }
0x66: {  	_ =	shalt  }
0x67: {  	_ =	shalt  }
0x68: {  	_ =	shalt  }
0x69: {  	_ =	shalt  }
0x6a: {  	_ =	shalt  }
0x6b: {  	_ =	shalt  }
0x6c: {  	_ =	shalt  }
0x6d: {  	_ =	shalt  }
0x6e: {  	_ =	shalt  }
0x6f: {  	_ =	shalt  }
0x70: {  	_ =	shalt  }
0x71: {  	_ =	shalt  }
0x72: {  	_ =	shalt  }
0x73: {  	_ =	shalt  }
0x74: {  	_ =	shalt  }
0x75: {  	_ =	shalt  }
0x76: {  	_ =	shalt  }
0x77: {  	_ =	shalt  }
0x78: {  	_ =	shalt  }
0x79: {  	_ =	shalt  }
0x7a: {  	_ =	shalt  }
0x7b: {  	_ =	shalt  }
0x7c: {  	_ =	shalt  }
0x7d: {  	_ =	shalt  }
0x7e: {  	_ =	shalt  }
0x7f: {  	_ =	shalt  }
0x80: {  	_ =	shalt  }
0x81: {  	_ =	shalt  }
0x82: {  	_ =	shalt  }
0x83: {  	_ =	shalt  }
0x84: {  	_ =	shalt  }
0x85: {  	_ =	shalt  }
0x86: {  	_ =	shalt  }
0x87: {  	_ =	shalt  }
.Lfunc_end0:
.L_simem_size_0:
called_computation_lowered:
.L_overlay_start_0:
0x88: {  	s2 =	sld [smem:$0x3FD9]  }
0x89: {  	s3 =	sld [smem:$0x3FFE];
	_ =	sdelay $0x1  }
0x8a: {  	s1 =	srdreg.scid  }
0x8b: {  	s0 =	sand.u32 $0x1, s1  }
0x8c: {  	s17 =	sshll.u32 s0, $0xA;
	s2 =	sadd.s32 s3, s2  }
0x8d: {  	s2 =	sadd.s32 s2, s17  }
0x8e: {  	[smem:$0x3FC2] =	sst s2  }
0x8f: {  	_ = 	snop  }
0x90: {  	s2 =	sld [smem:$0x3FC9]  }
0x91: {  	s18 =	sld [smem:$0x3FC8]  }
0x92: {  	s4 =	sld [smem:$0x3FC7]  }
0x93: {  	s5 =	sld [smem:$0x3FC5]  }
0x94: {  	s6 =	sld [smem:$0x3FC4];
	(tm) =	ssettm $0x1  }
0x95: {  	s7 =	sld [smem:$0x3FFB];
	_ =	sdelay $0x3  }
0x96: {  	_ =	strace s7  }
0x97: {  	s7 =	sld [smem:$0x3FFC];
	_ =	sdelay $0x3  }
0x98: {  	_ =	strace s7  }
0x99: {  	s7 =	sld [smem:$0x3FFD];
	_ =	sdelay $0x3  }
0x9a: {  	_ =	strace s7  }
0x9b: {  	_ =	strace $0x8FFFFFFF  }
0x9c: {  	s19 =	sld [smem:$0x3FDB];
	_ =	sdelay $0x1  }
0x9d: {  	s8 =	simm.s32 $_scs_section_size  }
0x9e: {  	s9 =	simm.s32 $_size__tile_overlayer_lowered;
	s10 =	simm.s32 $_tile_overlayer_lowered  }
0x9f: {  	s22 =	simm.s32 $0x1BFF;
	s21 =	sshll.u32 s10, $0x1;
	s7 =	sadd.s32 s8, s19  }
0xa0: {  	s11 =	simm.s32 $0x0;
	s20 =	sshll.u32 s9, $0x1;
	s9 =	sadd.s32 s21, s7  }
0xa1: {  	[timem:s11], [sflag:s22] =	dma.local [hbm:s9], s20  }
0xa2: {  	_ =	swait.ge [sflag:s22], s20  }
0xa3: {  	s8 =	ssub.s32 $0x0, s20;
	[sflag:s22] =	ssyncset.done $0x0  }
0xa4: {  	[sflag:s22] =	ssyncadd.s32 s8;
	_ =	sdelay $0x1  }
0xa5: {  	s23 =	simm.s32 $0x1B8B  }
0xa6: {  	_ =	swait.ge [sflag:s23], $0x1  }
0xa7: {  	[sflag:s23] =	ssyncset.done $0x0  }
0xa8: {  	s25 =	simm.s32 $0x1B8E;
	s24 =	sld [smem:$0x3FFE];
	[sflag:s23] =	ssyncadd.s32 $0xFFFFFFFF  }
0xa9: {  	s26 =	simm.s32 $execute0_lowered;
	[smem:$0x3FD2] =	sst s25  }
0xaa: {  	s9 =	sshll.u32 s26, $0x1;
	_ =	strace $0x80000046;
	[dreg:$0x1] =	wrdreg $0xFFFFFFFF  }
0xab: {  	s28 =	simm.s32 $_size_execute0_lowered;
	s7 =	sadd.s32 s7, s9;
	[dreg:$0x0] =	wrdreg $0x0  }
0xac: {  	s9 =	sshll.u32 s28, $0x1;
	[dreg:$0x2] =	wrdreg s7  }
0xad: {  	[dreg:$0x3] =	wrdreg s9  }
0xae: {  	[dreg:$0x4] =	wrdreg $0xC0  }
0xaf: {  	_ =	task [dreg:s11], $0x5FFFF  }
0xb0: {  	[dreg:$0x1] =	wrdreg $0xFFFFFFFF  }
0xb1: {  	[dreg:$0x0] =	wrdreg $0x60  }
0xb2: {  	[dreg:$0x2] =	wrdreg s2  }
0xb3: {  	[dreg:$0x3] =	wrdreg s18  }
0xb4: {  	[dreg:$0x4] =	wrdreg s4  }
0xb5: {  	[dreg:$0x5] =	wrdreg s6  }
0xb6: {  	[dreg:$0x6] =	wrdreg s24  }
0xb7: {  	[dreg:$0x7] =	wrdreg s5  }
0xb8: {  	[dreg:$0x8] =	wrdreg $0x9  }
0xb9: {  	_ =	task.clear_ibuf [dreg:s11], $0x9FFFF;
	_ =	strace $0x90000046  }
0xba: {  	s29 =	simm.s32 $0x9;
	_ =	strace $0x80000048  }
0xbb: {  	_ =	swait.ge [sflag:s29], $0x1  }
0xbc: {  	[sflag:s29] =	ssyncadd.s32 $0xFFFFFFFF  }
0xbd: {  	_ =	strace $0x90000048  }
0xbe: {  	_ =	sfence  }
0xbf: {  	s30 =	sld [smem:$0x0];
	_ =	sdelay $0x2  }
0xc0: {  	s31 =	sshll.u32 s1, $0xD;
	s1 =	sshrl.u32 s1, $0x2  }
0xc1: {  	s3 =	sand.u32 $0x4000, s31;
	s1 =	sadd.s32 s1, s30  }
0xc2: {  	s0 =	sor.u32 s3, s0;
	s1 =	sshll.u32 s1, $0x11  }
0xc3: {  	s0 =	sor.u32 s1, s0  }
0xc4: {  	s0 =	sadd.s32 $0x8F2B, s0  }
0xc5: {  	[sflag:s0] =	ssyncadd.remote.s32 $0x1  }
0xc6: {  	_ =	sfence.sel $0xFFFF  }
0xc7: {  	[dreg:$0x0] =	wrdreg $0xFFFFFFFF;
	(pc) =	sbr.abs _section_cstart, $3  }
0xc8: {  	[dreg:$0x1] =	wrdreg $0xFFFFFFFF  }
0xc9: {  	_ =	task.clear_ibuf [dreg:s11], $0x2FFFF;
	_ =	strace $0x9FFFFFFF  }
0xca: {  	(tm) =	ssettm $0x7FFFFFFF  }
0xcb: {  	_ =	shalt  }
tec
execute0_lowered:
.L_overlay_start_1:
0x0: {  	(tag) =	ssettag $0x1  }
0x1: {  	s0 =	rddreg [dreg:$0x0]  }
0x2: {  	s1 =	rddreg [dreg:$0x1]  }
0x3: {  	s2 =	rddreg [dreg:$0x2]  }
0x4: {  	s6 =	rddreg [dreg:$0x4]  }
0x5: {  	s3 =	rddreg [dreg:$0x5];
	s4 =	simm.s32 $0x0  }
0x6: {  	s5 =	srdreg.scid;
	s8 =	stileid.u32;
	s11 =	simm.s32 $0x400  }
0x7: {  	s13 =	simm.s32 $0x1;
	s7 =	sand.u32 $0x1, s5;
	s23 =	sshll.u32 s8, $0x1  }
0x8: {  	s14 =	simm.s32 $0x80;
	[smem:$0x7FF] =	sst s4;
	s8 =	sor.u32 s7, s23  }
0x9: {  	s5 =	sadd.s32 $0x600, s6;
	s9 =	sshll.u32 s8, $0x4;
	s8 =	sshll.u32 s8, $0x6  }
0xa: {  	_ =	strace $0x80000047;
	s7 =	ssub.s32 $0x2, s7;
	s0 =	sadd.s32 s0, s8  }
0xb: {  	s24 =	sshrl.u32 s7, $0x1;
	s25 =	sadd.s32 s1, s8;
	[dreg:$0x7] =	wrdreg s0  }
0xc: {  	s6 =	sadd.s32 s9, s6;
	s26 =	sadd.s32 s2, s8;
	[dreg:$0x8] =	wrdreg s25  }
0xd: {  	s7 =	ssub.s32 s7, s24;
	[dreg:$0x9] =	wrdreg s26;
	s28 =	sadd.s32 $0x188000, s6  }
0xe: {  	s29 =	simm.s32 $0x2;
	s30 =	smax.u32 s7, $0x1;
	[dreg:$0xa] =	wrdreg s28  }
0xf: {  	v0 =	vimm.f32 $0.0e+00;
	v1 =	vlaneseq.u32;
	v2 =	vimm.s32 $0x0;
	s31 =	simm.s32 $0x3;
	s0 =	simm.s32 $0x0;
	[dreg:$0xb] =	wrdreg s30  }
.LBB2_1:
0x10: {  	[tilespmem:$0xA00] =	vst v0;
	s1 =	rddreg [dreg:$0x7]  }
0x11: {  	[tilespmem:s4], [sflag:$0x1] =	stream.linear.gather [hbm4b:s1+s4], $0x200, $0x38;
	[tilespmem:$0x10B00] =	vst v63  }
0x12: {  	s2 =	simm.s32 $0x200;
	s25 =	rddreg [dreg:$0x8]  }
0x13: {  	[tilespmem:s2], [sflag:$0x1] =	stream.linear.gather [hbm4b:s25+s4], $0x200, $0x38;
	[tilespmem:$0x10B00] =	vst v63  }
0x14: {  	s26 =	rddreg [dreg:$0x9]  }
0x15: {  	[tilespmem:s11], [sflag:$0x1] =	stream.linear.gather [hbm4b:s26+s4], $0x200, $0x38;
	[tilespmem:$0x10B00] =	vst v63  }
0x16: {  	s28 =	rddreg [dreg:$0x3];
	s6 =	simm.s32 $0xA00  }
0x17: {  	[tilespmem:s6], [sflag:$0x1] =	stream.linear.gather [hbm4b:s28+s4], $0x1, $0x38;
	[tilespmem:$0x10B00] =	vst v63  }
0x18: {  	_ =	swait.ge [sflag:s13], $0x200  }
0x19: {  	[sflag:s13] =	ssyncset.done $0x0  }
0x1a: {  	[sflag:s13] =	ssyncadd.s32 $0xFFFFFE00  }
0x1b: {  	_ =	swait.ge [sflag:s13], $0x200  }
0x1c: {  	[sflag:s13] =	ssyncset.done $0x0  }
0x1d: {  	[sflag:s13] =	ssyncadd.s32 $0xFFFFFE00  }
0x1e: {  	_ =	swait.ge [sflag:s13], $0x200  }
0x1f: {  	[sflag:s13] =	ssyncset.done $0x0  }
0x20: {  	[sflag:s13] =	ssyncadd.s32 $0xFFFFFE00  }
0x21: {  	_ =	swait.ge [sflag:s13], $0x1  }
0x22: {  	[sflag:s13] =	ssyncset.done $0x0  }
0x23: {  	s30 =	simm.s32 $0x600;
	[sflag:s13] =	ssyncadd.s32 $0xFFFFFFFF  }
0x24: {  	[tilespmem:s30], [sflag:$0x1] =	stream.indirect.gather [hbm4b:s3+s14], $0x1, s4, s14, $0xb8;
	[tilespmem:$0x10B00] =	vst v63  }
0x25: {  	s6 =	simm.s32 $0x800  }
0x26: {  	[tilespmem:s6], [sflag:$0x1] =	stream.indirect.gather [hbm4b:s3+s14], $0x1, s2, s14, $0xb8;
	[tilespmem:$0x10B00] =	vst v63  }
0x27: {  	s7 =	simm.s32 $0x680  }
0x28: {  	[tilespmem:s7], [sflag:$0x1] =	stream.indirect.gather [hbm4b:s3+s14], $0x1, s14, s14, $0xb8;
	[tilespmem:$0x10B00] =	vst v63  }
0x29: {  	s8 =	simm.s32 $0x280;
	s9 =	simm.s32 $0x880  }
0x2a: {  	[tilespmem:s9], [sflag:$0x1] =	stream.indirect.gather [hbm4b:s3+s14], $0x1, s8, s14, $0xb8;
	[tilespmem:$0x10B00] =	vst v63  }
0x2b: {  	s10 =	simm.s32 $0x100;
	s12 =	simm.s32 $0x700  }
0x2c: {  	[tilespmem:s12], [sflag:$0x1] =	stream.indirect.gather [hbm4b:s3+s14], $0x1, s10, s14, $0xb8;
	[tilespmem:$0x10B00] =	vst v63  }
0x2d: {  	s15 =	simm.s32 $0x300;
	s16 =	simm.s32 $0x900  }
0x2e: {  	[tilespmem:s16], [sflag:$0x1] =	stream.indirect.gather [hbm4b:s3+s14], $0x1, s15, s14, $0xb8;
	[tilespmem:$0x10B00] =	vst v63  }
0x2f: {  	s17 =	simm.s32 $0x180;
	s18 =	simm.s32 $0x780  }
0x30: {  	[tilespmem:s18], [sflag:$0x1] =	stream.indirect.gather [hbm4b:s3+s14], $0x1, s17, s14, $0xb8;
	[tilespmem:$0x10B00] =	vst v63  }
0x31: {  	s19 =	simm.s32 $0x380;
	s20 =	simm.s32 $0x980  }
0x32: {  	[tilespmem:s20], [sflag:$0x1] =	stream.indirect.gather [hbm4b:s3+s14], $0x1, s19, s14, $0xb8;
	[tilespmem:$0x10B00] =	vst v63  }
0x33: {  	v3 =	vld [tilespmem:s4+$0x0];
	_ =	sdelay $0x4  }
0x34: {  	v4 =	vshll.u32 v3, $0x4  }
0x35: {  	v3 =	vld [tilespmem:s2+$0x0];
	(v2sf) =	vpush v4, $0x0;
	_ =	sdelay $0x1  }
0x36: {  	(v2sf) =	vpush v4, $0x1;
	_ =	sdelay $0x1  }
0x37: {  	(v2sf) =	vpush v4, $0x2  }
0x38: {  	v3 =	vshll.u32 v3, $0x4  }
0x39: {  	(v2sf) =	vpush v3, $0x0;
	_ =	sdelay $0x5  }
0x3a: {  	(v2sf) =	vpush v3, $0x1;
	_ =	sdelay $0x2  }
0x3b: {  	s21 =	spop (v2sf)  }
0x3c: {  	s1 =	sand.u32 $0x1FFFFFF0, s21  }
0x3d: {  	s7 =	simm.s32 $0xA80;
	s22 =	spop (v2sf);
	s1 =	sadd.s32 s5, s1  }
0x3e: {  	[tilespmem:s7], [sflag:$0x2] =	stream.strided.gather [hbm4b:s1+s14], $0x0, s11, s14, $0x38;
	[tilespmem:$0x10B00] =	vst v63  }
0x3f: {  	s12 =	spop (v2sf)  }
0x40: {  	(v2sf) =	vpush v3, $0x2;
	[tilespmem:s7], [sflag:$0x2] =	stream.linear.gather [hbm4b:s1+s4], $0x40, $0x38;
	[tilespmem:$0x10B00] =	vst v63  }
0x41: {  	s23 =	spop (v2sf)  }
0x42: {  	s1 =	sand.u32 $0x1FFFFFF0, s23  }
0x43: {  	s24 =	simm.s32 $0x8A80;
	s1 =	sadd.s32 s5, s1  }
0x44: {  	(v2sf) =	vpush v4, $0x3;
	[tilespmem:s24], [sflag:$0x2] =	stream.strided.gather [hbm4b:s1+s14], $0x0, s11, s14, $0x38;
	[tilespmem:$0x10B00] =	vst v63  }
0x45: {  	s6 =	sand.u32 $0x1FFFFFF0, s22  }
0x46: {  	[tilespmem:s24], [sflag:$0x2] =	stream.linear.gather [hbm4b:s1+s4], $0x40, $0x38;
	[tilespmem:$0x10B00] =	vst v63  }
0x47: {  	s26 =	simm.s32 $0xAC0;
	s6 =	sadd.s32 s5, s6;
	s25 =	spop (v2sf)  }
0x48: {  	(v2sf) =	vpush v3, $0x3;
	[tilespmem:s26], [sflag:$0x2] =	stream.strided.gather [hbm4b:s6+s14], $0x0, s11, s14, $0x38;
	[tilespmem:$0x10B00] =	vst v63  }
0x49: {  	s1 =	sand.u32 $0x1FFFFFF0, s25  }
0x4a: {  	[tilespmem:s26], [sflag:$0x2] =	stream.linear.gather [hbm4b:s6+s4], $0x40, $0x38;
	[tilespmem:$0x10B00] =	vst v63  }
0x4b: {  	s28 =	simm.s32 $0x8AC0;
	s1 =	sadd.s32 s5, s1  }
0x4c: {  	(v2sf) =	vpush v4, $0x4;
	[tilespmem:s28], [sflag:$0x2] =	stream.strided.gather [hbm4b:s1+s14], $0x0, s11, s14, $0x38;
	[tilespmem:$0x10B00] =	vst v63  }
0x4d: {  	s30 =	sand.u32 $0x1FFFFFF0, s12  }
0x4e: {  	[tilespmem:s28], [sflag:$0x2] =	stream.linear.gather [hbm4b:s1+s4], $0x40, $0x38;
	[tilespmem:$0x10B00] =	vst v63  }
0x4f: {  	s9 =	simm.s32 $0xB00;
	s7 =	sadd.s32 s5, s30;
	s8 =	spop (v2sf)  }
0x50: {  	(v2sf) =	vpush v3, $0x4;
	[tilespmem:s9], [sflag:$0x2] =	stream.strided.gather [hbm4b:s7+s14], $0x0, s11, s14, $0x38;
	[tilespmem:$0x10B00] =	vst v63  }
0x51: {  	s1 =	sand.u32 $0x1FFFFFF0, s8  }
0x52: {  	[tilespmem:s9], [sflag:$0x2] =	stream.linear.gather [hbm4b:s7+s4], $0x40, $0x38;
	[tilespmem:$0x10B00] =	vst v63  }
0x53: {  	s12 =	simm.s32 $0x8B00;
	s10 =	spop (v2sf);
	s1 =	sadd.s32 s5, s1  }
0x54: {  	(v2sf) =	vpush v4, $0x5;
	[tilespmem:s12], [sflag:$0x2] =	stream.strided.gather [hbm4b:s1+s14], $0x0, s11, s14, $0x38;
	[tilespmem:$0x10B00] =	vst v63  }
0x55: {  	s6 =	sand.u32 $0x1FFFFFF0, s10  }
0x56: {  	[tilespmem:s12], [sflag:$0x2] =	stream.linear.gather [hbm4b:s1+s4], $0x40, $0x38;
	[tilespmem:$0x10B00] =	vst v63  }
0x57: {  	s16 =	simm.s32 $0xB40;
	s15 =	spop (v2sf);
	s6 =	sadd.s32 s5, s6  }
0x58: {  	(v2sf) =	vpush v3, $0x5;
	[tilespmem:s16], [sflag:$0x2] =	stream.strided.gather [hbm4b:s6+s14], $0x0, s11, s14, $0x38;
	[tilespmem:$0x10B00] =	vst v63  }
0x59: {  	s1 =	sand.u32 $0x1FFFFFF0, s15  }
0x5a: {  	[tilespmem:s16], [sflag:$0x2] =	stream.linear.gather [hbm4b:s6+s4], $0x40, $0x38;
	[tilespmem:$0x10B00] =	vst v63  }
0x5b: {  	s18 =	simm.s32 $0x8B40;
	s17 =	spop (v2sf);
	s1 =	sadd.s32 s5, s1  }
0x5c: {  	(v2sf) =	vpush v4, $0x6;
	[tilespmem:s18], [sflag:$0x2] =	stream.strided.gather [hbm4b:s1+s14], $0x0, s11, s14, $0x38;
	[tilespmem:$0x10B00] =	vst v63  }
0x5d: {  	s6 =	sand.u32 $0x1FFFFFF0, s17  }
0x5e: {  	[tilespmem:s18], [sflag:$0x2] =	stream.linear.gather [hbm4b:s1+s4], $0x40, $0x38;
	[tilespmem:$0x10B00] =	vst v63  }
0x5f: {  	s20 =	simm.s32 $0xB80;
	s19 =	spop (v2sf);
	s6 =	sadd.s32 s5, s6  }
0x60: {  	(v2sf) =	vpush v3, $0x6;
	[tilespmem:s20], [sflag:$0x2] =	stream.strided.gather [hbm4b:s6+s14], $0x0, s11, s14, $0x38;
	[tilespmem:$0x10B00] =	vst v63  }
0x61: {  	s1 =	sand.u32 $0x1FFFFFF0, s19  }
0x62: {  	[tilespmem:s20], [sflag:$0x2] =	stream.linear.gather [hbm4b:s6+s4], $0x40, $0x38;
	[tilespmem:$0x10B00] =	vst v63  }
0x63: {  	s22 =	simm.s32 $0x8B80;
	s21 =	spop (v2sf);
	s1 =	sadd.s32 s5, s1  }
0x64: {  	(v2sf) =	vpush v4, $0x7;
	[tilespmem:s22], [sflag:$0x2] =	stream.strided.gather [hbm4b:s1+s14], $0x0, s11, s14, $0x38;
	[tilespmem:$0x10B00] =	vst v63  }
0x65: {  	s6 =	sand.u32 $0x1FFFFFF0, s21  }
0x66: {  	[tilespmem:s22], [sflag:$0x2] =	stream.linear.gather [hbm4b:s1+s4], $0x40, $0x38;
	[tilespmem:$0x10B00] =	vst v63  }
0x67: {  	s24 =	simm.s32 $0xBC0;
	s23 =	spop (v2sf);
	s6 =	sadd.s32 s5, s6  }
0x68: {  	(v2sf) =	vpush v3, $0x7;
	[tilespmem:s24], [sflag:$0x2] =	stream.strided.gather [hbm4b:s6+s14], $0x0, s11, s14, $0x38;
	[tilespmem:$0x10B00] =	vst v63  }
0x69: {  	s1 =	sand.u32 $0x1FFFFFF0, s23  }
0x6a: {  	[tilespmem:s24], [sflag:$0x2] =	stream.linear.gather [hbm4b:s6+s4], $0x40, $0x38;
	[tilespmem:$0x10B00] =	vst v63  }
0x6b: {  	s26 =	simm.s32 $0x8BC0;
	s25 =	spop (v2sf);
	s1 =	sadd.s32 s5, s1  }
0x6c: {  	(v2sf) =	vpush v4, $0x8;
	[tilespmem:s26], [sflag:$0x2] =	stream.strided.gather [hbm4b:s1+s14], $0x0, s11, s14, $0x38;
	[tilespmem:$0x10B00] =	vst v63  }
0x6d: {  	s6 =	sand.u32 $0x1FFFFFF0, s25  }
0x6e: {  	[tilespmem:s26], [sflag:$0x2] =	stream.linear.gather [hbm4b:s1+s4], $0x40, $0x38;
	[tilespmem:$0x10B00] =	vst v63  }
0x6f: {  	s30 =	simm.s32 $0xC00;
	s28 =	spop (v2sf);
	s6 =	sadd.s32 s5, s6  }
0x70: {  	(v2sf) =	vpush v3, $0x8;
	[tilespmem:s30], [sflag:$0x2] =	stream.strided.gather [hbm4b:s6+s14], $0x0, s11, s14, $0x38;
	[tilespmem:$0x10B00] =	vst v63  }
0x71: {  	s1 =	sand.u32 $0x1FFFFFF0, s28  }
0x72: {  	[tilespmem:s30], [sflag:$0x2] =	stream.linear.gather [hbm4b:s6+s4], $0x40, $0x38;
	[tilespmem:$0x10B00] =	vst v63  }
0x73: {  	s9 =	simm.s32 $0x8C00;
	s8 =	spop (v2sf);
	s1 =	sadd.s32 s5, s1  }
0x74: {  	(v2sf) =	vpush v4, $0x9;
	[tilespmem:s9], [sflag:$0x2] =	stream.strided.gather [hbm4b:s1+s14], $0x0, s11, s14, $0x38;
	[tilespmem:$0x10B00] =	vst v63  }
0x75: {  	s6 =	sand.u32 $0x1FFFFFF0, s8  }
0x76: {  	[tilespmem:s9], [sflag:$0x2] =	stream.linear.gather [hbm4b:s1+s4], $0x40, $0x38;
	[tilespmem:$0x10B00] =	vst v63  }
0x77: {  	s12 =	simm.s32 $0xC40;
	s10 =	spop (v2sf);
	s6 =	sadd.s32 s5, s6  }
0x78: {  	(v2sf) =	vpush v3, $0x9;
	[tilespmem:s12], [sflag:$0x2] =	stream.strided.gather [hbm4b:s6+s14], $0x0, s11, s14, $0x38;
	[tilespmem:$0x10B00] =	vst v63  }
0x79: {  	s1 =	sand.u32 $0x1FFFFFF0, s10  }
0x7a: {  	[tilespmem:s12], [sflag:$0x2] =	stream.linear.gather [hbm4b:s6+s4], $0x40, $0x38;
	[tilespmem:$0x10B00] =	vst v63  }
0x7b: {  	s16 =	simm.s32 $0x8C40;
	s15 =	spop (v2sf);
	s1 =	sadd.s32 s5, s1  }
0x7c: {  	(v2sf) =	vpush v4, $0xA;
	[tilespmem:s16], [sflag:$0x2] =	stream.strided.gather [hbm4b:s1+s14], $0x0, s11, s14, $0x38;
	[tilespmem:$0x10B00] =	vst v63  }
0x7d: {  	s6 =	sand.u32 $0x1FFFFFF0, s15  }
0x7e: {  	[tilespmem:s16], [sflag:$0x2] =	stream.linear.gather [hbm4b:s1+s4], $0x40, $0x38;
	[tilespmem:$0x10B00] =	vst v63  }
0x7f: {  	s18 =	simm.s32 $0xC80;
	s17 =	spop (v2sf);
	s6 =	sadd.s32 s5, s6  }
0x80: {  	(v2sf) =	vpush v3, $0xA;
	[tilespmem:s18], [sflag:$0x2] =	stream.strided.gather [hbm4b:s6+s14], $0x0, s11, s14, $0x38;
	[tilespmem:$0x10B00] =	vst v63  }
0x81: {  	s1 =	sand.u32 $0x1FFFFFF0, s17  }
0x82: {  	[tilespmem:s18], [sflag:$0x2] =	stream.linear.gather [hbm4b:s6+s4], $0x40, $0x38;
	[tilespmem:$0x10B00] =	vst v63  }
0x83: {  	s20 =	simm.s32 $0x8C80;
	s19 =	spop (v2sf);
	s1 =	sadd.s32 s5, s1  }
0x84: {  	(v2sf) =	vpush v4, $0xB;
	[tilespmem:s20], [sflag:$0x2] =	stream.strided.gather [hbm4b:s1+s14], $0x0, s11, s14, $0x38;
	[tilespmem:$0x10B00] =	vst v63  }
0x85: {  	s6 =	sand.u32 $0x1FFFFFF0, s19  }
0x86: {  	[tilespmem:s20], [sflag:$0x2] =	stream.linear.gather [hbm4b:s1+s4], $0x40, $0x38;
	[tilespmem:$0x10B00] =	vst v63  }
0x87: {  	s22 =	simm.s32 $0xCC0;
	s21 =	spop (v2sf);
	s6 =	sadd.s32 s5, s6  }
0x88: {  	(v2sf) =	vpush v3, $0xB;
	[tilespmem:s22], [sflag:$0x2] =	stream.strided.gather [hbm4b:s6+s14], $0x0, s11, s14, $0x38;
	[tilespmem:$0x10B00] =	vst v63  }
0x89: {  	s1 =	sand.u32 $0x1FFFFFF0, s21  }
0x8a: {  	[tilespmem:s22], [sflag:$0x2] =	stream.linear.gather [hbm4b:s6+s4], $0x40, $0x38;
	[tilespmem:$0x10B00] =	vst v63  }
0x8b: {  	s24 =	simm.s32 $0x8CC0;
	s23 =	spop (v2sf);
	s1 =	sadd.s32 s5, s1  }
0x8c: {  	(v2sf) =	vpush v4, $0xC;
	[tilespmem:s24], [sflag:$0x2] =	stream.strided.gather [hbm4b:s1+s14], $0x0, s11, s14, $0x38;
	[tilespmem:$0x10B00] =	vst v63  }
0x8d: {  	s6 =	sand.u32 $0x1FFFFFF0, s23  }
0x8e: {  	[tilespmem:s24], [sflag:$0x2] =	stream.linear.gather [hbm4b:s1+s4], $0x40, $0x38;
	[tilespmem:$0x10B00] =	vst v63  }
0x8f: {  	s26 =	simm.s32 $0xD00;
	s25 =	spop (v2sf);
	s6 =	sadd.s32 s5, s6  }
0x90: {  	(v2sf) =	vpush v3, $0xC;
	[tilespmem:s26], [sflag:$0x2] =	stream.strided.gather [hbm4b:s6+s14], $0x0, s11, s14, $0x38;
	[tilespmem:$0x10B00] =	vst v63  }
0x91: {  	s1 =	sand.u32 $0x1FFFFFF0, s25  }
0x92: {  	[tilespmem:s26], [sflag:$0x2] =	stream.linear.gather [hbm4b:s6+s4], $0x40, $0x38;
	[tilespmem:$0x10B00] =	vst v63  }
0x93: {  	s30 =	simm.s32 $0x8D00;
	s28 =	spop (v2sf);
	s1 =	sadd.s32 s5, s1  }
0x94: {  	(v2sf) =	vpush v4, $0xD;
	[tilespmem:s30], [sflag:$0x2] =	stream.strided.gather [hbm4b:s1+s14], $0x0, s11, s14, $0x38;
	[tilespmem:$0x10B00] =	vst v63  }
0x95: {  	s6 =	sand.u32 $0x1FFFFFF0, s28  }
0x96: {  	[tilespmem:s30], [sflag:$0x2] =	stream.linear.gather [hbm4b:s1+s4], $0x40, $0x38;
	[tilespmem:$0x10B00] =	vst v63  }
0x97: {  	s9 =	simm.s32 $0xD40;
	s8 =	spop (v2sf);
	s6 =	sadd.s32 s5, s6  }
0x98: {  	(v2sf) =	vpush v3, $0xD;
	[tilespmem:s9], [sflag:$0x2] =	stream.strided.gather [hbm4b:s6+s14], $0x0, s11, s14, $0x38;
	[tilespmem:$0x10B00] =	vst v63  }
0x99: {  	s1 =	sand.u32 $0x1FFFFFF0, s8  }
0x9a: {  	[tilespmem:s9], [sflag:$0x2] =	stream.linear.gather [hbm4b:s6+s4], $0x40, $0x38;
	[tilespmem:$0x10B00] =	vst v63  }
0x9b: {  	s12 =	simm.s32 $0x8D40;
	s10 =	spop (v2sf);
	s1 =	sadd.s32 s5, s1  }
0x9c: {  	(v2sf) =	vpush v4, $0xE;
	[tilespmem:s12], [sflag:$0x2] =	stream.strided.gather [hbm4b:s1+s14], $0x0, s11, s14, $0x38;
	[tilespmem:$0x10B00] =	vst v63  }
0x9d: {  	s6 =	sand.u32 $0x1FFFFFF0, s10  }
0x9e: {  	[tilespmem:s12], [sflag:$0x2] =	stream.linear.gather [hbm4b:s1+s4], $0x40, $0x38;
	[tilespmem:$0x10B00] =	vst v63  }
0x9f: {  	s16 =	simm.s32 $0xD80;
	s15 =	spop (v2sf);
	s6 =	sadd.s32 s5, s6  }
0xa0: {  	(v2sf) =	vpush v3, $0xE;
	[tilespmem:s16], [sflag:$0x2] =	stream.strided.gather [hbm4b:s6+s14], $0x0, s11, s14, $0x38;
	[tilespmem:$0x10B00] =	vst v63  }
0xa1: {  	s1 =	sand.u32 $0x1FFFFFF0, s15  }
0xa2: {  	[tilespmem:s16], [sflag:$0x2] =	stream.linear.gather [hbm4b:s6+s4], $0x40, $0x38;
	[tilespmem:$0x10B00] =	vst v63  }
0xa3: {  	s18 =	simm.s32 $0x8D80;
	s17 =	spop (v2sf);
	s1 =	sadd.s32 s5, s1  }
0xa4: {  	(v2sf) =	vpush v4, $0xF;
	[tilespmem:s18], [sflag:$0x2] =	stream.strided.gather [hbm4b:s1+s14], $0x0, s11, s14, $0x38;
	[tilespmem:$0x10B00] =	vst v63  }
0xa5: {  	s6 =	sand.u32 $0x1FFFFFF0, s17  }
0xa6: {  	[tilespmem:s18], [sflag:$0x2] =	stream.linear.gather [hbm4b:s1+s4], $0x40, $0x38;
	[tilespmem:$0x10B00] =	vst v63  }
0xa7: {  	s20 =	simm.s32 $0xDC0;
	s19 =	spop (v2sf);
	s6 =	sadd.s32 s5, s6  }
0xa8: {  	(v2sf) =	vpush v3, $0xF;
	[tilespmem:s20], [sflag:$0x2] =	stream.strided.gather [hbm4b:s6+s14], $0x0, s11, s14, $0x38;
	[tilespmem:$0x10B00] =	vst v63  }
0xa9: {  	s1 =	sand.u32 $0x1FFFFFF0, s19  }
0xaa: {  	[tilespmem:s20], [sflag:$0x2] =	stream.linear.gather [hbm4b:s6+s4], $0x40, $0x38;
	[tilespmem:$0x10B00] =	vst v63  }
0xab: {  	s22 =	simm.s32 $0x8DC0;
	s21 =	spop (v2sf);
	s1 =	sadd.s32 s5, s1  }
0xac: {  	[tilespmem:s22], [sflag:$0x2] =	stream.strided.gather [hbm4b:s1+s14], $0x0, s11, s14, $0x38;
	[tilespmem:$0x10B00] =	vst v63  }
0xad: {  	s6 =	sand.u32 $0x1FFFFFF0, s21  }
0xae: {  	[tilespmem:s22], [sflag:$0x2] =	stream.linear.gather [hbm4b:s1+s4], $0x40, $0x38;
	[tilespmem:$0x10B00] =	vst v63  }
0xaf: {  	s24 =	simm.s32 $0xE00;
	s23 =	spop (v2sf);
	s6 =	sadd.s32 s5, s6  }
0xb0: {  	[tilespmem:s24], [sflag:$0x2] =	stream.strided.gather [hbm4b:s6+s14], $0x0, s11, s14, $0x38;
	[tilespmem:$0x10B00] =	vst v63  }
0xb1: {  	s1 =	sand.u32 $0x1FFFFFF0, s23  }
0xb2: {  	[tilespmem:s24], [sflag:$0x2] =	stream.linear.gather [hbm4b:s6+s4], $0x40, $0x38;
	[tilespmem:$0x10B00] =	vst v63  }
0xb3: {  	s26 =	simm.s32 $0x8E00;
	s25 =	spop (v2sf);
	s1 =	sadd.s32 s5, s1  }
0xb4: {  	[tilespmem:s26], [sflag:$0x2] =	stream.strided.gather [hbm4b:s1+s14], $0x0, s11, s14, $0x38;
	[tilespmem:$0x10B00] =	vst v63  }
0xb5: {  	s6 =	sand.u32 $0x1FFFFFF0, s25  }
0xb6: {  	[tilespmem:s26], [sflag:$0x2] =	stream.linear.gather [hbm4b:s1+s4], $0x40, $0x38;
	[tilespmem:$0x10B00] =	vst v63  }
0xb7: {  	s30 =	simm.s32 $0xE40;
	s28 =	spop (v2sf);
	s6 =	sadd.s32 s5, s6  }
0xb8: {  	[tilespmem:s30], [sflag:$0x2] =	stream.strided.gather [hbm4b:s6+s14], $0x0, s11, s14, $0x38;
	[tilespmem:$0x10B00] =	vst v63  }
0xb9: {  	s12 =	simm.s32 $0x0;
	s1 =	sand.u32 $0x1FFFFFF0, s28  }
0xba: {  	[tilespmem:s30], [sflag:$0x2] =	stream.linear.gather [hbm4b:s6+s4], $0x40, $0x38;
	[tilespmem:$0x10B00] =	vst v63  }
0xbb: {  	s7 =	sadd.s32 s5, s1;
	s1 =	simm.s32 $0x1000;
	s6 =	simm.s32 $0x8E40  }
0xbc: {  	[tilespmem:s6], [sflag:$0x2] =	stream.strided.gather [hbm4b:s7+s14], $0x0, s11, s14, $0x38;
	[tilespmem:$0x10B00] =	vst v63  }
.LBB2_2:
0xbd: {  	p0 =	sne.s32 s1, $0x1F000;
	s12 =	sadd.s32 $0x10, s12;
	s2 =	sadd.s32 $0x10, s2  }
0xbe: {  	[tilespmem:s6], [sflag:$0x2] =	stream.linear.gather [hbm4b:s7+s4], $0x40, $0x38;
	[tilespmem:$0x10B00] =	vst v63  }
0xbf: {  	s6 =	smov.u32 s1;
	s1 =	sadd.s32 $0x1000, s1;
	v3 =	vld [tilespmem:s12+$0x0];
	_ =	sdelay $0x3  }
0xc0: {  	v4 =	vld [tilespmem:s2+$0x0]  }
0xc1: {  	v3 =	vshll.u32 v3, $0x4  }
0xc2: {  	(v2sf) =	vpush v3, $0x0  }
0xc3: {  	(v2sf) =	vpush v3, $0x1  }
0xc4: {  	(v2sf) =	vpush v3, $0x2  }
0xc5: {  	v4 =	vshll.u32 v4, $0x4  }
0xc6: {  	(v2sf) =	vpush v4, $0x0;
	_ =	sdelay $0x1  }
0xc7: {  	(v2sf) =	vpush v4, $0x1  }
0xc8: {  	(v2sf) =	vpush v4, $0x2;
	_ =	sdelay $0x3  }
0xc9: {  	(v2sf) =	vpush v3, $0x3;
	_ =	sdelay $0x3  }
0xca: {  	s7 =	spop (v2sf);
	(v2sf) =	vpush v4, $0x3  }
0xcb: {  	s15 =	sshra.s32 s6, $0x2;
	s6 =	sand.u32 $0x1FFFFFF0, s7;
	s7 =	spop (v2sf)  }
0xcc: {  	s16 =	sadd.s32 $0xA80, s15;
	s6 =	sadd.s32 s5, s6;
	s17 =	spop (v2sf)  }
0xcd: {  	[tilespmem:s16], [sflag:$0x2] =	stream.strided.gather [hbm4b:s6+s14], $0x0, s11, s14, $0x38;
	[tilespmem:$0x10B00] =	vst v63  }
0xce: {  	s7 =	sand.u32 $0x1FFFFFF0, s7;
	s17 =	sand.u32 $0x1FFFFFF0, s17;
	s18 =	spop (v2sf);
	(v2sf) =	vpush v3, $0x4  }
0xcf: {  	[tilespmem:s16], [sflag:$0x2] =	stream.linear.gather [hbm4b:s6+s4], $0x40, $0x38;
	[tilespmem:$0x10B00] =	vst v63  }
0xd0: {  	s6 =	sadd.s32 $0x8A80, s15;
	s16 =	sand.u32 $0x1FFFFFF0, s18;
	s18 =	spop (v2sf);
	(v2sf) =	vpush v4, $0x4  }
0xd1: {  	s16 =	sadd.s32 s5, s16;
	s18 =	sand.u32 $0x1FFFFFF0, s18;
	s19 =	spop (v2sf)  }
0xd2: {  	[tilespmem:s6], [sflag:$0x2] =	stream.strided.gather [hbm4b:s16+s14], $0x0, s11, s14, $0x38;
	(v2sf) =	vpush v3, $0x5;
	[tilespmem:$0x10B00] =	vst v63  }
0xd3: {  	s20 =	sadd.s32 $0xAC0, s15;
	s7 =	sadd.s32 s5, s7;
	s19 =	sand.u32 $0x1FFFFFF0, s19  }
0xd4: {  	[tilespmem:s6], [sflag:$0x2] =	stream.linear.gather [hbm4b:s16+s4], $0x40, $0x38;
	(v2sf) =	vpush v4, $0x5;
	[tilespmem:$0x10B00] =	vst v63  }
0xd5: {  	s6 =	spop (v2sf)  }
0xd6: {  	[tilespmem:s20], [sflag:$0x2] =	stream.strided.gather [hbm4b:s7+s14], $0x0, s11, s14, $0x38;
	(v2sf) =	vpush v3, $0x6;
	[tilespmem:$0x10B00] =	vst v63  }
0xd7: {  	s18 =	sadd.s32 s5, s18;
	s16 =	sadd.s32 $0x8AC0, s15;
	s6 =	sand.u32 $0x1FFFFFF0, s6  }
0xd8: {  	[tilespmem:s20], [sflag:$0x2] =	stream.linear.gather [hbm4b:s7+s4], $0x40, $0x38;
	(v2sf) =	vpush v4, $0x6;
	[tilespmem:$0x10B00] =	vst v63  }
0xd9: {  	s7 =	spop (v2sf)  }
0xda: {  	[tilespmem:s16], [sflag:$0x2] =	stream.strided.gather [hbm4b:s18+s14], $0x0, s11, s14, $0x38;
	(v2sf) =	vpush v3, $0x7;
	[tilespmem:$0x10B00] =	vst v63  }
0xdb: {  	s17 =	sadd.s32 s5, s17;
	s20 =	sadd.s32 $0xB00, s15;
	s7 =	sand.u32 $0x1FFFFFF0, s7  }
0xdc: {  	[tilespmem:s16], [sflag:$0x2] =	stream.linear.gather [hbm4b:s18+s4], $0x40, $0x38;
	(v2sf) =	vpush v4, $0x7;
	[tilespmem:$0x10B00] =	vst v63  }
0xdd: {  	s16 =	spop (v2sf)  }
0xde: {  	[tilespmem:s20], [sflag:$0x2] =	stream.strided.gather [hbm4b:s17+s14], $0x0, s11, s14, $0x38;
	(v2sf) =	vpush v3, $0x8;
	[tilespmem:$0x10B00] =	vst v63  }
0xdf: {  	s19 =	sadd.s32 s5, s19;
	s18 =	sadd.s32 $0x8B00, s15;
	s21 =	spop (v2sf)  }
0xe0: {  	[tilespmem:s20], [sflag:$0x2] =	stream.linear.gather [hbm4b:s17+s4], $0x40, $0x38;
	(v2sf) =	vpush v4, $0x8;
	[tilespmem:$0x10B00] =	vst v63  }
0xe1: {  	s16 =	sand.u32 $0x1FFFFFF0, s16;
	s17 =	sand.u32 $0x1FFFFFF0, s21;
	s20 =	spop (v2sf)  }
0xe2: {  	[tilespmem:s18], [sflag:$0x2] =	stream.strided.gather [hbm4b:s19+s14], $0x0, s11, s14, $0x38;
	(v2sf) =	vpush v3, $0x9;
	[tilespmem:$0x10B00] =	vst v63  }
0xe3: {  	s22 =	sadd.s32 s5, s6;
	s21 =	sadd.s32 $0xB40, s15;
	s6 =	spop (v2sf)  }
0xe4: {  	[tilespmem:s18], [sflag:$0x2] =	stream.linear.gather [hbm4b:s19+s4], $0x40, $0x38;
	(v2sf) =	vpush v4, $0x9;
	[tilespmem:$0x10B00] =	vst v63  }
0xe5: {  	s23 =	sand.u32 $0x1FFFFFF0, s20;
	s6 =	sand.u32 $0x1FFFFFF0, s6;
	s18 =	spop (v2sf)  }
0xe6: {  	[tilespmem:s21], [sflag:$0x2] =	stream.strided.gather [hbm4b:s22+s14], $0x0, s11, s14, $0x38;
	(v2sf) =	vpush v3, $0xA;
	[tilespmem:$0x10B00] =	vst v63  }
0xe7: {  	s7 =	sadd.s32 s5, s7;
	s19 =	sadd.s32 $0x8B40, s15;
	s24 =	spop (v2sf)  }
0xe8: {  	[tilespmem:s21], [sflag:$0x2] =	stream.linear.gather [hbm4b:s22+s4], $0x40, $0x38;
	(v2sf) =	vpush v4, $0xA;
	[tilespmem:$0x10B00] =	vst v63  }
0xe9: {  	s20 =	sand.u32 $0x1FFFFFF0, s18;
	s18 =	sand.u32 $0x1FFFFFF0, s24;
	s21 =	spop (v2sf)  }
0xea: {  	[tilespmem:s19], [sflag:$0x2] =	stream.strided.gather [hbm4b:s7+s14], $0x0, s11, s14, $0x38;
	(v2sf) =	vpush v3, $0xB;
	[tilespmem:$0x10B00] =	vst v63  }
0xeb: {  	s22 =	sadd.s32 $0xB80, s15;
	s24 =	sadd.s32 s5, s16;
	s16 =	spop (v2sf)  }
0xec: {  	[tilespmem:s19], [sflag:$0x2] =	stream.linear.gather [hbm4b:s7+s4], $0x40, $0x38;
	(v2sf) =	vpush v4, $0xB;
	[tilespmem:$0x10B00] =	vst v63  }
0xed: {  	s19 =	sand.u32 $0x1FFFFFF0, s21;
	s16 =	sand.u32 $0x1FFFFFF0, s16;
	s7 =	spop (v2sf)  }
0xee: {  	[tilespmem:s22], [sflag:$0x2] =	stream.strided.gather [hbm4b:s24+s14], $0x0, s11, s14, $0x38;
	(v2sf) =	vpush v3, $0xC;
	[tilespmem:$0x10B00] =	vst v63  }
0xef: {  	s25 =	sadd.s32 s5, s17;
	s21 =	sadd.s32 $0x8B80, s15;
	s26 =	spop (v2sf)  }
0xf0: {  	[tilespmem:s22], [sflag:$0x2] =	stream.linear.gather [hbm4b:s24+s4], $0x40, $0x38;
	(v2sf) =	vpush v4, $0xC;
	[tilespmem:$0x10B00] =	vst v63  }
0xf1: {  	s17 =	sand.u32 $0x1FFFFFF0, s7;
	s28 =	sand.u32 $0x1FFFFFF0, s26;
	s7 =	spop (v2sf)  }
0xf2: {  	[tilespmem:s21], [sflag:$0x2] =	stream.strided.gather [hbm4b:s25+s14], $0x0, s11, s14, $0x38;
	(v2sf) =	vpush v3, $0xD;
	[tilespmem:$0x10B00] =	vst v63  }
0xf3: {  	s23 =	sadd.s32 s5, s23;
	s22 =	sadd.s32 $0xBC0, s15;
	s24 =	spop (v2sf)  }
0xf4: {  	[tilespmem:s21], [sflag:$0x2] =	stream.linear.gather [hbm4b:s25+s4], $0x40, $0x38;
	(v2sf) =	vpush v4, $0xD;
	[tilespmem:$0x10B00] =	vst v63  }
0xf5: {  	s7 =	sand.u32 $0x1FFFFFF0, s7;
	s26 =	sand.u32 $0x1FFFFFF0, s24;
	s21 =	spop (v2sf)  }
0xf6: {  	[tilespmem:s22], [sflag:$0x2] =	stream.strided.gather [hbm4b:s23+s14], $0x0, s11, s14, $0x38;
	(v2sf) =	vpush v3, $0xE;
	[tilespmem:$0x10B00] =	vst v63  }
0xf7: {  	s30 =	sadd.s32 s5, s6;
	s25 =	sadd.s32 $0x8BC0, s15;
	s24 =	spop (v2sf)  }
0xf8: {  	[tilespmem:s22], [sflag:$0x2] =	stream.linear.gather [hbm4b:s23+s4], $0x40, $0x38;
	[tilespmem:$0x10B00] =	vst v63  }
0xf9: {  	s6 =	sand.u32 $0x1FFFFFF0, s21;
	s24 =	sand.u32 $0x1FFFFFF0, s24;
	s21 =	spop (v2sf)  }
0xfa: {  	[tilespmem:s25], [sflag:$0x2] =	stream.strided.gather [hbm4b:s30+s14], $0x0, s11, s14, $0x38;
	(v2sf) =	vpush v4, $0xE;
	[tilespmem:$0x10B00] =	vst v63  }
0xfb: {  	s20 =	sadd.s32 s5, s20;
	s23 =	sadd.s32 $0xC00, s15;
	s22 =	spop (v2sf)  }
0xfc: {  	[tilespmem:s25], [sflag:$0x2] =	stream.linear.gather [hbm4b:s30+s4], $0x40, $0x38;
	(v2sf) =	vpush v3, $0xF;
	[tilespmem:$0x10B00] =	vst v63  }
0xfd: {  	s30 =	sand.u32 $0x1FFFFFF0, s21;
	s22 =	sand.u32 $0x1FFFFFF0, s22;
	s21 =	spop (v2sf)  }
0xfe: {  	[tilespmem:s23], [sflag:$0x2] =	stream.strided.gather [hbm4b:s20+s14], $0x0, s11, s14, $0x38;
	(v2sf) =	vpush v4, $0xF;
	[tilespmem:$0x10B00] =	vst v63  }
0xff: {  	s8 =	sadd.s32 $0x8C00, s15;
	s18 =	sadd.s32 s5, s18;
	s9 =	spop (v2sf)  }
0x100: {  	[tilespmem:s23], [sflag:$0x2] =	stream.linear.gather [hbm4b:s20+s4], $0x40, $0x38;
	[tilespmem:$0x10B00] =	vst v63  }
0x101: {  	s25 =	sand.u32 $0x1FFFFFF0, s21;
	s21 =	sand.u32 $0x1FFFFFF0, s9;
	s9 =	spop (v2sf)  }
0x102: {  	[tilespmem:s8], [sflag:$0x2] =	stream.strided.gather [hbm4b:s18+s14], $0x0, s11, s14, $0x38;
	[tilespmem:$0x10B00] =	vst v63  }
0x103: {  	s10 =	sadd.s32 $0xC40, s15;
	s19 =	sadd.s32 s5, s19;
	s20 =	spop (v2sf)  }
0x104: {  	[tilespmem:s8], [sflag:$0x2] =	stream.linear.gather [hbm4b:s18+s4], $0x40, $0x38;
	[tilespmem:$0x10B00] =	vst v63  }
0x105: {  	s23 =	sand.u32 $0x1FFFFFF0, s9;
	s20 =	sand.u32 $0x1FFFFFF0, s20;
	s8 =	spop (v2sf)  }
0x106: {  	[tilespmem:s10], [sflag:$0x2] =	stream.strided.gather [hbm4b:s19+s14], $0x0, s11, s14, $0x38;
	[tilespmem:$0x10B00] =	vst v63  }
0x107: {  	s16 =	sadd.s32 s5, s16;
	s9 =	sadd.s32 $0x8C40, s15;
	s18 =	sand.u32 $0x1FFFFFF0, s8  }
0x108: {  	[tilespmem:s10], [sflag:$0x2] =	stream.linear.gather [hbm4b:s19+s4], $0x40, $0x38;
	[tilespmem:$0x10B00] =	vst v63  }
0x109: {  	s19 =	spop (v2sf)  }
0x10a: {  	[tilespmem:s9], [sflag:$0x2] =	stream.strided.gather [hbm4b:s16+s14], $0x0, s11, s14, $0x38;
	[tilespmem:$0x10B00] =	vst v63  }
0x10b: {  	s8 =	sadd.s32 $0xC80, s15;
	s10 =	sadd.s32 s5, s17;
	s17 =	spop (v2sf)  }
0x10c: {  	[tilespmem:s9], [sflag:$0x2] =	stream.linear.gather [hbm4b:s16+s4], $0x40, $0x38;
	[tilespmem:$0x10B00] =	vst v63  }
0x10d: {  	s17 =	sand.u32 $0x1FFFFFF0, s17;
	s16 =	spop (v2sf)  }
0x10e: {  	[tilespmem:s8], [sflag:$0x2] =	stream.strided.gather [hbm4b:s10+s14], $0x0, s11, s14, $0x38;
	[tilespmem:$0x10B00] =	vst v63  }
0x10f: {  	s28 =	sadd.s32 s5, s28;
	s9 =	sadd.s32 $0x8C80, s15  }
0x110: {  	[tilespmem:s8], [sflag:$0x2] =	stream.linear.gather [hbm4b:s10+s4], $0x40, $0x38;
	[tilespmem:$0x10B00] =	vst v63  }
0x111: {  	_ = 	snop  }
0x112: {  	[tilespmem:s9], [sflag:$0x2] =	stream.strided.gather [hbm4b:s28+s14], $0x0, s11, s14, $0x38;
	[tilespmem:$0x10B00] =	vst v63  }
0x113: {  	s7 =	sadd.s32 s5, s7;
	s8 =	sadd.s32 $0xCC0, s15  }
0x114: {  	[tilespmem:s9], [sflag:$0x2] =	stream.linear.gather [hbm4b:s28+s4], $0x40, $0x38;
	[tilespmem:$0x10B00] =	vst v63  }
0x115: {  	_ = 	snop  }
0x116: {  	[tilespmem:s8], [sflag:$0x2] =	stream.strided.gather [hbm4b:s7+s14], $0x0, s11, s14, $0x38;
	[tilespmem:$0x10B00] =	vst v63  }
0x117: {  	s10 =	sadd.s32 s5, s26;
	s9 =	sadd.s32 $0x8CC0, s15  }
0x118: {  	[tilespmem:s8], [sflag:$0x2] =	stream.linear.gather [hbm4b:s7+s4], $0x40, $0x38;
	[tilespmem:$0x10B00] =	vst v63  }
0x119: {  	_ = 	snop  }
0x11a: {  	[tilespmem:s9], [sflag:$0x2] =	stream.strided.gather [hbm4b:s10+s14], $0x0, s11, s14, $0x38;
	[tilespmem:$0x10B00] =	vst v63  }
0x11b: {  	s6 =	sadd.s32 s5, s6;
	s7 =	sadd.s32 $0xD00, s15  }
0x11c: {  	[tilespmem:s9], [sflag:$0x2] =	stream.linear.gather [hbm4b:s10+s4], $0x40, $0x38;
	[tilespmem:$0x10B00] =	vst v63  }
0x11d: {  	_ = 	snop  }
0x11e: {  	[tilespmem:s7], [sflag:$0x2] =	stream.strided.gather [hbm4b:s6+s14], $0x0, s11, s14, $0x38;
	[tilespmem:$0x10B00] =	vst v63  }
0x11f: {  	s8 =	sadd.s32 $0x8D00, s15;
	s9 =	sadd.s32 s5, s24  }
0x120: {  	[tilespmem:s7], [sflag:$0x2] =	stream.linear.gather [hbm4b:s6+s4], $0x40, $0x38;
	[tilespmem:$0x10B00] =	vst v63  }
0x121: {  	_ = 	snop  }
0x122: {  	[tilespmem:s8], [sflag:$0x2] =	stream.strided.gather [hbm4b:s9+s14], $0x0, s11, s14, $0x38;
	[tilespmem:$0x10B00] =	vst v63  }
0x123: {  	s6 =	sadd.s32 $0xD40, s15;
	s7 =	sadd.s32 s5, s30  }
0x124: {  	[tilespmem:s8], [sflag:$0x2] =	stream.linear.gather [hbm4b:s9+s4], $0x40, $0x38;
	[tilespmem:$0x10B00] =	vst v63  }
0x125: {  	_ = 	snop  }
0x126: {  	[tilespmem:s6], [sflag:$0x2] =	stream.strided.gather [hbm4b:s7+s14], $0x0, s11, s14, $0x38;
	[tilespmem:$0x10B00] =	vst v63  }
0x127: {  	s8 =	sadd.s32 $0x8D40, s15;
	s9 =	sadd.s32 s5, s22  }
0x128: {  	[tilespmem:s6], [sflag:$0x2] =	stream.linear.gather [hbm4b:s7+s4], $0x40, $0x38;
	[tilespmem:$0x10B00] =	vst v63  }
0x129: {  	_ = 	snop  }
0x12a: {  	[tilespmem:s8], [sflag:$0x2] =	stream.strided.gather [hbm4b:s9+s14], $0x0, s11, s14, $0x38;
	[tilespmem:$0x10B00] =	vst v63  }
0x12b: {  	s6 =	sadd.s32 $0xD80, s15;
	s7 =	sadd.s32 s5, s25  }
0x12c: {  	[tilespmem:s8], [sflag:$0x2] =	stream.linear.gather [hbm4b:s9+s4], $0x40, $0x38;
	[tilespmem:$0x10B00] =	vst v63  }
0x12d: {  	_ = 	snop  }
0x12e: {  	[tilespmem:s6], [sflag:$0x2] =	stream.strided.gather [hbm4b:s7+s14], $0x0, s11, s14, $0x38;
	[tilespmem:$0x10B00] =	vst v63  }
0x12f: {  	s8 =	sadd.s32 $0x8D80, s15;
	s9 =	sadd.s32 s5, s21  }
0x130: {  	[tilespmem:s6], [sflag:$0x2] =	stream.linear.gather [hbm4b:s7+s4], $0x40, $0x38;
	[tilespmem:$0x10B00] =	vst v63  }
0x131: {  	_ = 	snop  }
0x132: {  	[tilespmem:s8], [sflag:$0x2] =	stream.strided.gather [hbm4b:s9+s14], $0x0, s11, s14, $0x38;
	[tilespmem:$0x10B00] =	vst v63  }
0x133: {  	s6 =	sadd.s32 $0xDC0, s15;
	s7 =	sadd.s32 s5, s23  }
0x134: {  	[tilespmem:s8], [sflag:$0x2] =	stream.linear.gather [hbm4b:s9+s4], $0x40, $0x38;
	[tilespmem:$0x10B00] =	vst v63  }
0x135: {  	_ = 	snop  }
0x136: {  	[tilespmem:s6], [sflag:$0x2] =	stream.strided.gather [hbm4b:s7+s14], $0x0, s11, s14, $0x38;
	[tilespmem:$0x10B00] =	vst v63  }
0x137: {  	s8 =	sadd.s32 $0x8DC0, s15;
	s9 =	sadd.s32 s5, s20  }
0x138: {  	[tilespmem:s6], [sflag:$0x2] =	stream.linear.gather [hbm4b:s7+s4], $0x40, $0x38;
	[tilespmem:$0x10B00] =	vst v63  }
0x139: {  	_ = 	snop  }
0x13a: {  	[tilespmem:s8], [sflag:$0x2] =	stream.strided.gather [hbm4b:s9+s14], $0x0, s11, s14, $0x38;
	[tilespmem:$0x10B00] =	vst v63  }
0x13b: {  	s6 =	sadd.s32 $0xE00, s15;
	s7 =	sadd.s32 s5, s18  }
0x13c: {  	[tilespmem:s8], [sflag:$0x2] =	stream.linear.gather [hbm4b:s9+s4], $0x40, $0x38;
	[tilespmem:$0x10B00] =	vst v63  }
0x13d: {  	s8 =	sand.u32 $0x1FFFFFF0, s19  }
0x13e: {  	[tilespmem:s6], [sflag:$0x2] =	stream.strided.gather [hbm4b:s7+s14], $0x0, s11, s14, $0x38;
	[tilespmem:$0x10B00] =	vst v63  }
0x13f: {  	s9 =	sadd.s32 $0x8E00, s15;
	s8 =	sadd.s32 s5, s8  }
0x140: {  	[tilespmem:s6], [sflag:$0x2] =	stream.linear.gather [hbm4b:s7+s4], $0x40, $0x38;
	[tilespmem:$0x10B00] =	vst v63  }
0x141: {  	_ = 	snop  }
0x142: {  	[tilespmem:s9], [sflag:$0x2] =	stream.strided.gather [hbm4b:s8+s14], $0x0, s11, s14, $0x38;
	[tilespmem:$0x10B00] =	vst v63  }
0x143: {  	s17 =	sadd.s32 s5, s17;
	s10 =	sadd.s32 $0xE40, s15  }
0x144: {  	[tilespmem:s9], [sflag:$0x2] =	stream.linear.gather [hbm4b:s8+s4], $0x40, $0x38;
	[tilespmem:$0x10B00] =	vst v63  }
0x145: {  	s7 =	sand.u32 $0x1FFFFFF0, s16  }
0x146: {  	[tilespmem:s10], [sflag:$0x2] =	stream.strided.gather [hbm4b:s17+s14], $0x0, s11, s14, $0x38;
	[tilespmem:$0x10B00] =	vst v63  }
.Ltmp0:
0x147: {  	_ = 	snop;
	(pc) =	sbr.rel @p0 .LBB2_2-.Ltmp0, $4  }
0x148: {  	s6 =	sadd.s32 $0x8E40, s15;
	s7 =	sadd.s32 s5, s7  }
0x149: {  	[tilespmem:s10], [sflag:$0x2] =	stream.linear.gather [hbm4b:s17+s4], $0x40, $0x38;
	[tilespmem:$0x10B00] =	vst v63  }
0x14a: {  	_ = 	snop  }
0x14b: {  	[tilespmem:s6], [sflag:$0x2] =	stream.strided.gather [hbm4b:s7+s14], $0x0, s11, s14, $0x38;
	[tilespmem:$0x10B00] =	vst v63  }
0x14c: {  	[tilespmem:s6], [sflag:$0x2] =	stream.linear.gather [hbm4b:s7+s4], $0x40, $0x38;
	[tilespmem:$0x10B00] =	vst v63  }
0x14d: {  	_ =	swait.ge [sflag:s29], $0x8000  }
0x14e: {  	[sflag:s29] =	ssyncset.done $0x0  }
0x14f: {  	[sflag:s29] =	ssyncadd.s32 $0xFFFF8000  }
0x150: {  	_ =	swait.ge [sflag:s29], $0x8000  }
0x151: {  	[sflag:s29] =	ssyncset.done $0x0  }
0x152: {  	[sflag:s29] =	ssyncadd.s32 $0xFFFF8000  }
0x153: {  	_ =	swait.ge [sflag:s13], $0x80  }
0x154: {  	[sflag:s13] =	ssyncset.done $0x0  }
0x155: {  	[sflag:s13] =	ssyncadd.s32 $0xFFFFFF80  }
0x156: {  	_ =	swait.ge [sflag:s13], $0x80  }
0x157: {  	[sflag:s13] =	ssyncset.done $0x0  }
0x158: {  	[sflag:s13] =	ssyncadd.s32 $0xFFFFFF80  }
0x159: {  	_ =	swait.ge [sflag:s13], $0x80  }
0x15a: {  	[sflag:s13] =	ssyncset.done $0x0  }
0x15b: {  	[sflag:s13] =	ssyncadd.s32 $0xFFFFFF80  }
0x15c: {  	_ =	swait.ge [sflag:s13], $0x80  }
0x15d: {  	[sflag:s13] =	ssyncset.done $0x0  }
0x15e: {  	[sflag:s13] =	ssyncadd.s32 $0xFFFFFF80  }
0x15f: {  	_ =	swait.ge [sflag:s13], $0x80  }
0x160: {  	[sflag:s13] =	ssyncset.done $0x0  }
0x161: {  	[sflag:s13] =	ssyncadd.s32 $0xFFFFFF80  }
0x162: {  	_ =	swait.ge [sflag:s13], $0x80  }
0x163: {  	[sflag:s13] =	ssyncset.done $0x0  }
0x164: {  	[sflag:s13] =	ssyncadd.s32 $0xFFFFFF80  }
0x165: {  	_ =	swait.ge [sflag:s13], $0x80  }
0x166: {  	[sflag:s13] =	ssyncset.done $0x0  }
0x167: {  	[sflag:s13] =	ssyncadd.s32 $0xFFFFFF80  }
0x168: {  	_ =	swait.ge [sflag:s13], $0x80  }
0x169: {  	[sflag:s13] =	ssyncset.done $0x0  }
0x16a: {  	[sflag:s13] =	ssyncadd.s32 $0xFFFFFF80  }
0x16b: {  	v3 =	vld [tilespmem:$0xA00];
	_ =	sdelay $0x4  }
0x16c: {  	(xrf2) =	vadd.scan.msk.f32 $0xffff, v3;
	_ =	sdelay $0x9  }
0x16d: {  	v3, _, _ =	vpop (xrf2)  }
0x16e: {  	s2 =	simm.s32 $0x0;
	v4 =	vimm.f32 $0.0e+00;
	v3 =	vbroadcast v3, $0xF  }
.LBB2_4:
0x16f: {  	s1 =	sshll.u32 s2, $0xA;
	p0 =	por $0x1, $0x1;
	v6 =	vimm.f32 $0.0e+00;
	v5 =	vimm.f32 $0.0e+00;
	v7 =	vimm.f32 $0.0e+00;
	s12 =	simm.s32 $0x0  }
.LBB2_5:
0x170: {  	s6 =	sshll.u32 s12, $0x9  }
0x171: {  	s16 =	sor.u32 s1, s6  }
0x172: {  	v8 =	vld [tilespmem:s16+$0xA80]  }
0x173: {  	v9 =	vld [tilespmem:s16+$0x8A80]  }
0x174: {  	v10 =	vld [tilespmem:s16+$0xA90]  }
0x175: {  	v11 =	vld [tilespmem:s16+$0x8A90]  }
0x176: {  	v12 =	vld [tilespmem:s16+$0xAA0]  }
0x177: {  	v13 =	vld [tilespmem:s16+$0x8AA0]  }
0x178: {  	v14 =	vld [tilespmem:s16+$0xAB0]  }
0x179: {  	v17 =	vld [tilespmem:s16+$0x8AB0]  }
0x17a: {  	v29 =	vld [tilespmem:s16+$0xAC0]  }
0x17b: {  	v31 =	vld [tilespmem:s16+$0xAD0]  }
0x17c: {  	v35 =	vld [tilespmem:s16+$0xAE0]  }
0x17d: {  	v37 =	vld [tilespmem:s16+$0xAF0];
	v15 =	vmul.f32 v8, v8  }
0x17e: {  	v40 =	vld [tilespmem:s16+$0x8AC0];
	v16 =	vmul.f32 v9, v9;
	v8 =	vmul.f32 v9, v8  }
0x17f: {  	v42 =	vld [tilespmem:s16+$0x8AE0];
	v27 =	vmul.f32 v10, v10;
	v18 =	vmul.f32 v11, v11  }
0x180: {  	v43 =	vld [tilespmem:s16+$0x8AF0];
	v10 =	vmul.f32 v11, v10;
	v28 =	vmul.f32 v12, v12  }
0x181: {  	v45 =	vld [tilespmem:s16+$0xB00];
	v30 =	vmul.f32 v13, v13;
	v32 =	vmul.f32 v13, v12  }
0x182: {  	v46 =	vld [tilespmem:s16+$0xB10];
	v33 =	vmul.f32 v14, v14;
	v34 =	vmul.f32 v17, v17  }
0x183: {  	v23 =	vld [tilespmem:s16+$0x8B00];
	v36 =	vmul.f32 v17, v14;
	v38 =	vmul.f32 v29, v29  }
0x184: {  	v49 =	vld [tilespmem:s16+$0x8B10];
	v39 =	vmul.f32 v31, v31;
	v41 =	vmul.f32 v35, v35  }
0x185: {  	v19 =	vld [tilespmem:s16+$0xB20];
	v44 =	vmul.f32 v37, v37;
	v21 =	vmul.f32 v40, v40  }
0x186: {  	s15 =	sshll.u32 s12, $0x3;
	v47 =	vld [tilespmem:s16+$0xB30];
	v52 =	vmul.f32 v42, v42;
	v53 =	vmul.f32 v42, v35  }
0x187: {  	v20 =	vmov s15;
	v24 =	vld [tilespmem:s16+$0x8B20];
	v56 =	vmul.f32 v43, v43;
	v58 =	vmul.f32 v43, v37  }
0x188: {  	v57 =	vld [tilespmem:s16+$0xB40];
	v61 =	vmul.f32 v45, v45;
	v62 =	vmul.f32 v23, v23;
	v9 =	vadd.f32 v27, v15  }
0x189: {  	vm0 =	veq.s32 v20, v1;
	v54 =	vld [tilespmem:s16+$0x8B30];
	v17 =	vmul.f32 v23, v45;
	v26 =	vmul.f32 v49, v49  }
0x18a: {  	v60 =	vld [tilespmem:s16+$0xB60];
	v11 =	vmul.f32 v49, v46;
	v16 =	vadd.f32 v18, v16;
	v9 =	vadd.f32 v28, v9  }
0x18b: {  	v35 =	vmul.f32 v19, v19;
	v49 =	vld [tilespmem:s16+$0x8B90];
	v8 =	vadd.f32 v10, v8;
	v18 =	vadd.f32 v26, v62  }
0x18c: {  	v19 =	vmul.f32 v24, v19;
	v27 =	vld [tilespmem:s16+$0x8B60];
	v10 =	vadd.f32 v30, v16;
	v9 =	vadd.f32 v33, v9  }
0x18d: {  	s22 =	sor.u32 $0x1, s15;
	v59 =	vld [tilespmem:s16+$0xB50];
	v43 =	vmul.f32 v57, v57;
	v11 =	vadd.f32 v11, v17;
	v8 =	vadd.f32 v32, v8  }
0x18e: {  	s23 =	sor.u32 $0x2, s15;
	v30 =	vmov s22;
	v10 =	vadd.f32 v34, v10;
	v34 =	vld [tilespmem:s16+$0x8B50];
	(xrf2) =	vadd.scan.msk.f32 $0xffff, v9;
	v9 =	vadd.f32 v39, v38  }
0x18f: {  	v32 =	vld [tilespmem:s16+$0x8B40];
	v11 =	vadd.f32 v19, v11;
	v28 =	vmov s23;
	v8 =	vadd.f32 v36, v8  }
0x190: {  	v63 =	vld [tilespmem:s16+$0xB70];
	v62 =	vmul.f32 v49, v49;
	v36 =	vmul.f32 v24, v24;
	(xrf2) =	vadd.scan.msk.f32 $0xffff, v10;
	v9 =	vadd.f32 v41, v9  }
0x191: {  	vm10 =	veq.s32 v30, v1;
	v16 =	vmul.f32 v27, v60;
	v38 =	vmul.f32 v47, v47;
	(xrf2) =	vadd.scan.msk.f32 $0xffff, v8;
	v8 =	vld [tilespmem:s16+$0x8AD0]  }
0x192: {  	v10 =	vmul.f32 v40, v29;
	v40 =	vmul.f32 v54, v54;
	v9 =	vadd.f32 v44, v9  }
0x193: {  	v17 =	vadd.f32 v36, v18;
	v41 =	vld [tilespmem:s16+$0xB90];
	v29 =	vmul.f32 v34, v34;
	v12 =	vmul.f32 v34, v59  }
0x194: {  	vm1 =	veq.s32 v28, v1;
	v36 =	vld [tilespmem:s16+$0x8BD0];
	v44 =	vmul.f32 v32, v32;
	(xrf2) =	vadd.scan.msk.f32 $0xffff, v9;
	v9 =	vmul.f32 v54, v47  }
0x195: {  	v17 =	vadd.f32 v40, v17;
	v47 =	vmul.f32 v59, v59;
	v54 =	vmul.f32 v63, v63  }
0x196: {  	v37 =	vld [tilespmem:s16+$0x8B70];
	v19 =	vadd.f32 v29, v44;
	v22 =	vmul.f32 v8, v8;
	v8 =	vmul.f32 v8, v31  }
0x197: {  	v42 =	vld [tilespmem:s16+$0xBA0];
	v31 =	vmul.f32 v46, v46;
	v46 =	vmul.f32 v32, v57;
	v9 =	vadd.f32 v9, v11  }
0x198: {  	v57 =	vld [tilespmem:s16+$0xBD0];
	v15 =	vmul.f32 v49, v41;
	v18 =	vadd.f32 v47, v43;
	v21 =	vadd.f32 v22, v21  }
0x199: {  	v39 =	vld [tilespmem:s16+$0xB80];
	v47 =	vmul.f32 v36, v36;
	v8 =	vadd.f32 v8, v10;
	v10 =	vadd.f32 v31, v61;
	v48, _, _ =	vpop (xrf2)  }
0x19a: {  	v40 =	vld [tilespmem:s16+$0x8BF0];
	v11 =	vadd.f32 v12, v46;
	v50 =	vbroadcast v48, $0xF;
	v21 =	vadd.f32 v52, v21  }
0x19b: {  	v31 =	vld [tilespmem:s16+$0xBE0];
	v51, _, _ =	vpop (xrf2);
	v8 =	vadd.f32 v53, v8;
	v10 =	vadd.f32 v35, v10;
	v52 =	vmul.f32 v27, v27  }
0x19c: {  	v61 =	vld [tilespmem:s16+$0xBF0];
	v11 =	vadd.f32 v16, v11;
	v35 =	vmul.f32 v42, v42;
	v20 =	vbroadcast v51, $0xF;
	v25, _, _ =	vpop (xrf2)  }
0x19d: {  	v48 =	vld [tilespmem:s16+$0x8B80];
	v24 =	vmul.f32 v36, v57;
	v55 =	vbroadcast v25, $0xF;
	v14 =	vadd.f32 v56, v21  }
0x19e: {  	v45 =	vld [tilespmem:s16+$0xBB0];
	v7 =	vsel vm0, v50, v7;
	v8 =	vadd.f32 v58, v8;
	v10 =	vadd.f32 v38, v10  }
0x19f: {  	v53 =	vld [tilespmem:s16+$0x8BB0];
	v50 =	vmul.f32 v60, v60;
	v12 =	vadd.f32 v52, v19;
	v56 =	vmul.f32 v37, v37  }
0x1a0: {  	v58 =	vmul.f32 v39, v39;
	v60 =	vmul.f32 v41, v41;
	v5 =	vsel vm0, v20, v5  }
0x1a1: {  	v51 =	vld [tilespmem:s16+$0x8BA0];
	v20 =	vmul.f32 v37, v63;
	v49 =	vmul.f32 v31, v31;
	v6 =	vsel vm0, v55, v6  }
0x1a2: {  	v46 =	vld [tilespmem:s16+$0xC20];
	v16 =	vadd.f32 v60, v58;
	v58 =	vmul.f32 v40, v61;
	v30 =	vmul.f32 v48, v48  }
0x1a3: {  	v38 =	vld [tilespmem:s16+$0x8BE0];
	v18 =	vadd.f32 v50, v18;
	v59 =	vmul.f32 v48, v39;
	v39 =	vmul.f32 v45, v45  }
0x1a4: {  	v63 =	vld [tilespmem:s16+$0x8BC0];
	v12 =	vadd.f32 v56, v12;
	v41 =	vmul.f32 v53, v53;
	v22 =	vmul.f32 v53, v45  }
0x1a5: {  	v55 =	vld [tilespmem:s16+$0xBC0];
	v33, _, _ =	vpop (xrf2);
	v11 =	vadd.f32 v20, v11;
	v45 =	vmul.f32 v57, v57;
	v57 =	vmul.f32 v40, v40  }
0x1a6: {  	v52 =	vld [tilespmem:s16+$0x8C10];
	v21 =	vbroadcast v33, $0xF;
	v18 =	vadd.f32 v54, v18;
	v37 =	vmul.f32 v51, v51  }
0x1a7: {  	v48 =	vld [tilespmem:s16+$0x8C00];
	v16 =	vadd.f32 v35, v16;
	v13 =	vmul.f32 v51, v42;
	v54 =	vmul.f32 v61, v61  }
0x1a8: {  	v42 =	vld [tilespmem:s16+$0xC00];
	v19 =	vadd.f32 v62, v30;
	v15 =	vadd.f32 v15, v59;
	v51 =	vmul.f32 v38, v38  }
0x1a9: {  	v33 =	vld [tilespmem:s16+$0xC10];
	v53 =	vmul.f32 v38, v31;
	v7 =	vsel vm10, v21, v7;
	v32 =	vmul.f32 v63, v63  }
0x1aa: {  	v50 =	vld [tilespmem:s16+$0xC30];
	v16 =	vadd.f32 v39, v16;
	v19 =	vadd.f32 v37, v19;
	v43 =	vmul.f32 v55, v55  }
0x1ab: {  	(xrf2) =	vadd.scan.msk.f32 $0xffff, v14;
	v59 =	vld [tilespmem:s16+$0x8C30];
	v13 =	vadd.f32 v13, v15;
	v44 =	vmul.f32 v63, v55;
	v37 =	vmul.f32 v52, v52  }
0x1ac: {  	v62 =	vld [tilespmem:s16+$0xC40];
	v23 =	vadd.f32 v47, v32;
	v61 =	vmul.f32 v48, v48;
	v19 =	vadd.f32 v41, v19  }
0x1ad: {  	v39 =	vld [tilespmem:s16+$0x8C40];
	v13 =	vadd.f32 v22, v13;
	v60 =	vmul.f32 v42, v42;
	v34 =	vmul.f32 v48, v42  }
0x1ae: {  	(xrf2) =	vadd.scan.msk.f32 $0xffff, v8;
	v55 =	vld [tilespmem:s16+$0x8C20];
	v15 =	vadd.f32 v45, v43;
	v35 =	vmul.f32 v33, v33;
	v38 =	vmul.f32 v52, v33  }
0x1af: {  	v36 =	vld [tilespmem:s16+$0xC50];
	(xrf2) =	vadd.scan.msk.f32 $0xffff, v10;
	v20 =	vadd.f32 v24, v44;
	v41 =	vmul.f32 v46, v46;
	v45 =	vmul.f32 v50, v50  }
0x1b0: {  	(xrf2) =	vadd.scan.msk.f32 $0xffff, v17;
	v56 =	vadd.f32 v51, v23;
	v17 =	vadd.f32 v37, v61;
	v48 =	vmul.f32 v59, v59  }
0x1b1: {  	(xrf2) =	vadd.scan.msk.f32 $0xffff, v9;
	v42 =	vld [tilespmem:s16+$0x8C50];
	v52 =	vmul.f32 v62, v62;
	v15 =	vadd.f32 v49, v15;
	v8 =	vadd.f32 v53, v20  }
0x1b2: {  	(xrf2) =	vadd.scan.msk.f32 $0xffff, v18;
	v51 =	vld [tilespmem:s16+$0xC70];
	v40 =	vadd.f32 v35, v60;
	v49 =	vmul.f32 v59, v50;
	v53 =	vmul.f32 v39, v39  }
0x1b3: {  	(xrf2) =	vadd.scan.msk.f32 $0xffff, v12;
	v14 =	vadd.f32 v57, v56;
	v43 =	vmul.f32 v55, v55;
	v44 =	vmul.f32 v55, v46;
	v46 =	vld [tilespmem:s16+$0xC60]  }
0x1b4: {  	(xrf2) =	vadd.scan.msk.f32 $0xffff, v11;
	v50 =	vld [tilespmem:s16+$0x8C60];
	v55 =	vmul.f32 v36, v36;
	v63 =	vadd.f32 v54, v15;
	v8 =	vadd.f32 v58, v8  }
0x1b5: {  	(xrf2) =	vadd.scan.msk.f32 $0xffff, v16;
	v57, _, _ =	vpop (xrf2);
	v15 =	vadd.f32 v38, v34;
	v9 =	vadd.f32 v41, v40;
	v58 =	vmul.f32 v39, v62  }
0x1b6: {  	(xrf2) =	vadd.scan.msk.f32 $0xffff, v19;
	v54 =	vld [tilespmem:s16+$0x8C70];
	v35 =	vbroadcast v57, $0xF;
	v47 =	vadd.f32 v43, v17;
	v56 =	vmul.f32 v42, v42  }
0x1b7: {  	(xrf2) =	vadd.scan.msk.f32 $0xffff, v13;
	v59 =	vmul.f32 v42, v36;
	v61 =	vadd.f32 v55, v52;
	v12 =	vadd.f32 v44, v15  }
0x1b8: {  	v60, _, _ =	vpop (xrf2);
	v9 =	vadd.f32 v45, v9;
	(xrf2) =	vadd.scan.msk.f32 $0xffff, v63;
	v30 =	vmul.f32 v51, v51;
	v63 =	vmul.f32 v46, v46  }
0x1b9: {  	v25, _, _ =	vpop (xrf2);
	v11 =	vadd.f32 v48, v47;
	v62 =	vadd.f32 v56, v53;
	(xrf2) =	vadd.scan.msk.f32 $0xffff, v14;
	v27 =	vmul.f32 v50, v50  }
0x1ba: {  	v29, _, _ =	vpop (xrf2);
	v13 =	vadd.f32 v59, v58;
	v28 =	vmul.f32 v50, v46;
	(xrf2) =	vadd.scan.msk.f32 $0xffff, v8;
	v10 =	vadd.f32 v63, v61  }
0x1bb: {  	v31, _, _ =	vpop (xrf2);
	v8 =	vadd.f32 v49, v12;
	(xrf2) =	vadd.scan.msk.f32 $0xffff, v9;
	v32 =	vadd.f32 v27, v62;
	v33 =	vmul.f32 v54, v54  }
0x1bc: {  	s26 =	sor.u32 $0x5, s15;
	v34, _, _ =	vpop (xrf2);
	v36 =	vmul.f32 v54, v51;
	v13 =	vadd.f32 v28, v13;
	(xrf2) =	vadd.scan.msk.f32 $0xffff, v11;
	v10 =	vadd.f32 v30, v10  }
0x1bd: {  	v38 =	vbroadcast v60, $0xF;
	v52 =	vmov s26;
	v37, _, _ =	vpop (xrf2);
	(xrf2) =	vadd.scan.msk.f32 $0xffff, v8;
	v8 =	vadd.f32 v33, v32  }
0x1be: {  	s24 =	sor.u32 $0x3, s15;
	v39 =	vbroadcast v25, $0xF;
	v5 =	vsel vm10, v35, v5;
	v40, _, _ =	vpop (xrf2);
	v12 =	vadd.f32 v36, v13;
	(xrf2) =	vadd.scan.msk.f32 $0xffff, v10  }
0x1bf: {  	vm13 =	veq.s32 v52, v1;
	v41 =	vbroadcast v29, $0xF;
	v43, _, _ =	vpop (xrf2);
	(xrf2) =	vadd.scan.msk.f32 $0xffff, v8;
	v8 =	vmov s24  }
0x1c0: {  	s25 =	sor.u32 $0x4, s15;
	s28 =	sor.u32 $0x6, s15;
	v6 =	vsel vm10, v38, v6;
	v44, _, _ =	vpop (xrf2);
	(xrf2) =	vadd.scan.msk.f32 $0xffff, v12;
	vm11 =	veq.s32 v8, v1;
	v8 =	vbroadcast v34, $0xF  }
0x1c1: {  	v48 =	vmov s25;
	v58 =	vmov s28;
	v42 =	vbroadcast v31, $0xF;
	v45, _, _ =	vpop (xrf2)  }
0x1c2: {  	v7 =	vsel vm1, v39, v7;
	vm12 =	veq.s32 v48, v1;
	vm14 =	veq.s32 v58, v1;
	v47, _, _ =	vpop (xrf2)  }
0x1c3: {  	s30 =	sshllo.u32 s12, $0x3;
	v5 =	vsel vm1, v41, v5;
	v6 =	vsel vm1, v42, v6;
	v46 =	vbroadcast v37, $0xF;
	v49, _, _ =	vpop (xrf2)  }
0x1c4: {  	v63 =	vmov s30;
	v13 =	vbroadcast v40, $0xF;
	v7 =	vsel vm11, v8, v7;
	v8, _, _ =	vpop (xrf2)  }
0x1c5: {  	vm15 =	veq.s32 v63, v1;
	v9 =	vbroadcast v43, $0xF;
	v50 =	vbroadcast v44, $0xF;
	v51, _, _ =	vpop (xrf2)  }
0x1c6: {  	v11 =	vbroadcast v45, $0xF;
	v5 =	vsel vm11, v46, v5;
	v6 =	vsel vm11, v13, v6;
	v54, _, _ =	vpop (xrf2)  }
0x1c7: {  	v53 =	vbroadcast v47, $0xF;
	v5 =	vsel vm12, v50, v5;
	v8 =	vbroadcast v8, $0xF;
	v56, _, _ =	vpop (xrf2)  }
0x1c8: {  	p1 =	por p0, p0;
	v55 =	vbroadcast v49, $0xF;
	v6 =	vsel vm12, v11, v6;
	v7 =	vsel vm12, v9, v7;
	v57, _, _ =	vpop (xrf2)  }
.Ltmp1:
0x1c9: {  	v10 =	vbroadcast v51, $0xF;
	v6 =	vsel vm13, v8, v6;
	v8 =	vbroadcast v54, $0xF;
	v59, _, _ =	vpop (xrf2);
	(pc) =	sbr.rel @p1 .LBB2_5-.Ltmp1, $4  }
0x1ca: {  	v7 =	vsel vm13, v53, v7;
	v60 =	vbroadcast v56, $0xF;
	v61 =	vbroadcast v57, $0xF;
	v62, _, _ =	vpop (xrf2)  }
0x1cb: {  	v5 =	vsel vm13, v55, v5;
	v13 =	vbroadcast v59, $0xF;
	v11 =	vbroadcast v62, $0xF  }
0x1cc: {  	v7 =	vsel vm14, v10, v7;
	v5 =	vsel vm14, v8, v5;
	v6 =	vsel vm14, v60, v6  }
0x1cd: {  	s12 =	simm.s32 $0x1;
	p0 =	por $0x0, $0x0;
	v7 =	vsel vm15, v61, v7;
	v5 =	vsel vm15, v13, v5;
	v6 =	vsel vm15, v11, v6  }
0x1ce: {  	v8 =	vsub.f32 $1.000000000e+00, v7;
	v9 =	vsub.f32 $1.000000000e+00, v5;
	_ =	sdelay $0x1  }
0x1cf: {  	v8 =	vmul.f32 v9, v8;
	_ =	sdelay $0x1  }
0x1d0: {  	(erf) = vrcp.f32 v8;
	_ =	sdelay $0x3  }
0x1d1: {  	v5 =	vadd.f32 v5, v7;
	v6 =	vadd.f32 v6, v6;
	_ =	sdelay $0x1  }
0x1d2: {  	v5 =	vsub.f32 v5, v6;
	_ =	sdelay $0x1  }
0x1d3: {  	v5 =	vadd.f32 v5, v5  }
0x1d4: {  	v6 =	vpop (erf)  }
0x1d5: {  	v5 =	vmul.f32 v5, v6;
	_ =	sdelay $0x1  }
0x1d6: {  	v5 =	vmax.f32 v5, $9.999999740e-06  }
0x1d7: {  	v6 =	vadd.f32 $2.000000000e+00, v5;
	_ =	sdelay $0x1  }
0x1d8: {  	v6 =	vmul.f32 v6, v5;
	_ =	sdelay $0x1  }
0x1d9: {  	v6 =	vmin.f32 v6, $1.000000020e+30  }
0x1da: {  	v7 =	vshra.s32 v6, $0x1;
	v47 =	vmul.f32 $5.000000000e-01, v6  }
0x1db: {  	v7 =	vsub.s32 $0x5F3759DF, v7  }
0x1dc: {  	v48 =	vmul.f32 v7, v47;
	_ =	sdelay $0x1  }
0x1dd: {  	v9 =	vmul.f32 v7, v48;
	_ =	sdelay $0x1  }
0x1de: {  	v9 =	vsub.f32 $1.500000000e+00, v9;
	_ =	sdelay $0x1  }
0x1df: {  	v7 =	vmul.f32 v7, v9;
	_ =	sdelay $0x1  }
0x1e0: {  	v9 =	vmul.f32 v7, v47;
	_ =	sdelay $0x1  }
0x1e1: {  	v9 =	vmul.f32 v9, v7;
	_ =	sdelay $0x1  }
0x1e2: {  	v9 =	vsub.f32 $1.500000000e+00, v9;
	_ =	sdelay $0x1  }
0x1e3: {  	v7 =	vmul.f32 v9, v7;
	_ =	sdelay $0x1  }
0x1e4: {  	v8 =	vmul.f32 v7, v47;
	_ =	sdelay $0x1  }
0x1e5: {  	v8 =	vmul.f32 v8, v7;
	_ =	sdelay $0x1  }
0x1e6: {  	v8 =	vsub.f32 $1.500000000e+00, v8;
	_ =	sdelay $0x1  }
0x1e7: {  	v7 =	vmul.f32 v8, v7;
	_ =	sdelay $0x1  }
0x1e8: {  	v5 =	vadd.f32 $1.000000000e+00, v5;
	v6 =	vmul.f32 v7, v6;
	_ =	sdelay $0x1  }
0x1e9: {  	v5 =	vadd.f32 v6, v5;
	_ =	sdelay $0x1  }
0x1ea: {  	v6 =	vand.u32 $0x7FFFFF, v5  }
0x1eb: {  	v6 =	vor.u32 $0x3F800000, v6  }
0x1ec: {  	v7 =	vmul.f32 $5.000000000e-01, v6  }
0x1ed: {  	vm0 =	vgt.f32 v6, $1.414213540e+00  }
0x1ee: {  	v6 =	vsel vm0, v7, v6  }
0x1ef: {  	v6 =	vadd.f32 $-1.000000000e+00, v6;
	_ =	sdelay $0x1  }
0x1f0: {  	v7 =	vmul.f32 $7.037683580e-02, v6;
	_ =	sdelay $0x1  }
0x1f1: {  	v7 =	vadd.f32 $-1.151461010e-01, v7;
	_ =	sdelay $0x1  }
0x1f2: {  	v7 =	vmul.f32 v7, v6;
	_ =	sdelay $0x1  }
0x1f3: {  	v7 =	vadd.f32 $1.167699840e-01, v7;
	_ =	sdelay $0x1  }
0x1f4: {  	v7 =	vmul.f32 v7, v6;
	_ =	sdelay $0x1  }
0x1f5: {  	v7 =	vadd.f32 $-1.242014100e-01, v7;
	_ =	sdelay $0x1  }
0x1f6: {  	v7 =	vmul.f32 v7, v6;
	_ =	sdelay $0x1  }
0x1f7: {  	v7 =	vadd.f32 $1.424932330e-01, v7;
	_ =	sdelay $0x1  }
0x1f8: {  	v7 =	vmul.f32 v7, v6;
	_ =	sdelay $0x1  }
0x1f9: {  	v7 =	vadd.f32 $-1.666805740e-01, v7;
	_ =	sdelay $0x1  }
0x1fa: {  	v7 =	vmul.f32 v7, v6;
	_ =	sdelay $0x1  }
0x1fb: {  	v7 =	vadd.f32 $2.000071410e-01, v7;
	_ =	sdelay $0x1  }
0x1fc: {  	v7 =	vmul.f32 v7, v6;
	_ =	sdelay $0x1  }
0x1fd: {  	v7 =	vadd.f32 $-2.499999400e-01, v7  }
0x1fe: {  	v5 =	vshra.s32 v5, $0x17;
	v49 =	vsel vm0, $0x1, v2  }
0x1ff: {  	v5 =	vadd.s32 v49, v5;
	v50 =	vmul.f32 v6, v6;
	v7 =	vmul.f32 v7, v6  }
0x200: {  	v5 =	vadd.s32 $0xFFFFFF81, v5  }
0x201: {  	v5 =	vcvt.s32.f32 v5;
	v51 =	vmul.f32 v50, v6;
	v7 =	vadd.f32 $3.333333130e-01, v7;
	_ =	sdelay $0x1  }
0x202: {  	s1 =	sshll.u32 s2, $0x4;
	v52 =	vmul.f32 $2.121944420e-04, v5;
	v7 =	vmul.f32 v7, v51  }
0x203: {  	v10 =	vld [tilespmem:s1+$0x800]  }
0x204: {  	v8 =	vmul.f32 $5.000000000e-01, v50;
	v7 =	vsub.f32 v7, v52  }
0x205: {  	v53 =	vld [tilespmem:s1+$0x600]  }
0x206: {  	v7 =	vsub.f32 v7, v8;
	_ =	sdelay $0x1  }
0x207: {  	v5 =	vmul.f32 $6.933593750e-01, v5;
	v6 =	vadd.f32 v7, v6;
	v7 =	vadd.f32 v10, v3;
	_ =	sdelay $0x1  }
0x208: {  	v5 =	vadd.f32 v6, v5;
	v6 =	vadd.f32 v7, v53;
	_ =	sdelay $0x1  }
0x209: {  	v5 =	vadd.f32 v6, v5;
	_ =	sdelay $0x1  }
0x20a: {  	v5 =	vmax.f32 v5, $1.000000010e-07  }
0x20b: {  	v5 =	vmin.f32 v5, $9.999998800e-01  }
0x20c: {  	v7 =	vsub.f32 $1.000000000e+00, v5  }
0x20d: {  	v6 =	vand.u32 $0x7FFFFF, v5  }
0x20e: {  	v6 =	vor.u32 $0x3F800000, v6;
	v55 =	vand.u32 $0x7FFFFF, v7  }
0x20f: {  	v54 =	vmul.f32 $5.000000000e-01, v6;
	v9 =	vor.u32 $0x3F800000, v55  }
0x210: {  	vm1 =	vgt.f32 v6, $1.414213540e+00;
	v56 =	vmul.f32 $5.000000000e-01, v9  }
0x211: {  	v6 =	vsel vm1, v54, v6;
	vm15 =	vgt.f32 v9, $1.414213540e+00  }
0x212: {  	v6 =	vadd.f32 $-1.000000000e+00, v6;
	v8 =	vsel vm15, v56, v9  }
0x213: {  	v8 =	vadd.f32 $-1.000000000e+00, v8  }
0x214: {  	v57 =	vmul.f32 $7.037683580e-02, v6  }
0x215: {  	v58 =	vmul.f32 $7.037683580e-02, v8  }
0x216: {  	v9 =	vadd.f32 $-1.151461010e-01, v57  }
0x217: {  	v10 =	vadd.f32 $-1.151461010e-01, v58  }
0x218: {  	v9 =	vmul.f32 v9, v6  }
0x219: {  	v10 =	vmul.f32 v10, v8  }
0x21a: {  	v9 =	vadd.f32 $1.167699840e-01, v9  }
0x21b: {  	v10 =	vadd.f32 $1.167699840e-01, v10  }
0x21c: {  	v9 =	vmul.f32 v9, v6  }
0x21d: {  	v10 =	vmul.f32 v10, v8  }
0x21e: {  	v9 =	vadd.f32 $-1.242014100e-01, v9  }
0x21f: {  	v10 =	vadd.f32 $-1.242014100e-01, v10  }
0x220: {  	v9 =	vmul.f32 v9, v6  }
0x221: {  	v10 =	vmul.f32 v10, v8  }
0x222: {  	v9 =	vadd.f32 $1.424932330e-01, v9  }
0x223: {  	v10 =	vadd.f32 $1.424932330e-01, v10  }
0x224: {  	v9 =	vmul.f32 v9, v6  }
0x225: {  	v10 =	vmul.f32 v10, v8  }
0x226: {  	v9 =	vadd.f32 $-1.666805740e-01, v9  }
0x227: {  	v10 =	vadd.f32 $-1.666805740e-01, v10  }
0x228: {  	v9 =	vmul.f32 v9, v6  }
0x229: {  	v10 =	vmul.f32 v10, v8  }
0x22a: {  	v9 =	vadd.f32 $2.000071410e-01, v9  }
0x22b: {  	v10 =	vadd.f32 $2.000071410e-01, v10  }
0x22c: {  	v5 =	vshra.s32 v5, $0x17;
	v11 =	vsel vm1, $0x1, v2;
	v9 =	vmul.f32 v9, v6  }
0x22d: {  	v5 =	vadd.s32 v11, v5;
	v10 =	vmul.f32 v10, v8  }
0x22e: {  	v5 =	vadd.s32 $0xFFFFFF81, v5;
	v9 =	vadd.f32 $-2.499999400e-01, v9  }
0x22f: {  	v7 =	vshra.s32 v7, $0x17;
	v5 =	vcvt.s32.f32 v5;
	v10 =	vadd.f32 $-2.499999400e-01, v10  }
0x230: {  	v12 =	vsel vm15, $0x1, v2;
	v59 =	vmul.f32 v6, v6;
	v9 =	vmul.f32 v9, v6  }
0x231: {  	v7 =	vadd.s32 v12, v7;
	v60 =	vmul.f32 v8, v8;
	v10 =	vmul.f32 v10, v8  }
0x232: {  	v7 =	vadd.s32 $0xFFFFFF81, v7;
	v13 =	vmul.f32 v59, v6;
	v9 =	vadd.f32 $3.333333130e-01, v9  }
0x233: {  	v7 =	vcvt.s32.f32 v7;
	v14 =	vmul.f32 v60, v8;
	v10 =	vadd.f32 $3.333333130e-01, v10  }
0x234: {  	v61 =	vmul.f32 $2.121944420e-04, v5;
	v9 =	vmul.f32 v9, v13  }
0x235: {  	v62 =	vmul.f32 $2.121944420e-04, v7;
	v10 =	vmul.f32 v10, v14  }
0x236: {  	v11 =	vmul.f32 $5.000000000e-01, v59;
	v9 =	vsub.f32 v9, v61  }
0x237: {  	v12 =	vmul.f32 $5.000000000e-01, v60;
	v10 =	vsub.f32 v10, v62  }
0x238: {  	v63 =	vld [tilespmem:s1+$0x400];
	v9 =	vsub.f32 v9, v11  }
0x239: {  	v10 =	vsub.f32 v10, v12  }
0x23a: {  	v5 =	vmul.f32 $6.933593750e-01, v5;
	v6 =	vadd.f32 v9, v6  }
0x23b: {  	v7 =	vmul.f32 $6.933593750e-01, v7;
	v8 =	vadd.f32 v10, v8  }
0x23c: {  	v5 =	vadd.f32 v6, v5  }
0x23d: {  	s2 =	sadd.s32 $0x1, s2;
	v6 =	vsub.f32 $1.000000000e+00, v63;
	v7 =	vadd.f32 v8, v7  }
0x23e: {  	p0 =	sne.s32 s2, $0x20  }
.Ltmp2:
0x23f: {  	v5 =	vmul.f32 v5, v63;
	v6 =	vmul.f32 v7, v6;
	(pc) =	sbr.rel @p0 .LBB2_4-.Ltmp2, $3  }
0x240: {  	_ = 	snop  }
0x241: {  	v5 =	vadd.f32 v6, v5;
	_ =	sdelay $0x1  }
0x242: {  	v4 =	vadd.f32 v5, v4  }
0x243: {  	_ = 	snop  }
0x244: {  	s1 =	rddreg [dreg:$0xa];
	s2 =	simm.s32 $0x10A80;
	[tilespmem:$0x10A80] =	vst v4  }
0x245: {  	[hbm4b:s1+s4] =	stream.linear.scatter [tilespmem:s2], [sflag:$0x3], $0x80, $0x38;
	[tilespmem:$0x10B00] =	vst v63  }
0x246: {  	_ =	swait.ge [sflag:s31], $0x80  }
0x247: {  	s0 =	sadd.s32 $0x1, s0;
	s30 =	rddreg [dreg:$0xb]  }
0x248: {  	p0 =	sne.s32 s0, s30  }
.Ltmp3:
0x249: {  	_ = 	snop;
	(pc) =	sbr.rel @p0 .LBB2_1-.Ltmp3, $3  }
0x24a: {  	_ =	sdelay $0x1  }
0x24b: {  	[sflag:s31] =	ssyncset.done $0x0  }
0x24c: {  	[sflag:s31] =	ssyncadd.s32 $0xFFFFFF80  }
0x24d: {  	_ =	sfence.sel $0x180000  }
0x24e: {  	[bflag:$0x0] =	sbarrier.arrive $0xFFFF  }
0x24f: {  	_ =	strace $0x90000047  }
0x250: {  	s0 =	stileid.u32;
	[bflag:$0x2] =	sbarrier.arrive $0xFFFF  }
0x251: {  	p0 =	sne.s32 s0, $0x0;
	s0 =	rddreg [dreg:$0x6]  }
0x252: {  	s0 =	sadd.s32 @!p0 $0x100000, s0  }
0x253: {  	[sflag:s0] =	ssyncadd.tile.s32 @!p0 $0x1;
	_ =	shalt  }
.Lfunc_end2:
_tile_overlayer_lowered:
.L_overlay_start_2:
0x254: {  	(tag) =	ssettag $0x2  }
0x255: {  	s0 =	rddreg [dreg:$0x0];
	s2 =	stileid.u32  }
0x256: {  	s1 =	rddreg [dreg:$0x1];
	p0 =	sne.s32 s2, $0x0  }
0x257: {  	s3 =	rddreg [dreg:$0x2];
	[bflag:$0x3] =	sbarrier.arrive $0xFFFF;
	s2 =	simm.s32 @!p0 $0x1C03  }
0x258: {  	[timem:s3], [sflag:s2] =	dma.local @!p0 [hbm:s0], s1  }
0x259: {  	s0 =	simm.s32 @!p0 $0x3  }
0x25a: {  	_ =	swait.ge @!p0 [sflag:s0], s1  }
0x25b: {  	s1 =	ssub.s32 @!p0 $0x0, s1;
	[sflag:s0] =	ssyncset.done @!p0 $0x0  }
0x25c: {  	[sflag:s0] =	ssyncadd.s32 @!p0 s1  }
0x25d: {  	[bflag:$0x3] =	sbarrier.arrive $0xFFFF  }
0x25e: {  	_ =	shalt  }

</sc_bundles>
